<compile_context>
chip_gen: v7x
topology: tpu7x:2x2x1
jax: 0.10.2.dev20260603
libtpu: 0.0.44.dev20260713+nightly
codegen_flags: <defaults>
</compile_context>

<pallas_src>
import jax
import jax.numpy as jnp
from jax import lax
from jax.experimental import pallas as pl
from jax.experimental.pallas import tpu as pltpu
from jax.experimental.pallas import tpu_sc as plsc

N = 1024 * 200
D = 128
L = 16
NC, NS = 2, 16
NW = NC * NS
PER_W = N // NW
CHUNK = 128
NCH = PER_W // CHUNK
NPAIR = NCH // 2
DC = D // L


def _rsqrt(v):
    i = lax.bitcast_convert_type(v, jnp.int32)
    y = lax.bitcast_convert_type(jnp.int32(0x5F3759DF) - (i >> 1), jnp.float32)
    h = 0.5 * v
    for _ in range(2):
        y = y * (1.5 - h * y * y)
    return y


def _body(ids, tids, dids, wq, wc, g, b, out,
          idb, cib, ddb, xb, sb, wcv, gv, bv, mvb, ivb,
          sem_g0, sem_g1, sem_s0, sem_s1, sem_o0, sem_o1):
    wid = lax.axis_index("s") * NC + lax.axis_index("c")
    base = wid * PER_W
    sems_g = (sem_g0, sem_g1)
    sems_s = (sem_s0, sem_s1)
    sems_o = (sem_o0, sem_o1)

    pltpu.sync_copy(g, gv)
    pltpu.sync_copy(b, bv)

    @pl.when(lax.axis_index("s") == 0)
    def _():
        pltpu.sync_copy(wc, wcv)
    plsc.subcore_barrier()

    pltpu.sync_copy(ids.at[pl.ds(base, PER_W)], idb)
    pltpu.sync_copy(tids.at[pl.ds(base, PER_W)], cib)
    pltpu.sync_copy(dids.at[pl.ds(base, PER_W)], ddb)

    @plsc.parallel_loop(0, PER_W // L, 1, unroll=8)
    def _ci(i):
        s = pl.ds(i * L, L)
        cib[s] = cib[s] * 16 + ddb[s]

    def issue_gathers(c, k):
        pltpu.async_copy(wq.at[idb.at[pl.ds(c * CHUNK, CHUNK)]],
                         xb.at[k], sems_g[k])
        pltpu.async_copy(wcv.at[cib.at[pl.ds(c * CHUNK, CHUNK)]],
                         sb.at[k], sems_s[k])

    def wait_gathers(k):
        pltpu.make_async_copy(wq.at[idb.at[pl.ds(0, CHUNK)]],
                              xb.at[k], sems_g[k]).wait()
        pltpu.make_async_copy(wcv.at[cib.at[pl.ds(0, CHUNK)]],
                              sb.at[k], sems_s[k]).wait()

    def wait_out(k):
        pltpu.make_async_copy(xb.at[k], out.at[pl.ds(base, CHUNK), :],
                              sems_o[k]).wait()

    issue_gathers(0, 0)

    gvs = [gv[pl.ds(j * L, L)] for j in range(DC)]
    bvs = [bv[pl.ds(j * L, L)] for j in range(DC)]

    def compute_chunk(k):
        @plsc.parallel_loop(0, CHUNK, 1, unroll=4)
        def _stats(t):
            x0 = xb[k, t, pl.ds(0, L)] + sb[k, t, pl.ds(0, L)]
            xb[k, t, pl.ds(0, L)] = x0
            acc1 = x0
            acc2 = x0 * x0
            for j in range(1, DC):
                x = xb[k, t, pl.ds(j * L, L)] + sb[k, t, pl.ds(j * L, L)]
                xb[k, t, pl.ds(j * L, L)] = x
                acc1 = acc1 + x
                acc2 = acc2 + x * x
            mu = jnp.full((L,), jnp.sum(acc1)) * (1.0 / D)
            es2 = jnp.full((L,), jnp.sum(acc2)) * (1.0 / D)
            mvb[pl.ds(t * L, L)] = mu
            ivb[pl.ds(t * L, L)] = _rsqrt(es2 - mu * mu + 1e-12)

        @plsc.parallel_loop(0, CHUNK, 1, unroll=4)
        def _norm(t):
            mu = mvb[pl.ds(t * L, L)]
            inv = ivb[pl.ds(t * L, L)]
            for j in range(DC):
                o = (xb[k, t, pl.ds(j * L, L)] - mu) * inv * gvs[j] + bvs[j]
                xb[k, t, pl.ds(j * L, L)] = o

    def pair_body(m, _):
        for k in (0, 1):
            c = 2 * m + k
            k2 = 1 - k
            if k == 0:
                @pl.when(m >= 1)
                def _():
                    wait_out(k2)
                issue_gathers(c + 1, k2)
            else:
                wait_out(k2)

                @pl.when(m < NPAIR - 1)
                def _():
                    issue_gathers(c + 1, k2)
            wait_gathers(k)
            compute_chunk(k)
            pltpu.async_copy(xb.at[k],
                             out.at[pl.ds(base + c * CHUNK, CHUNK), :],
                             sems_o[k])
        return 0

    lax.fori_loop(0, NPAIR, pair_body, 0)
    wait_out(1)


@jax.jit
def _sc_text_emb(ids, tids, dids, wq, wc, g, b):
    mesh = plsc.VectorSubcoreMesh(core_axis_name="c", subcore_axis_name="s")
    fn = pl.kernel(
        _body,
        out_type=jax.ShapeDtypeStruct((N, D), jnp.float32),
        mesh=mesh,
        compiler_params=pltpu.CompilerParams(needs_layout_passes=False),
        scratch_types=[
            pltpu.VMEM((PER_W,), jnp.int32),
            pltpu.VMEM((PER_W,), jnp.int32),
            pltpu.VMEM((PER_W,), jnp.int32),
            pltpu.VMEM((2, CHUNK, D), jnp.float32),
            pltpu.VMEM((2, CHUNK, D), jnp.float32),
            pltpu.VMEM_SHARED((112, D), jnp.float32),
            pltpu.VMEM((D,), jnp.float32),
            pltpu.VMEM((D,), jnp.float32),
            pltpu.VMEM((CHUNK * L,), jnp.float32),
            pltpu.VMEM((CHUNK * L,), jnp.float32),
            pltpu.SemaphoreType.DMA,
            pltpu.SemaphoreType.DMA,
            pltpu.SemaphoreType.DMA,
            pltpu.SemaphoreType.DMA,
            pltpu.SemaphoreType.DMA,
            pltpu.SemaphoreType.DMA,
        ],
    )
    return fn(ids, tids, dids, wq, wc, g, b)


def kernel(input_ids, type_ids, dpe_ids, W_input, W_type, W_dpe, pe,
           ln_gamma, ln_beta):
    B, S = input_ids.shape
    d = W_input.shape[1]
    ids = input_ids.reshape(-1).astype(jnp.int32)
    tid = type_ids.reshape(-1).astype(jnp.int32)
    did = dpe_ids.reshape(-1).astype(jnp.int32)
    wc = (W_type[:, None, :] + W_dpe[None, :, :]).reshape(-1, d) + pe[0, 0][None, :]
    out = _sc_text_emb(ids, tid, did, W_input, wc, ln_gamma, ln_beta)
    return out.reshape(B * S, 1, d)

# --- scband reference (transcript-rebuilt; emitter-appended) ---
"""Pipeline reference for scband-text-emb-24713241821770 (READ-ONLY COPY).

The authoritative reference and input builder live on the scoring server;
editing this copy changes nothing except your own understanding.
"""

import jax, jax.numpy as jnp
import numpy as np
import math


def _make_pe(d_model, max_len):
    position = np.arange(max_len)[:, None].astype(np.float32)
    div_term = np.exp(np.arange(0, d_model, 2).astype(np.float32) * (-math.log(10000.0) / d_model))
    pe = np.zeros((1, max_len, d_model), dtype=np.float32)
    pe[0, :, 0::2] = np.sin(position * div_term)
    pe[0, :, 1::2] = np.cos(position * div_term)
    return jnp.asarray(pe)


def setup_inputs(seed: int = 0):
    key = jax.random.key(seed)
    ks = jax.random.split(key, 8)
    B, S, D = 1024, 200, 128
    input_ids = jax.random.randint(ks[0], (B, S), 0, 28996, dtype=jnp.int64 if jax.config.jax_enable_x64 else jnp.int32)
    type_ids = jax.random.randint(ks[1], (B, S), 0, 7, dtype=input_ids.dtype)
    dpe_ids = jax.random.randint(ks[2], (B, S), 0, 16, dtype=input_ids.dtype)
    W_input = jax.random.normal(ks[3], (28996, D), dtype=jnp.float32) * 0.02
    W_input = W_input.at[0].set(0.0)  # padding_idx=0
    W_type = jax.random.normal(ks[4], (7, D), dtype=jnp.float32) * 0.02
    W_type = W_type.at[0].set(0.0)  # padding_idx=0
    W_dpe = jax.random.normal(ks[5], (16, D), dtype=jnp.float32) * 0.02
    pe = _make_pe(D, 512)
    ln_gamma = jnp.ones((D,), dtype=jnp.float32)
    ln_beta = jnp.zeros((D,), dtype=jnp.float32)
    return {"input_ids": input_ids, "type_ids": type_ids, "dpe_ids": dpe_ids,
            "W_input": W_input, "W_type": W_type, "W_dpe": W_dpe,
            "pe": pe, "ln_gamma": ln_gamma, "ln_beta": ln_beta}


def reference(input_ids, type_ids, dpe_ids, W_input, W_type, W_dpe, pe, ln_gamma, ln_beta):
    B, S = input_ids.shape
    D = W_input.shape[1]
    x = jnp.take(W_input, input_ids, axis=0)
    x = x + jnp.take(W_type, type_ids, axis=0)
    x = x + jnp.take(W_dpe, dpe_ids, axis=0)
    x = x.reshape(B * S, 1, D)
    # PositionalEncoding (dropout = identity in eval): x + pe[:, :x.size(1)]
    x = x + pe[:, :1]
    # LayerNorm eps=1e-12
    mu = jnp.mean(x, axis=-1, keepdims=True)
    var = jnp.mean((x - mu) ** 2, axis=-1, keepdims=True)
    x = (x - mu) / jnp.sqrt(var + 1e-12)
    return x * ln_gamma + ln_beta

if __name__ == "__main__":
    import jax
    _d = setup_inputs()
    print(jax.jit(kernel)(*tuple(_d.values())))

</pallas_src>

<mosaic_0001>
#map = affine_map<(d0, d1) -> (0)>
#map1 = affine_map<(d0, d1) -> (0, 0)>
module attributes {stable_mosaic.version = 14 : i64} {
  func.func @_body(%arg0: i32, %arg1: i32, %arg2: memref<204800xi32, #tpu.memory_space<hbm>>, %arg3: memref<204800xi32, #tpu.memory_space<hbm>>, %arg4: memref<204800xi32, #tpu.memory_space<hbm>>, %arg5: memref<28996x128xf32, #tpu.memory_space<hbm>>, %arg6: memref<112x128xf32, #tpu.memory_space<hbm>>, %arg7: memref<128xf32, #tpu.memory_space<hbm>>, %arg8: memref<128xf32, #tpu.memory_space<hbm>>, %arg9: memref<204800x128xf32, #tpu.memory_space<hbm>>, %arg10: memref<6400xi32, #tpu.memory_space<vmem>>, %arg11: memref<6400xi32, #tpu.memory_space<vmem>>, %arg12: memref<6400xi32, #tpu.memory_space<vmem>>, %arg13: memref<2x128x128xf32, #tpu.memory_space<vmem>>, %arg14: memref<2x128x128xf32, #tpu.memory_space<vmem>>, %arg15: memref<112x128xf32, #tpu.memory_space<vmem_shared>>, %arg16: memref<128xf32, #tpu.memory_space<vmem>>, %arg17: memref<128xf32, #tpu.memory_space<vmem>>, %arg18: memref<2048xf32, #tpu.memory_space<vmem>>, %arg19: memref<2048xf32, #tpu.memory_space<vmem>>, %arg20: memref<!tpu.dma_semaphore, #tpu.memory_space<semaphore_mem>>, %arg21: memref<!tpu.dma_semaphore, #tpu.memory_space<semaphore_mem>>, %arg22: memref<!tpu.dma_semaphore, #tpu.memory_space<semaphore_mem>>, %arg23: memref<!tpu.dma_semaphore, #tpu.memory_space<semaphore_mem>>, %arg24: memref<!tpu.dma_semaphore, #tpu.memory_space<semaphore_mem>>, %arg25: memref<!tpu.dma_semaphore, #tpu.memory_space<semaphore_mem>>) attributes {dimension_semantics = [#tpu.dimension_semantics<core_parallel>, #tpu.dimension_semantics<subcore_parallel>], iteration_bounds = array<i64: 2, 16>, scalar_prefetch = 0 : i64, scratch_operands = 16 : i64, tpu.core_type = #tpu.core_type<sc_vector_subcore>, window_params = [{transform_indices = #map}, {transform_indices = #map}, {transform_indices = #map}, {transform_indices = #map1}, {transform_indices = #map1}, {transform_indices = #map}, {transform_indices = #map}, {transform_indices = #map1}]} {
    %mul3A = arith.constant 2 : i32
    %mul3A_0 = arith.muli %arg1, %mul3A : i32
    %add3A = arith.addi %mul3A_0, %arg0 : i32
    %mul3A_1 = arith.constant 6400 : i32
    %mul3A_2 = arith.muli %add3A, %mul3A_1 : i32
    "tpu.region"() ({
      %run_scoped3A = tpu.sem_alloc : memref<!tpu.dma_semaphore, #tpu.memory_space<semaphore_mem>>
      tpu.enqueue_dma source(%arg7 : memref<128xf32, #tpu.memory_space<hbm>>) target(%arg16 : memref<128xf32, #tpu.memory_space<vmem>>) target_semaphore(%run_scoped3A : memref<!tpu.dma_semaphore, #tpu.memory_space<semaphore_mem>>)
      tpu.wait_dma2 semaphore(%run_scoped3A : memref<!tpu.dma_semaphore, #tpu.memory_space<semaphore_mem>>) src(%arg7 : memref<128xf32, #tpu.memory_space<hbm>>) dst(%arg16 : memref<128xf32, #tpu.memory_space<vmem>>)
      tpu.yield
    }) : () -> ()
    "tpu.region"() ({
      %run_scoped3A = tpu.sem_alloc : memref<!tpu.dma_semaphore, #tpu.memory_space<semaphore_mem>>
      tpu.enqueue_dma source(%arg8 : memref<128xf32, #tpu.memory_space<hbm>>) target(%arg17 : memref<128xf32, #tpu.memory_space<vmem>>) target_semaphore(%run_scoped3A : memref<!tpu.dma_semaphore, #tpu.memory_space<semaphore_mem>>)
      tpu.wait_dma2 semaphore(%run_scoped3A : memref<!tpu.dma_semaphore, #tpu.memory_space<semaphore_mem>>) src(%arg8 : memref<128xf32, #tpu.memory_space<hbm>>) dst(%arg17 : memref<128xf32, #tpu.memory_space<vmem>>)
      tpu.yield
    }) : () -> ()
    %eq3A = arith.constant 0 : i32
    %eq3A_3 = arith.cmpi eq, %arg1, %eq3A : i32
    %convert_element_type3A = arith.extui %eq3A_3 : i1 to i32
    %cond3A = arith.constant 0 : i32
    %cond3A_4 = arith.cmpi ne, %convert_element_type3A, %cond3A : i32
    scf.if %cond3A_4 {
      "tpu.region"() ({
        %run_scoped3A = tpu.sem_alloc : memref<!tpu.dma_semaphore, #tpu.memory_space<semaphore_mem>>
        tpu.enqueue_dma source(%arg6 : memref<112x128xf32, #tpu.memory_space<hbm>>) target(%arg15 : memref<112x128xf32, #tpu.memory_space<vmem_shared>>) target_semaphore(%run_scoped3A : memref<!tpu.dma_semaphore, #tpu.memory_space<semaphore_mem>>)
        tpu.wait_dma2 semaphore(%run_scoped3A : memref<!tpu.dma_semaphore, #tpu.memory_space<semaphore_mem>>) src(%arg6 : memref<112x128xf32, #tpu.memory_space<hbm>>) dst(%arg15 : memref<112x128xf32, #tpu.memory_space<vmem_shared>>)
        tpu.yield
      }) : () -> ()
    } else {
    }
    %barrier3A = arith.constant 0 : index
    tpu.barrier barrier_id(%barrier3A)
    "tpu.region"() ({
      %run_scoped3A = tpu.sem_alloc : memref<!tpu.dma_semaphore, #tpu.memory_space<semaphore_mem>>
      %dma_start3A_75 = tpu.memref_slice %arg2[%mul3A_2] : memref<204800xi32, #tpu.memory_space<hbm>> -> memref<6400xi32, #tpu.memory_space<hbm>>
      %dma_start3A_76 = tpu.memref_slice %arg2[%mul3A_2] : memref<204800xi32, #tpu.memory_space<hbm>> -> memref<6400xi32, #tpu.memory_space<hbm>>
      tpu.enqueue_dma source(%dma_start3A_76 : memref<6400xi32, #tpu.memory_space<hbm>>) target(%arg10 : memref<6400xi32, #tpu.memory_space<vmem>>) target_semaphore(%run_scoped3A : memref<!tpu.dma_semaphore, #tpu.memory_space<semaphore_mem>>)
      %dma_wait3A_77 = tpu.memref_slice %arg2[%mul3A_2] : memref<204800xi32, #tpu.memory_space<hbm>> -> memref<6400xi32, #tpu.memory_space<hbm>>
      %dma_wait3A_78 = tpu.memref_slice %arg2[%mul3A_2] : memref<204800xi32, #tpu.memory_space<hbm>> -> memref<6400xi32, #tpu.memory_space<hbm>>
      tpu.wait_dma2 semaphore(%run_scoped3A : memref<!tpu.dma_semaphore, #tpu.memory_space<semaphore_mem>>) src(%dma_wait3A_78 : memref<6400xi32, #tpu.memory_space<hbm>>) dst(%arg10 : memref<6400xi32, #tpu.memory_space<vmem>>)
      tpu.yield
    }) : () -> ()
    "tpu.region"() ({
      %run_scoped3A = tpu.sem_alloc : memref<!tpu.dma_semaphore, #tpu.memory_space<semaphore_mem>>
      %dma_start3A_75 = tpu.memref_slice %arg3[%mul3A_2] : memref<204800xi32, #tpu.memory_space<hbm>> -> memref<6400xi32, #tpu.memory_space<hbm>>
      %dma_start3A_76 = tpu.memref_slice %arg3[%mul3A_2] : memref<204800xi32, #tpu.memory_space<hbm>> -> memref<6400xi32, #tpu.memory_space<hbm>>
      tpu.enqueue_dma source(%dma_start3A_76 : memref<6400xi32, #tpu.memory_space<hbm>>) target(%arg11 : memref<6400xi32, #tpu.memory_space<vmem>>) target_semaphore(%run_scoped3A : memref<!tpu.dma_semaphore, #tpu.memory_space<semaphore_mem>>)
      %dma_wait3A_77 = tpu.memref_slice %arg3[%mul3A_2] : memref<204800xi32, #tpu.memory_space<hbm>> -> memref<6400xi32, #tpu.memory_space<hbm>>
      %dma_wait3A_78 = tpu.memref_slice %arg3[%mul3A_2] : memref<204800xi32, #tpu.memory_space<hbm>> -> memref<6400xi32, #tpu.memory_space<hbm>>
      tpu.wait_dma2 semaphore(%run_scoped3A : memref<!tpu.dma_semaphore, #tpu.memory_space<semaphore_mem>>) src(%dma_wait3A_78 : memref<6400xi32, #tpu.memory_space<hbm>>) dst(%arg11 : memref<6400xi32, #tpu.memory_space<vmem>>)
      tpu.yield
    }) : () -> ()
    "tpu.region"() ({
      %run_scoped3A = tpu.sem_alloc : memref<!tpu.dma_semaphore, #tpu.memory_space<semaphore_mem>>
      %dma_start3A_75 = tpu.memref_slice %arg4[%mul3A_2] : memref<204800xi32, #tpu.memory_space<hbm>> -> memref<6400xi32, #tpu.memory_space<hbm>>
      %dma_start3A_76 = tpu.memref_slice %arg4[%mul3A_2] : memref<204800xi32, #tpu.memory_space<hbm>> -> memref<6400xi32, #tpu.memory_space<hbm>>
      tpu.enqueue_dma source(%dma_start3A_76 : memref<6400xi32, #tpu.memory_space<hbm>>) target(%arg12 : memref<6400xi32, #tpu.memory_space<vmem>>) target_semaphore(%run_scoped3A : memref<!tpu.dma_semaphore, #tpu.memory_space<semaphore_mem>>)
      %dma_wait3A_77 = tpu.memref_slice %arg4[%mul3A_2] : memref<204800xi32, #tpu.memory_space<hbm>> -> memref<6400xi32, #tpu.memory_space<hbm>>
      %dma_wait3A_78 = tpu.memref_slice %arg4[%mul3A_2] : memref<204800xi32, #tpu.memory_space<hbm>> -> memref<6400xi32, #tpu.memory_space<hbm>>
      tpu.wait_dma2 semaphore(%run_scoped3A : memref<!tpu.dma_semaphore, #tpu.memory_space<semaphore_mem>>) src(%dma_wait3A_78 : memref<6400xi32, #tpu.memory_space<hbm>>) dst(%arg12 : memref<6400xi32, #tpu.memory_space<vmem>>)
      tpu.yield
    }) : () -> ()
    %parallel_loop3A = arith.constant 0 : i32
    %parallel_loop3A_5 = arith.constant 400 : i32
    %parallel_loop3A_6 = arith.constant 1 : i32
    scf.for %parallel_loop3A_75 = %parallel_loop3A to %parallel_loop3A_5 step %parallel_loop3A_6  : i32 {
      %parallel_loop3A_76 = arith.constant 16 : i32
      %parallel_loop3A_77 = arith.muli %parallel_loop3A_75, %parallel_loop3A_76 : i32
      %parallel_loop3A_78 = arith.index_cast %parallel_loop3A_77 : i32 to index
      %parallel_loop3A_79 = tpu.vector_load %arg11[%parallel_loop3A_78] {strides = array<i32>} : memref<6400xi32, #tpu.memory_space<vmem>>, vector<16xi32>,
      %parallel_loop3A_80 = arith.constant 16 : i32
      %parallel_loop3A_81 = vector.broadcast %parallel_loop3A_80 : i32 to vector<16xi32>
      %parallel_loop3A_82 = arith.muli %parallel_loop3A_79, %parallel_loop3A_81 : vector<16xi32>
      %parallel_loop3A_83 = arith.index_cast %parallel_loop3A_77 : i32 to index
      %parallel_loop3A_84 = tpu.vector_load %arg12[%parallel_loop3A_83] {strides = array<i32>} : memref<6400xi32, #tpu.memory_space<vmem>>, vector<16xi32>,
      %parallel_loop3A_85 = arith.addi %parallel_loop3A_82, %parallel_loop3A_84 : vector<16xi32>
      %parallel_loop3A_86 = arith.index_cast %parallel_loop3A_77 : i32 to index
      %parallel_loop3A_87 = tpu.vector_load %arg11[%parallel_loop3A_86] {strides = array<i32>} : memref<6400xi32, #tpu.memory_space<vmem>>, vector<16xi32>,
      tpu.vector_store %arg11[%parallel_loop3A_86], %parallel_loop3A_85 {strides = array<i32>} : memref<6400xi32, #tpu.memory_space<vmem>>, vector<16xi32>,
    } {sc.loop_unroll_factor = 8 : i64, sc.parallel_access}
    %dma_start3A = arith.constant 0 : i32
    %dma_start3A_7 = arith.constant 0 : i32
    %dma_start3A_8 = arith.constant 0 : i32
    %dma_start3A_9 = tpu.memref_slice %arg13[%dma_start3A, %dma_start3A_7, %dma_start3A_8] : memref<2x128x128xf32, #tpu.memory_space<vmem>> -> memref<1x128x128xf32, #tpu.memory_space<vmem>>
    %dma_start3A_10 = tpu.memref_squeeze %dma_start3A_9 : memref<1x128x128xf32, #tpu.memory_space<vmem>> -> memref<128x128xf32, #tpu.memory_space<vmem>>
    %dma_start3A_11 = arith.constant 0 : i32
    %dma_start3A_12 = tpu.memref_slice %arg10[%dma_start3A_11] : memref<6400xi32, #tpu.memory_space<vmem>> -> memref<128xi32, #tpu.memory_space<vmem>>
    %dma_start3A_13 = arith.constant 0 : i32
    %dma_start3A_14 = arith.constant 0 : i32
    %dma_start3A_15 = tpu.memref_slice %arg5[%dma_start3A_13, %dma_start3A_14] : memref<28996x128xf32, #tpu.memory_space<hbm>> -> memref<28996x128xf32, #tpu.memory_space<hbm>>
    tpu.enqueue_indirect_dma source(%dma_start3A_15 : memref<28996x128xf32, #tpu.memory_space<hbm>>) target(%dma_start3A_10 : memref<128x128xf32, #tpu.memory_space<vmem>>) offsets(%dma_start3A_12 : memref<128xi32, #tpu.memory_space<vmem>>) semaphore(%arg20 : memref<!tpu.dma_semaphore, #tpu.memory_space<semaphore_mem>>)
    %dma_start3A_16 = arith.constant 0 : i32
    %dma_start3A_17 = arith.constant 0 : i32
    %dma_start3A_18 = arith.constant 0 : i32
    %dma_start3A_19 = tpu.memref_slice %arg14[%dma_start3A_16, %dma_start3A_17, %dma_start3A_18] : memref<2x128x128xf32, #tpu.memory_space<vmem>> -> memref<1x128x128xf32, #tpu.memory_space<vmem>>
    %dma_start3A_20 = tpu.memref_squeeze %dma_start3A_19 : memref<1x128x128xf32, #tpu.memory_space<vmem>> -> memref<128x128xf32, #tpu.memory_space<vmem>>
    %dma_start3A_21 = arith.constant 0 : i32
    %dma_start3A_22 = tpu.memref_slice %arg11[%dma_start3A_21] : memref<6400xi32, #tpu.memory_space<vmem>> -> memref<128xi32, #tpu.memory_space<vmem>>
    %dma_start3A_23 = arith.constant 0 : i32
    %dma_start3A_24 = arith.constant 0 : i32
    %dma_start3A_25 = tpu.memref_slice %arg15[%dma_start3A_23, %dma_start3A_24] : memref<112x128xf32, #tpu.memory_space<vmem_shared>> -> memref<112x128xf32, #tpu.memory_space<vmem_shared>>
    tpu.enqueue_indirect_dma source(%dma_start3A_25 : memref<112x128xf32, #tpu.memory_space<vmem_shared>>) target(%dma_start3A_20 : memref<128x128xf32, #tpu.memory_space<vmem>>) offsets(%dma_start3A_22 : memref<128xi32, #tpu.memory_space<vmem>>) semaphore(%arg22 : memref<!tpu.dma_semaphore, #tpu.memory_space<semaphore_mem>>)
    %get3A = arith.constant 0 : index
    %get3A_26 = tpu.vector_load %arg16[%get3A] {strides = array<i32>} : memref<128xf32, #tpu.memory_space<vmem>>, vector<16xf32>,
    %get3A_27 = arith.constant 16 : index
    %get3A_28 = tpu.vector_load %arg16[%get3A_27] {strides = array<i32>} : memref<128xf32, #tpu.memory_space<vmem>>, vector<16xf32>,
    %get3A_29 = arith.constant 32 : index
    %get3A_30 = tpu.vector_load %arg16[%get3A_29] {strides = array<i32>} : memref<128xf32, #tpu.memory_space<vmem>>, vector<16xf32>,
    %get3A_31 = arith.constant 48 : index
    %get3A_32 = tpu.vector_load %arg16[%get3A_31] {strides = array<i32>} : memref<128xf32, #tpu.memory_space<vmem>>, vector<16xf32>,
    %get3A_33 = arith.constant 64 : index
    %get3A_34 = tpu.vector_load %arg16[%get3A_33] {strides = array<i32>} : memref<128xf32, #tpu.memory_space<vmem>>, vector<16xf32>,
    %get3A_35 = arith.constant 80 : index
    %get3A_36 = tpu.vector_load %arg16[%get3A_35] {strides = array<i32>} : memref<128xf32, #tpu.memory_space<vmem>>, vector<16xf32>,
    %get3A_37 = arith.constant 96 : index
    %get3A_38 = tpu.vector_load %arg16[%get3A_37] {strides = array<i32>} : memref<128xf32, #tpu.memory_space<vmem>>, vector<16xf32>,
    %get3A_39 = arith.constant 112 : index
    %get3A_40 = tpu.vector_load %arg16[%get3A_39] {strides = array<i32>} : memref<128xf32, #tpu.memory_space<vmem>>, vector<16xf32>,
    %get3A_41 = arith.constant 0 : index
    %get3A_42 = tpu.vector_load %arg17[%get3A_41] {strides = array<i32>} : memref<128xf32, #tpu.memory_space<vmem>>, vector<16xf32>,
    %get3A_43 = arith.constant 16 : index
    %get3A_44 = tpu.vector_load %arg17[%get3A_43] {strides = array<i32>} : memref<128xf32, #tpu.memory_space<vmem>>, vector<16xf32>,
    %get3A_45 = arith.constant 32 : index
    %get3A_46 = tpu.vector_load %arg17[%get3A_45] {strides = array<i32>} : memref<128xf32, #tpu.memory_space<vmem>>, vector<16xf32>,
    %get3A_47 = arith.constant 48 : index
    %get3A_48 = tpu.vector_load %arg17[%get3A_47] {strides = array<i32>} : memref<128xf32, #tpu.memory_space<vmem>>, vector<16xf32>,
    %get3A_49 = arith.constant 64 : index
    %get3A_50 = tpu.vector_load %arg17[%get3A_49] {strides = array<i32>} : memref<128xf32, #tpu.memory_space<vmem>>, vector<16xf32>,
    %get3A_51 = arith.constant 80 : index
    %get3A_52 = tpu.vector_load %arg17[%get3A_51] {strides = array<i32>} : memref<128xf32, #tpu.memory_space<vmem>>, vector<16xf32>,
    %get3A_53 = arith.constant 96 : index
    %get3A_54 = tpu.vector_load %arg17[%get3A_53] {strides = array<i32>} : memref<128xf32, #tpu.memory_space<vmem>>, vector<16xf32>,
    %get3A_55 = arith.constant 112 : index
    %get3A_56 = tpu.vector_load %arg17[%get3A_55] {strides = array<i32>} : memref<128xf32, #tpu.memory_space<vmem>>, vector<16xf32>,
    %scan3A = arith.constant 0 : i32
    %scan3A_57 = arith.constant 0 : i32
    %scan3A_58 = arith.constant 25 : i32
    %scan3A_59 = arith.addi %scan3A_57, %scan3A_58 : i32
    %scan3A_60 = arith.constant 1 : i32
    %scan3A_61 = scf.for %scan3A_75 = %scan3A_57 to %scan3A_59 step %scan3A_60 iter_args(%scan3A_76 = %scan3A) -> (i32)  : i32 {
      %mul3A_77 = arith.constant 2 : i32
      %mul3A_78 = arith.muli %mul3A_77, %scan3A_75 : i32
      %add3A_79 = arith.constant 0 : i32
      %add3A_80 = arith.addi %mul3A_78, %add3A_79 : i32
      %ge3A = arith.constant 1 : i32
      %ge3A_81 = arith.cmpi sge, %scan3A_75, %ge3A : i32
      %convert_element_type3A_82 = arith.extui %ge3A_81 : i1 to i32
      %cond3A_83 = arith.constant 0 : i32
      %cond3A_84 = arith.cmpi ne, %convert_element_type3A_82, %cond3A_83 : i32
      scf.if %cond3A_84 {
        %dma_wait3A_215 = arith.constant 1 : i32
        %dma_wait3A_216 = arith.constant 0 : i32
        %dma_wait3A_217 = arith.constant 0 : i32
        %dma_wait3A_218 = tpu.memref_slice %arg13[%dma_wait3A_215, %dma_wait3A_216, %dma_wait3A_217] : memref<2x128x128xf32, #tpu.memory_space<vmem>> -> memref<1x128x128xf32, #tpu.memory_space<vmem>>
        %dma_wait3A_219 = tpu.memref_squeeze %dma_wait3A_218 : memref<1x128x128xf32, #tpu.memory_space<vmem>> -> memref<128x128xf32, #tpu.memory_space<vmem>>
        %dma_wait3A_220 = arith.constant 0 : i32
        %dma_wait3A_221 = tpu.memref_slice %arg9[%mul3A_2, %dma_wait3A_220] : memref<204800x128xf32, #tpu.memory_space<hbm>> -> memref<128x128xf32, #tpu.memory_space<hbm>>
        %dma_wait3A_222 = arith.constant 0 : i32
        %dma_wait3A_223 = tpu.memref_slice %arg9[%mul3A_2, %dma_wait3A_222] : memref<204800x128xf32, #tpu.memory_space<hbm>> -> memref<128x128xf32, #tpu.memory_space<hbm>>
        %dma_wait3A_224 = arith.constant 0 : i32
        %dma_wait3A_225 = arith.constant 0 : i32
        %dma_wait3A_226 = tpu.memref_slice %arg13[%dma_wait3A_215, %dma_wait3A_224, %dma_wait3A_225] : memref<2x128x128xf32, #tpu.memory_space<vmem>> -> memref<1x128x128xf32, #tpu.memory_space<vmem>>
        %dma_wait3A_227 = tpu.memref_squeeze %dma_wait3A_226 : memref<1x128x128xf32, #tpu.memory_space<vmem>> -> memref<128x128xf32, #tpu.memory_space<vmem>>
        tpu.wait_dma2 semaphore(%arg25 : memref<!tpu.dma_semaphore, #tpu.memory_space<semaphore_mem>>) src(%dma_wait3A_227 : memref<128x128xf32, #tpu.memory_space<vmem>>) dst(%dma_wait3A_223 : memref<128x128xf32, #tpu.memory_space<hbm>>)
      } else {
      }
      %add3A_85 = arith.constant 1 : i32
      %add3A_86 = arith.addi %add3A_80, %add3A_85 : i32
      %mul3A_87 = arith.constant 128 : i32
      %mul3A_88 = arith.muli %add3A_86, %mul3A_87 : i32
      %dma_start3A_89 = arith.constant 1 : i32
      %dma_start3A_90 = arith.constant 0 : i32
      %dma_start3A_91 = arith.constant 0 : i32
      %dma_start3A_92 = tpu.memref_slice %arg13[%dma_start3A_89, %dma_start3A_90, %dma_start3A_91] : memref<2x128x128xf32, #tpu.memory_space<vmem>> -> memref<1x128x128xf32, #tpu.memory_space<vmem>>
      %dma_start3A_93 = tpu.memref_squeeze %dma_start3A_92 : memref<1x128x128xf32, #tpu.memory_space<vmem>> -> memref<128x128xf32, #tpu.memory_space<vmem>>
      %dma_start3A_94 = tpu.memref_slice %arg10[%mul3A_88] : memref<6400xi32, #tpu.memory_space<vmem>> -> memref<128xi32, #tpu.memory_space<vmem>>
      %dma_start3A_95 = arith.constant 0 : i32
      %dma_start3A_96 = arith.constant 0 : i32
      %dma_start3A_97 = tpu.memref_slice %arg5[%dma_start3A_95, %dma_start3A_96] : memref<28996x128xf32, #tpu.memory_space<hbm>> -> memref<28996x128xf32, #tpu.memory_space<hbm>>
      tpu.enqueue_indirect_dma source(%dma_start3A_97 : memref<28996x128xf32, #tpu.memory_space<hbm>>) target(%dma_start3A_93 : memref<128x128xf32, #tpu.memory_space<vmem>>) offsets(%dma_start3A_94 : memref<128xi32, #tpu.memory_space<vmem>>) semaphore(%arg21 : memref<!tpu.dma_semaphore, #tpu.memory_space<semaphore_mem>>)
      %mul3A_98 = arith.constant 128 : i32
      %mul3A_99 = arith.muli %add3A_86, %mul3A_98 : i32
      %dma_start3A_100 = arith.constant 1 : i32
      %dma_start3A_101 = arith.constant 0 : i32
      %dma_start3A_102 = arith.constant 0 : i32
      %dma_start3A_103 = tpu.memref_slice %arg14[%dma_start3A_100, %dma_start3A_101, %dma_start3A_102] : memref<2x128x128xf32, #tpu.memory_space<vmem>> -> memref<1x128x128xf32, #tpu.memory_space<vmem>>
      %dma_start3A_104 = tpu.memref_squeeze %dma_start3A_103 : memref<1x128x128xf32, #tpu.memory_space<vmem>> -> memref<128x128xf32, #tpu.memory_space<vmem>>
      %dma_start3A_105 = tpu.memref_slice %arg11[%mul3A_99] : memref<6400xi32, #tpu.memory_space<vmem>> -> memref<128xi32, #tpu.memory_space<vmem>>
      %dma_start3A_106 = arith.constant 0 : i32
      %dma_start3A_107 = arith.constant 0 : i32
      %dma_start3A_108 = tpu.memref_slice %arg15[%dma_start3A_106, %dma_start3A_107] : memref<112x128xf32, #tpu.memory_space<vmem_shared>> -> memref<112x128xf32, #tpu.memory_space<vmem_shared>>
      tpu.enqueue_indirect_dma source(%dma_start3A_108 : memref<112x128xf32, #tpu.memory_space<vmem_shared>>) target(%dma_start3A_104 : memref<128x128xf32, #tpu.memory_space<vmem>>) offsets(%dma_start3A_105 : memref<128xi32, #tpu.memory_space<vmem>>) semaphore(%arg23 : memref<!tpu.dma_semaphore, #tpu.memory_space<semaphore_mem>>)
      %dma_wait3A_109 = arith.constant 0 : i32
      %dma_wait3A_110 = arith.constant 0 : i32
      %dma_wait3A_111 = arith.constant 0 : i32
      %dma_wait3A_112 = tpu.memref_slice %arg13[%dma_wait3A_109, %dma_wait3A_110, %dma_wait3A_111] : memref<2x128x128xf32, #tpu.memory_space<vmem>> -> memref<1x128x128xf32, #tpu.memory_space<vmem>>
      %dma_wait3A_113 = tpu.memref_squeeze %dma_wait3A_112 : memref<1x128x128xf32, #tpu.memory_space<vmem>> -> memref<128x128xf32, #tpu.memory_space<vmem>>
      %dma_wait3A_114 = arith.constant 0 : i32
      %dma_wait3A_115 = tpu.memref_slice %arg10[%dma_wait3A_114] : memref<6400xi32, #tpu.memory_space<vmem>> -> memref<128xi32, #tpu.memory_space<vmem>>
      %dma_wait3A_116 = arith.constant 0 : i32
      %dma_wait3A_117 = arith.constant 0 : i32
      %dma_wait3A_118 = tpu.memref_slice %arg5[%dma_wait3A_116, %dma_wait3A_117] : memref<28996x128xf32, #tpu.memory_space<hbm>> -> memref<28996x128xf32, #tpu.memory_space<hbm>>
      tpu.wait_indirect_dma semaphore(%arg20 : memref<!tpu.dma_semaphore, #tpu.memory_space<semaphore_mem>>) src(%dma_wait3A_118 : memref<28996x128xf32, #tpu.memory_space<hbm>>) dst(%dma_wait3A_113 : memref<128x128xf32, #tpu.memory_space<vmem>>)
      %dma_wait3A_119 = arith.constant 0 : i32
      %dma_wait3A_120 = arith.constant 0 : i32
      %dma_wait3A_121 = arith.constant 0 : i32
      %dma_wait3A_122 = tpu.memref_slice %arg14[%dma_wait3A_119, %dma_wait3A_120, %dma_wait3A_121] : memref<2x128x128xf32, #tpu.memory_space<vmem>> -> memref<1x128x128xf32, #tpu.memory_space<vmem>>
      %dma_wait3A_123 = tpu.memref_squeeze %dma_wait3A_122 : memref<1x128x128xf32, #tpu.memory_space<vmem>> -> memref<128x128xf32, #tpu.memory_space<vmem>>
      %dma_wait3A_124 = arith.constant 0 : i32
      %dma_wait3A_125 = tpu.memref_slice %arg11[%dma_wait3A_124] : memref<6400xi32, #tpu.memory_space<vmem>> -> memref<128xi32, #tpu.memory_space<vmem>>
      %dma_wait3A_126 = arith.constant 0 : i32
      %dma_wait3A_127 = arith.constant 0 : i32
      %dma_wait3A_128 = tpu.memref_slice %arg15[%dma_wait3A_126, %dma_wait3A_127] : memref<112x128xf32, #tpu.memory_space<vmem_shared>> -> memref<112x128xf32, #tpu.memory_space<vmem_shared>>
      tpu.wait_indirect_dma semaphore(%arg22 : memref<!tpu.dma_semaphore, #tpu.memory_space<semaphore_mem>>) src(%dma_wait3A_128 : memref<112x128xf32, #tpu.memory_space<vmem_shared>>) dst(%dma_wait3A_123 : memref<128x128xf32, #tpu.memory_space<vmem>>)
      %parallel_loop3A_129 = arith.constant 0 : i32
      %parallel_loop3A_130 = arith.constant 128 : i32
      %parallel_loop3A_131 = arith.constant 1 : i32
      scf.for %parallel_loop3A_215 = %parallel_loop3A_129 to %parallel_loop3A_130 step %parallel_loop3A_131  : i32 {
        %parallel_loop3A_216 = arith.constant 0 : i32
        %parallel_loop3A_217 = arith.index_cast %parallel_loop3A_216 : i32 to index
        %parallel_loop3A_218 = arith.index_cast %parallel_loop3A_215 : i32 to index
        %parallel_loop3A_219 = arith.constant 0 : index
        %parallel_loop3A_220 = tpu.vector_load %arg13[%parallel_loop3A_217, %parallel_loop3A_218, %parallel_loop3A_219] {strides = array<i32>} : memref<2x128x128xf32, #tpu.memory_space<vmem>>, vector<16xf32>,
        %parallel_loop3A_221 = arith.constant 0 : i32
        %parallel_loop3A_222 = arith.index_cast %parallel_loop3A_221 : i32 to index
        %parallel_loop3A_223 = arith.index_cast %parallel_loop3A_215 : i32 to index
        %parallel_loop3A_224 = arith.constant 0 : index
        %parallel_loop3A_225 = tpu.vector_load %arg14[%parallel_loop3A_222, %parallel_loop3A_223, %parallel_loop3A_224] {strides = array<i32>} : memref<2x128x128xf32, #tpu.memory_space<vmem>>, vector<16xf32>,
        %parallel_loop3A_226 = arith.addf %parallel_loop3A_220, %parallel_loop3A_225 : vector<16xf32>
        %parallel_loop3A_227 = arith.constant 0 : i32
        %parallel_loop3A_228 = arith.index_cast %parallel_loop3A_227 : i32 to index
        %parallel_loop3A_229 = arith.index_cast %parallel_loop3A_215 : i32 to index
        %parallel_loop3A_230 = arith.constant 0 : index
        %parallel_loop3A_231 = tpu.vector_load %arg13[%parallel_loop3A_228, %parallel_loop3A_229, %parallel_loop3A_230] {strides = array<i32>} : memref<2x128x128xf32, #tpu.memory_space<vmem>>, vector<16xf32>,
        tpu.vector_store %arg13[%parallel_loop3A_228, %parallel_loop3A_229, %parallel_loop3A_230], %parallel_loop3A_226 {strides = array<i32>} : memref<2x128x128xf32, #tpu.memory_space<vmem>>, vector<16xf32>,
        %parallel_loop3A_232 = arith.mulf %parallel_loop3A_226, %parallel_loop3A_226 : vector<16xf32>
        %parallel_loop3A_233 = arith.constant 0 : i32
        %parallel_loop3A_234 = arith.index_cast %parallel_loop3A_233 : i32 to index
        %parallel_loop3A_235 = arith.index_cast %parallel_loop3A_215 : i32 to index
        %parallel_loop3A_236 = arith.constant 16 : index
        %parallel_loop3A_237 = tpu.vector_load %arg13[%parallel_loop3A_234, %parallel_loop3A_235, %parallel_loop3A_236] {strides = array<i32>} : memref<2x128x128xf32, #tpu.memory_space<vmem>>, vector<16xf32>,
        %parallel_loop3A_238 = arith.constant 0 : i32
        %parallel_loop3A_239 = arith.index_cast %parallel_loop3A_238 : i32 to index
        %parallel_loop3A_240 = arith.index_cast %parallel_loop3A_215 : i32 to index
        %parallel_loop3A_241 = arith.constant 16 : index
        %parallel_loop3A_242 = tpu.vector_load %arg14[%parallel_loop3A_239, %parallel_loop3A_240, %parallel_loop3A_241] {strides = array<i32>} : memref<2x128x128xf32, #tpu.memory_space<vmem>>, vector<16xf32>,
        %parallel_loop3A_243 = arith.addf %parallel_loop3A_237, %parallel_loop3A_242 : vector<16xf32>
        %parallel_loop3A_244 = arith.constant 0 : i32
        %parallel_loop3A_245 = arith.index_cast %parallel_loop3A_244 : i32 to index
        %parallel_loop3A_246 = arith.index_cast %parallel_loop3A_215 : i32 to index
        %parallel_loop3A_247 = arith.constant 16 : index
        %parallel_loop3A_248 = tpu.vector_load %arg13[%parallel_loop3A_245, %parallel_loop3A_246, %parallel_loop3A_247] {strides = array<i32>} : memref<2x128x128xf32, #tpu.memory_space<vmem>>, vector<16xf32>,
        tpu.vector_store %arg13[%parallel_loop3A_245, %parallel_loop3A_246, %parallel_loop3A_247], %parallel_loop3A_243 {strides = array<i32>} : memref<2x128x128xf32, #tpu.memory_space<vmem>>, vector<16xf32>,
        %parallel_loop3A_249 = arith.addf %parallel_loop3A_226, %parallel_loop3A_243 : vector<16xf32>
        %parallel_loop3A_250 = arith.mulf %parallel_loop3A_243, %parallel_loop3A_243 : vector<16xf32>
        %parallel_loop3A_251 = arith.addf %parallel_loop3A_232, %parallel_loop3A_250 : vector<16xf32>
        %parallel_loop3A_252 = arith.constant 0 : i32
        %parallel_loop3A_253 = arith.index_cast %parallel_loop3A_252 : i32 to index
        %parallel_loop3A_254 = arith.index_cast %parallel_loop3A_215 : i32 to index
        %parallel_loop3A_255 = arith.constant 32 : index
        %parallel_loop3A_256 = tpu.vector_load %arg13[%parallel_loop3A_253, %parallel_loop3A_254, %parallel_loop3A_255] {strides = array<i32>} : memref<2x128x128xf32, #tpu.memory_space<vmem>>, vector<16xf32>,
        %parallel_loop3A_257 = arith.constant 0 : i32
        %parallel_loop3A_258 = arith.index_cast %parallel_loop3A_257 : i32 to index
        %parallel_loop3A_259 = arith.index_cast %parallel_loop3A_215 : i32 to index
        %parallel_loop3A_260 = arith.constant 32 : index
        %parallel_loop3A_261 = tpu.vector_load %arg14[%parallel_loop3A_258, %parallel_loop3A_259, %parallel_loop3A_260] {strides = array<i32>} : memref<2x128x128xf32, #tpu.memory_space<vmem>>, vector<16xf32>,
        %parallel_loop3A_262 = arith.addf %parallel_loop3A_256, %parallel_loop3A_261 : vector<16xf32>
        %parallel_loop3A_263 = arith.constant 0 : i32
        %parallel_loop3A_264 = arith.index_cast %parallel_loop3A_263 : i32 to index
        %parallel_loop3A_265 = arith.index_cast %parallel_loop3A_215 : i32 to index
        %parallel_loop3A_266 = arith.constant 32 : index
        %parallel_loop3A_267 = tpu.vector_load %arg13[%parallel_loop3A_264, %parallel_loop3A_265, %parallel_loop3A_266] {strides = array<i32>} : memref<2x128x128xf32, #tpu.memory_space<vmem>>, vector<16xf32>,
        tpu.vector_store %arg13[%parallel_loop3A_264, %parallel_loop3A_265, %parallel_loop3A_266], %parallel_loop3A_262 {strides = array<i32>} : memref<2x128x128xf32, #tpu.memory_space<vmem>>, vector<16xf32>,
        %parallel_loop3A_268 = arith.addf %parallel_loop3A_249, %parallel_loop3A_262 : vector<16xf32>
        %parallel_loop3A_269 = arith.mulf %parallel_loop3A_262, %parallel_loop3A_262 : vector<16xf32>
        %parallel_loop3A_270 = arith.addf %parallel_loop3A_251, %parallel_loop3A_269 : vector<16xf32>
        %parallel_loop3A_271 = arith.constant 0 : i32
        %parallel_loop3A_272 = arith.index_cast %parallel_loop3A_271 : i32 to index
        %parallel_loop3A_273 = arith.index_cast %parallel_loop3A_215 : i32 to index
        %parallel_loop3A_274 = arith.constant 48 : index
        %parallel_loop3A_275 = tpu.vector_load %arg13[%parallel_loop3A_272, %parallel_loop3A_273, %parallel_loop3A_274] {strides = array<i32>} : memref<2x128x128xf32, #tpu.memory_space<vmem>>, vector<16xf32>,
        %parallel_loop3A_276 = arith.constant 0 : i32
        %parallel_loop3A_277 = arith.index_cast %parallel_loop3A_276 : i32 to index
        %parallel_loop3A_278 = arith.index_cast %parallel_loop3A_215 : i32 to index
        %parallel_loop3A_279 = arith.constant 48 : index
        %parallel_loop3A_280 = tpu.vector_load %arg14[%parallel_loop3A_277, %parallel_loop3A_278, %parallel_loop3A_279] {strides = array<i32>} : memref<2x128x128xf32, #tpu.memory_space<vmem>>, vector<16xf32>,
        %parallel_loop3A_281 = arith.addf %parallel_loop3A_275, %parallel_loop3A_280 : vector<16xf32>
        %parallel_loop3A_282 = arith.constant 0 : i32
        %parallel_loop3A_283 = arith.index_cast %parallel_loop3A_282 : i32 to index
        %parallel_loop3A_284 = arith.index_cast %parallel_loop3A_215 : i32 to index
        %parallel_loop3A_285 = arith.constant 48 : index
        %parallel_loop3A_286 = tpu.vector_load %arg13[%parallel_loop3A_283, %parallel_loop3A_284, %parallel_loop3A_285] {strides = array<i32>} : memref<2x128x128xf32, #tpu.memory_space<vmem>>, vector<16xf32>,
        tpu.vector_store %arg13[%parallel_loop3A_283, %parallel_loop3A_284, %parallel_loop3A_285], %parallel_loop3A_281 {strides = array<i32>} : memref<2x128x128xf32, #tpu.memory_space<vmem>>, vector<16xf32>,
        %parallel_loop3A_287 = arith.addf %parallel_loop3A_268, %parallel_loop3A_281 : vector<16xf32>
        %parallel_loop3A_288 = arith.mulf %parallel_loop3A_281, %parallel_loop3A_281 : vector<16xf32>
        %parallel_loop3A_289 = arith.addf %parallel_loop3A_270, %parallel_loop3A_288 : vector<16xf32>
        %parallel_loop3A_290 = arith.constant 0 : i32
        %parallel_loop3A_291 = arith.index_cast %parallel_loop3A_290 : i32 to index
        %parallel_loop3A_292 = arith.index_cast %parallel_loop3A_215 : i32 to index
        %parallel_loop3A_293 = arith.constant 64 : index
        %parallel_loop3A_294 = tpu.vector_load %arg13[%parallel_loop3A_291, %parallel_loop3A_292, %parallel_loop3A_293] {strides = array<i32>} : memref<2x128x128xf32, #tpu.memory_space<vmem>>, vector<16xf32>,
        %parallel_loop3A_295 = arith.constant 0 : i32
        %parallel_loop3A_296 = arith.index_cast %parallel_loop3A_295 : i32 to index
        %parallel_loop3A_297 = arith.index_cast %parallel_loop3A_215 : i32 to index
        %parallel_loop3A_298 = arith.constant 64 : index
        %parallel_loop3A_299 = tpu.vector_load %arg14[%parallel_loop3A_296, %parallel_loop3A_297, %parallel_loop3A_298] {strides = array<i32>} : memref<2x128x128xf32, #tpu.memory_space<vmem>>, vector<16xf32>,
        %parallel_loop3A_300 = arith.addf %parallel_loop3A_294, %parallel_loop3A_299 : vector<16xf32>
        %parallel_loop3A_301 = arith.constant 0 : i32
        %parallel_loop3A_302 = arith.index_cast %parallel_loop3A_301 : i32 to index
        %parallel_loop3A_303 = arith.index_cast %parallel_loop3A_215 : i32 to index
        %parallel_loop3A_304 = arith.constant 64 : index
        %parallel_loop3A_305 = tpu.vector_load %arg13[%parallel_loop3A_302, %parallel_loop3A_303, %parallel_loop3A_304] {strides = array<i32>} : memref<2x128x128xf32, #tpu.memory_space<vmem>>, vector<16xf32>,
        tpu.vector_store %arg13[%parallel_loop3A_302, %parallel_loop3A_303, %parallel_loop3A_304], %parallel_loop3A_300 {strides = array<i32>} : memref<2x128x128xf32, #tpu.memory_space<vmem>>, vector<16xf32>,
        %parallel_loop3A_306 = arith.addf %parallel_loop3A_287, %parallel_loop3A_300 : vector<16xf32>
        %parallel_loop3A_307 = arith.mulf %parallel_loop3A_300, %parallel_loop3A_300 : vector<16xf32>
        %parallel_loop3A_308 = arith.addf %parallel_loop3A_289, %parallel_loop3A_307 : vector<16xf32>
        %parallel_loop3A_309 = arith.constant 0 : i32
        %parallel_loop3A_310 = arith.index_cast %parallel_loop3A_309 : i32 to index
        %parallel_loop3A_311 = arith.index_cast %parallel_loop3A_215 : i32 to index
        %parallel_loop3A_312 = arith.constant 80 : index
        %parallel_loop3A_313 = tpu.vector_load %arg13[%parallel_loop3A_310, %parallel_loop3A_311, %parallel_loop3A_312] {strides = array<i32>} : memref<2x128x128xf32, #tpu.memory_space<vmem>>, vector<16xf32>,
        %parallel_loop3A_314 = arith.constant 0 : i32
        %parallel_loop3A_315 = arith.index_cast %parallel_loop3A_314 : i32 to index
        %parallel_loop3A_316 = arith.index_cast %parallel_loop3A_215 : i32 to index
        %parallel_loop3A_317 = arith.constant 80 : index
        %parallel_loop3A_318 = tpu.vector_load %arg14[%parallel_loop3A_315, %parallel_loop3A_316, %parallel_loop3A_317] {strides = array<i32>} : memref<2x128x128xf32, #tpu.memory_space<vmem>>, vector<16xf32>,
        %parallel_loop3A_319 = arith.addf %parallel_loop3A_313, %parallel_loop3A_318 : vector<16xf32>
        %parallel_loop3A_320 = arith.constant 0 : i32
        %parallel_loop3A_321 = arith.index_cast %parallel_loop3A_320 : i32 to index
        %parallel_loop3A_322 = arith.index_cast %parallel_loop3A_215 : i32 to index
        %parallel_loop3A_323 = arith.constant 80 : index
        %parallel_loop3A_324 = tpu.vector_load %arg13[%parallel_loop3A_321, %parallel_loop3A_322, %parallel_loop3A_323] {strides = array<i32>} : memref<2x128x128xf32, #tpu.memory_space<vmem>>, vector<16xf32>,
        tpu.vector_store %arg13[%parallel_loop3A_321, %parallel_loop3A_322, %parallel_loop3A_323], %parallel_loop3A_319 {strides = array<i32>} : memref<2x128x128xf32, #tpu.memory_space<vmem>>, vector<16xf32>,
        %parallel_loop3A_325 = arith.addf %parallel_loop3A_306, %parallel_loop3A_319 : vector<16xf32>
        %parallel_loop3A_326 = arith.mulf %parallel_loop3A_319, %parallel_loop3A_319 : vector<16xf32>
        %parallel_loop3A_327 = arith.addf %parallel_loop3A_308, %parallel_loop3A_326 : vector<16xf32>
        %parallel_loop3A_328 = arith.constant 0 : i32
        %parallel_loop3A_329 = arith.index_cast %parallel_loop3A_328 : i32 to index
        %parallel_loop3A_330 = arith.index_cast %parallel_loop3A_215 : i32 to index
        %parallel_loop3A_331 = arith.constant 96 : index
        %parallel_loop3A_332 = tpu.vector_load %arg13[%parallel_loop3A_329, %parallel_loop3A_330, %parallel_loop3A_331] {strides = array<i32>} : memref<2x128x128xf32, #tpu.memory_space<vmem>>, vector<16xf32>,
        %parallel_loop3A_333 = arith.constant 0 : i32
        %parallel_loop3A_334 = arith.index_cast %parallel_loop3A_333 : i32 to index
        %parallel_loop3A_335 = arith.index_cast %parallel_loop3A_215 : i32 to index
        %parallel_loop3A_336 = arith.constant 96 : index
        %parallel_loop3A_337 = tpu.vector_load %arg14[%parallel_loop3A_334, %parallel_loop3A_335, %parallel_loop3A_336] {strides = array<i32>} : memref<2x128x128xf32, #tpu.memory_space<vmem>>, vector<16xf32>,
        %parallel_loop3A_338 = arith.addf %parallel_loop3A_332, %parallel_loop3A_337 : vector<16xf32>
        %parallel_loop3A_339 = arith.constant 0 : i32
        %parallel_loop3A_340 = arith.index_cast %parallel_loop3A_339 : i32 to index
        %parallel_loop3A_341 = arith.index_cast %parallel_loop3A_215 : i32 to index
        %parallel_loop3A_342 = arith.constant 96 : index
        %parallel_loop3A_343 = tpu.vector_load %arg13[%parallel_loop3A_340, %parallel_loop3A_341, %parallel_loop3A_342] {strides = array<i32>} : memref<2x128x128xf32, #tpu.memory_space<vmem>>, vector<16xf32>,
        tpu.vector_store %arg13[%parallel_loop3A_340, %parallel_loop3A_341, %parallel_loop3A_342], %parallel_loop3A_338 {strides = array<i32>} : memref<2x128x128xf32, #tpu.memory_space<vmem>>, vector<16xf32>,
        %parallel_loop3A_344 = arith.addf %parallel_loop3A_325, %parallel_loop3A_338 : vector<16xf32>
        %parallel_loop3A_345 = arith.mulf %parallel_loop3A_338, %parallel_loop3A_338 : vector<16xf32>
        %parallel_loop3A_346 = arith.addf %parallel_loop3A_327, %parallel_loop3A_345 : vector<16xf32>
        %parallel_loop3A_347 = arith.constant 0 : i32
        %parallel_loop3A_348 = arith.index_cast %parallel_loop3A_347 : i32 to index
        %parallel_loop3A_349 = arith.index_cast %parallel_loop3A_215 : i32 to index
        %parallel_loop3A_350 = arith.constant 112 : index
        %parallel_loop3A_351 = tpu.vector_load %arg13[%parallel_loop3A_348, %parallel_loop3A_349, %parallel_loop3A_350] {strides = array<i32>} : memref<2x128x128xf32, #tpu.memory_space<vmem>>, vector<16xf32>,
        %parallel_loop3A_352 = arith.constant 0 : i32
        %parallel_loop3A_353 = arith.index_cast %parallel_loop3A_352 : i32 to index
        %parallel_loop3A_354 = arith.index_cast %parallel_loop3A_215 : i32 to index
        %parallel_loop3A_355 = arith.constant 112 : index
        %parallel_loop3A_356 = tpu.vector_load %arg14[%parallel_loop3A_353, %parallel_loop3A_354, %parallel_loop3A_355] {strides = array<i32>} : memref<2x128x128xf32, #tpu.memory_space<vmem>>, vector<16xf32>,
        %parallel_loop3A_357 = arith.addf %parallel_loop3A_351, %parallel_loop3A_356 : vector<16xf32>
        %parallel_loop3A_358 = arith.constant 0 : i32
        %parallel_loop3A_359 = arith.index_cast %parallel_loop3A_358 : i32 to index
        %parallel_loop3A_360 = arith.index_cast %parallel_loop3A_215 : i32 to index
        %parallel_loop3A_361 = arith.constant 112 : index
        %parallel_loop3A_362 = tpu.vector_load %arg13[%parallel_loop3A_359, %parallel_loop3A_360, %parallel_loop3A_361] {strides = array<i32>} : memref<2x128x128xf32, #tpu.memory_space<vmem>>, vector<16xf32>,
        tpu.vector_store %arg13[%parallel_loop3A_359, %parallel_loop3A_360, %parallel_loop3A_361], %parallel_loop3A_357 {strides = array<i32>} : memref<2x128x128xf32, #tpu.memory_space<vmem>>, vector<16xf32>,
        %parallel_loop3A_363 = arith.addf %parallel_loop3A_344, %parallel_loop3A_357 : vector<16xf32>
        %parallel_loop3A_364 = arith.mulf %parallel_loop3A_357, %parallel_loop3A_357 : vector<16xf32>
        %parallel_loop3A_365 = arith.addf %parallel_loop3A_346, %parallel_loop3A_364 : vector<16xf32>
        %parallel_loop3A_366 = arith.constant true
        %parallel_loop3A_367 = vector.broadcast %parallel_loop3A_366 : i1 to vector<16xi1>
        %parallel_loop3A_368 = tpu.scan <sum>, %parallel_loop3A_363 masked %parallel_loop3A_367 : vector<16xf32>, vector<16xi1> -> vector<16xf32>
        %parallel_loop3A_369 = vector.extract %parallel_loop3A_368[15] : f32 from vector<16xf32>
        %parallel_loop3A_370 = vector.broadcast %parallel_loop3A_369 : f32 to vector<16xf32>
        %parallel_loop3A_371 = arith.constant 7.812500e-03 : f32
        %parallel_loop3A_372 = vector.broadcast %parallel_loop3A_371 : f32 to vector<16xf32>
        %parallel_loop3A_373 = arith.mulf %parallel_loop3A_370, %parallel_loop3A_372 : vector<16xf32>
        %parallel_loop3A_374 = arith.constant true
        %parallel_loop3A_375 = vector.broadcast %parallel_loop3A_374 : i1 to vector<16xi1>
        %parallel_loop3A_376 = tpu.scan <sum>, %parallel_loop3A_365 masked %parallel_loop3A_375 : vector<16xf32>, vector<16xi1> -> vector<16xf32>
        %parallel_loop3A_377 = vector.extract %parallel_loop3A_376[15] : f32 from vector<16xf32>
        %parallel_loop3A_378 = vector.broadcast %parallel_loop3A_377 : f32 to vector<16xf32>
        %parallel_loop3A_379 = arith.constant 7.812500e-03 : f32
        %parallel_loop3A_380 = vector.broadcast %parallel_loop3A_379 : f32 to vector<16xf32>
        %parallel_loop3A_381 = arith.mulf %parallel_loop3A_378, %parallel_loop3A_380 : vector<16xf32>
        %parallel_loop3A_382 = arith.constant 16 : i32
        %parallel_loop3A_383 = arith.muli %parallel_loop3A_215, %parallel_loop3A_382 : i32
        %parallel_loop3A_384 = arith.index_cast %parallel_loop3A_383 : i32 to index
        %parallel_loop3A_385 = tpu.vector_load %arg18[%parallel_loop3A_384] {strides = array<i32>} : memref<2048xf32, #tpu.memory_space<vmem>>, vector<16xf32>,
        tpu.vector_store %arg18[%parallel_loop3A_384], %parallel_loop3A_373 {strides = array<i32>} : memref<2048xf32, #tpu.memory_space<vmem>>, vector<16xf32>,
        %parallel_loop3A_386 = arith.mulf %parallel_loop3A_373, %parallel_loop3A_373 : vector<16xf32>
        %parallel_loop3A_387 = arith.subf %parallel_loop3A_381, %parallel_loop3A_386 : vector<16xf32>
        %parallel_loop3A_388 = arith.constant 9.99999996E-13 : f32
        %parallel_loop3A_389 = vector.broadcast %parallel_loop3A_388 : f32 to vector<16xf32>
        %parallel_loop3A_390 = arith.addf %parallel_loop3A_387, %parallel_loop3A_389 : vector<16xf32>
        %parallel_loop3A_391 = tpu.bitcast %parallel_loop3A_390 : vector<16xf32> -> vector<16xi32>
        %parallel_loop3A_392 = arith.constant 1 : i32
        %parallel_loop3A_393 = vector.broadcast %parallel_loop3A_392 : i32 to vector<16xi32>
        %parallel_loop3A_394 = arith.shrsi %parallel_loop3A_391, %parallel_loop3A_393 : vector<16xi32>
        %parallel_loop3A_395 = arith.constant 1597463007 : i32
        %parallel_loop3A_396 = vector.broadcast %parallel_loop3A_395 : i32 to vector<16xi32>
        %parallel_loop3A_397 = arith.subi %parallel_loop3A_396, %parallel_loop3A_394 : vector<16xi32>
        %parallel_loop3A_398 = tpu.bitcast %parallel_loop3A_397 : vector<16xi32> -> vector<16xf32>
        %parallel_loop3A_399 = arith.constant 5.000000e-01 : f32
        %parallel_loop3A_400 = vector.broadcast %parallel_loop3A_399 : f32 to vector<16xf32>
        %parallel_loop3A_401 = arith.mulf %parallel_loop3A_400, %parallel_loop3A_390 : vector<16xf32>
        %parallel_loop3A_402 = arith.mulf %parallel_loop3A_401, %parallel_loop3A_398 : vector<16xf32>
        %parallel_loop3A_403 = arith.mulf %parallel_loop3A_402, %parallel_loop3A_398 : vector<16xf32>
        %parallel_loop3A_404 = arith.constant 1.500000e+00 : f32
        %parallel_loop3A_405 = vector.broadcast %parallel_loop3A_404 : f32 to vector<16xf32>
        %parallel_loop3A_406 = arith.subf %parallel_loop3A_405, %parallel_loop3A_403 : vector<16xf32>
        %parallel_loop3A_407 = arith.mulf %parallel_loop3A_398, %parallel_loop3A_406 : vector<16xf32>
        %parallel_loop3A_408 = arith.mulf %parallel_loop3A_401, %parallel_loop3A_407 : vector<16xf32>
        %parallel_loop3A_409 = arith.mulf %parallel_loop3A_408, %parallel_loop3A_407 : vector<16xf32>
        %parallel_loop3A_410 = arith.constant 1.500000e+00 : f32
        %parallel_loop3A_411 = vector.broadcast %parallel_loop3A_410 : f32 to vector<16xf32>
        %parallel_loop3A_412 = arith.subf %parallel_loop3A_411, %parallel_loop3A_409 : vector<16xf32>
        %parallel_loop3A_413 = arith.mulf %parallel_loop3A_407, %parallel_loop3A_412 : vector<16xf32>
        %parallel_loop3A_414 = arith.constant 16 : i32
        %parallel_loop3A_415 = arith.muli %parallel_loop3A_215, %parallel_loop3A_414 : i32
        %parallel_loop3A_416 = arith.index_cast %parallel_loop3A_415 : i32 to index
        %parallel_loop3A_417 = tpu.vector_load %arg19[%parallel_loop3A_416] {strides = array<i32>} : memref<2048xf32, #tpu.memory_space<vmem>>, vector<16xf32>,
        tpu.vector_store %arg19[%parallel_loop3A_416], %parallel_loop3A_413 {strides = array<i32>} : memref<2048xf32, #tpu.memory_space<vmem>>, vector<16xf32>,
      } {sc.loop_unroll_factor = 4 : i64, sc.parallel_access}
      %parallel_loop3A_132 = arith.constant 0 : i32
      %parallel_loop3A_133 = arith.constant 128 : i32
      %parallel_loop3A_134 = arith.constant 1 : i32
      scf.for %parallel_loop3A_215 = %parallel_loop3A_132 to %parallel_loop3A_133 step %parallel_loop3A_134  : i32 {
        %parallel_loop3A_216 = arith.constant 16 : i32
        %parallel_loop3A_217 = arith.muli %parallel_loop3A_215, %parallel_loop3A_216 : i32
        %parallel_loop3A_218 = arith.index_cast %parallel_loop3A_217 : i32 to index
        %parallel_loop3A_219 = tpu.vector_load %arg18[%parallel_loop3A_218] {strides = array<i32>} : memref<2048xf32, #tpu.memory_space<vmem>>, vector<16xf32>,
        %parallel_loop3A_220 = arith.constant 16 : i32
        %parallel_loop3A_221 = arith.muli %parallel_loop3A_215, %parallel_loop3A_220 : i32
        %parallel_loop3A_222 = arith.index_cast %parallel_loop3A_221 : i32 to index
        %parallel_loop3A_223 = tpu.vector_load %arg19[%parallel_loop3A_222] {strides = array<i32>} : memref<2048xf32, #tpu.memory_space<vmem>>, vector<16xf32>,
        %parallel_loop3A_224 = arith.constant 0 : i32
        %parallel_loop3A_225 = arith.index_cast %parallel_loop3A_224 : i32 to index
        %parallel_loop3A_226 = arith.index_cast %parallel_loop3A_215 : i32 to index
        %parallel_loop3A_227 = arith.constant 0 : index
        %parallel_loop3A_228 = tpu.vector_load %arg13[%parallel_loop3A_225, %parallel_loop3A_226, %parallel_loop3A_227] {strides = array<i32>} : memref<2x128x128xf32, #tpu.memory_space<vmem>>, vector<16xf32>,
        %parallel_loop3A_229 = arith.subf %parallel_loop3A_228, %parallel_loop3A_219 : vector<16xf32>
        %parallel_loop3A_230 = arith.mulf %parallel_loop3A_229, %parallel_loop3A_223 : vector<16xf32>
        %parallel_loop3A_231 = arith.mulf %parallel_loop3A_230, %get3A_26 : vector<16xf32>
        %parallel_loop3A_232 = arith.addf %parallel_loop3A_231, %get3A_42 : vector<16xf32>
        %parallel_loop3A_233 = arith.constant 0 : i32
        %parallel_loop3A_234 = arith.index_cast %parallel_loop3A_233 : i32 to index
        %parallel_loop3A_235 = arith.index_cast %parallel_loop3A_215 : i32 to index
        %parallel_loop3A_236 = arith.constant 0 : index
        %parallel_loop3A_237 = tpu.vector_load %arg13[%parallel_loop3A_234, %parallel_loop3A_235, %parallel_loop3A_236] {strides = array<i32>} : memref<2x128x128xf32, #tpu.memory_space<vmem>>, vector<16xf32>,
        tpu.vector_store %arg13[%parallel_loop3A_234, %parallel_loop3A_235, %parallel_loop3A_236], %parallel_loop3A_232 {strides = array<i32>} : memref<2x128x128xf32, #tpu.memory_space<vmem>>, vector<16xf32>,
        %parallel_loop3A_238 = arith.constant 0 : i32
        %parallel_loop3A_239 = arith.index_cast %parallel_loop3A_238 : i32 to index
        %parallel_loop3A_240 = arith.index_cast %parallel_loop3A_215 : i32 to index
        %parallel_loop3A_241 = arith.constant 16 : index
        %parallel_loop3A_242 = tpu.vector_load %arg13[%parallel_loop3A_239, %parallel_loop3A_240, %parallel_loop3A_241] {strides = array<i32>} : memref<2x128x128xf32, #tpu.memory_space<vmem>>, vector<16xf32>,
        %parallel_loop3A_243 = arith.subf %parallel_loop3A_242, %parallel_loop3A_219 : vector<16xf32>
        %parallel_loop3A_244 = arith.mulf %parallel_loop3A_243, %parallel_loop3A_223 : vector<16xf32>
        %parallel_loop3A_245 = arith.mulf %parallel_loop3A_244, %get3A_28 : vector<16xf32>
        %parallel_loop3A_246 = arith.addf %parallel_loop3A_245, %get3A_44 : vector<16xf32>
        %parallel_loop3A_247 = arith.constant 0 : i32
        %parallel_loop3A_248 = arith.index_cast %parallel_loop3A_247 : i32 to index
        %parallel_loop3A_249 = arith.index_cast %parallel_loop3A_215 : i32 to index
        %parallel_loop3A_250 = arith.constant 16 : index
        %parallel_loop3A_251 = tpu.vector_load %arg13[%parallel_loop3A_248, %parallel_loop3A_249, %parallel_loop3A_250] {strides = array<i32>} : memref<2x128x128xf32, #tpu.memory_space<vmem>>, vector<16xf32>,
        tpu.vector_store %arg13[%parallel_loop3A_248, %parallel_loop3A_249, %parallel_loop3A_250], %parallel_loop3A_246 {strides = array<i32>} : memref<2x128x128xf32, #tpu.memory_space<vmem>>, vector<16xf32>,
        %parallel_loop3A_252 = arith.constant 0 : i32
        %parallel_loop3A_253 = arith.index_cast %parallel_loop3A_252 : i32 to index
        %parallel_loop3A_254 = arith.index_cast %parallel_loop3A_215 : i32 to index
        %parallel_loop3A_255 = arith.constant 32 : index
        %parallel_loop3A_256 = tpu.vector_load %arg13[%parallel_loop3A_253, %parallel_loop3A_254, %parallel_loop3A_255] {strides = array<i32>} : memref<2x128x128xf32, #tpu.memory_space<vmem>>, vector<16xf32>,
        %parallel_loop3A_257 = arith.subf %parallel_loop3A_256, %parallel_loop3A_219 : vector<16xf32>
        %parallel_loop3A_258 = arith.mulf %parallel_loop3A_257, %parallel_loop3A_223 : vector<16xf32>
        %parallel_loop3A_259 = arith.mulf %parallel_loop3A_258, %get3A_30 : vector<16xf32>
        %parallel_loop3A_260 = arith.addf %parallel_loop3A_259, %get3A_46 : vector<16xf32>
        %parallel_loop3A_261 = arith.constant 0 : i32
        %parallel_loop3A_262 = arith.index_cast %parallel_loop3A_261 : i32 to index
        %parallel_loop3A_263 = arith.index_cast %parallel_loop3A_215 : i32 to index
        %parallel_loop3A_264 = arith.constant 32 : index
        %parallel_loop3A_265 = tpu.vector_load %arg13[%parallel_loop3A_262, %parallel_loop3A_263, %parallel_loop3A_264] {strides = array<i32>} : memref<2x128x128xf32, #tpu.memory_space<vmem>>, vector<16xf32>,
        tpu.vector_store %arg13[%parallel_loop3A_262, %parallel_loop3A_263, %parallel_loop3A_264], %parallel_loop3A_260 {strides = array<i32>} : memref<2x128x128xf32, #tpu.memory_space<vmem>>, vector<16xf32>,
        %parallel_loop3A_266 = arith.constant 0 : i32
        %parallel_loop3A_267 = arith.index_cast %parallel_loop3A_266 : i32 to index
        %parallel_loop3A_268 = arith.index_cast %parallel_loop3A_215 : i32 to index
        %parallel_loop3A_269 = arith.constant 48 : index
        %parallel_loop3A_270 = tpu.vector_load %arg13[%parallel_loop3A_267, %parallel_loop3A_268, %parallel_loop3A_269] {strides = array<i32>} : memref<2x128x128xf32, #tpu.memory_space<vmem>>, vector<16xf32>,
        %parallel_loop3A_271 = arith.subf %parallel_loop3A_270, %parallel_loop3A_219 : vector<16xf32>
        %parallel_loop3A_272 = arith.mulf %parallel_loop3A_271, %parallel_loop3A_223 : vector<16xf32>
        %parallel_loop3A_273 = arith.mulf %parallel_loop3A_272, %get3A_32 : vector<16xf32>
        %parallel_loop3A_274 = arith.addf %parallel_loop3A_273, %get3A_48 : vector<16xf32>
        %parallel_loop3A_275 = arith.constant 0 : i32
        %parallel_loop3A_276 = arith.index_cast %parallel_loop3A_275 : i32 to index
        %parallel_loop3A_277 = arith.index_cast %parallel_loop3A_215 : i32 to index
        %parallel_loop3A_278 = arith.constant 48 : index
        %parallel_loop3A_279 = tpu.vector_load %arg13[%parallel_loop3A_276, %parallel_loop3A_277, %parallel_loop3A_278] {strides = array<i32>} : memref<2x128x128xf32, #tpu.memory_space<vmem>>, vector<16xf32>,
        tpu.vector_store %arg13[%parallel_loop3A_276, %parallel_loop3A_277, %parallel_loop3A_278], %parallel_loop3A_274 {strides = array<i32>} : memref<2x128x128xf32, #tpu.memory_space<vmem>>, vector<16xf32>,
        %parallel_loop3A_280 = arith.constant 0 : i32
        %parallel_loop3A_281 = arith.index_cast %parallel_loop3A_280 : i32 to index
        %parallel_loop3A_282 = arith.index_cast %parallel_loop3A_215 : i32 to index
        %parallel_loop3A_283 = arith.constant 64 : index
        %parallel_loop3A_284 = tpu.vector_load %arg13[%parallel_loop3A_281, %parallel_loop3A_282, %parallel_loop3A_283] {strides = array<i32>} : memref<2x128x128xf32, #tpu.memory_space<vmem>>, vector<16xf32>,
        %parallel_loop3A_285 = arith.subf %parallel_loop3A_284, %parallel_loop3A_219 : vector<16xf32>
        %parallel_loop3A_286 = arith.mulf %parallel_loop3A_285, %parallel_loop3A_223 : vector<16xf32>
        %parallel_loop3A_287 = arith.mulf %parallel_loop3A_286, %get3A_34 : vector<16xf32>
        %parallel_loop3A_288 = arith.addf %parallel_loop3A_287, %get3A_50 : vector<16xf32>
        %parallel_loop3A_289 = arith.constant 0 : i32
        %parallel_loop3A_290 = arith.index_cast %parallel_loop3A_289 : i32 to index
        %parallel_loop3A_291 = arith.index_cast %parallel_loop3A_215 : i32 to index
        %parallel_loop3A_292 = arith.constant 64 : index
        %parallel_loop3A_293 = tpu.vector_load %arg13[%parallel_loop3A_290, %parallel_loop3A_291, %parallel_loop3A_292] {strides = array<i32>} : memref<2x128x128xf32, #tpu.memory_space<vmem>>, vector<16xf32>,
        tpu.vector_store %arg13[%parallel_loop3A_290, %parallel_loop3A_291, %parallel_loop3A_292], %parallel_loop3A_288 {strides = array<i32>} : memref<2x128x128xf32, #tpu.memory_space<vmem>>, vector<16xf32>,
        %parallel_loop3A_294 = arith.constant 0 : i32
        %parallel_loop3A_295 = arith.index_cast %parallel_loop3A_294 : i32 to index
        %parallel_loop3A_296 = arith.index_cast %parallel_loop3A_215 : i32 to index
        %parallel_loop3A_297 = arith.constant 80 : index
        %parallel_loop3A_298 = tpu.vector_load %arg13[%parallel_loop3A_295, %parallel_loop3A_296, %parallel_loop3A_297] {strides = array<i32>} : memref<2x128x128xf32, #tpu.memory_space<vmem>>, vector<16xf32>,
        %parallel_loop3A_299 = arith.subf %parallel_loop3A_298, %parallel_loop3A_219 : vector<16xf32>
        %parallel_loop3A_300 = arith.mulf %parallel_loop3A_299, %parallel_loop3A_223 : vector<16xf32>
        %parallel_loop3A_301 = arith.mulf %parallel_loop3A_300, %get3A_36 : vector<16xf32>
        %parallel_loop3A_302 = arith.addf %parallel_loop3A_301, %get3A_52 : vector<16xf32>
        %parallel_loop3A_303 = arith.constant 0 : i32
        %parallel_loop3A_304 = arith.index_cast %parallel_loop3A_303 : i32 to index
        %parallel_loop3A_305 = arith.index_cast %parallel_loop3A_215 : i32 to index
        %parallel_loop3A_306 = arith.constant 80 : index
        %parallel_loop3A_307 = tpu.vector_load %arg13[%parallel_loop3A_304, %parallel_loop3A_305, %parallel_loop3A_306] {strides = array<i32>} : memref<2x128x128xf32, #tpu.memory_space<vmem>>, vector<16xf32>,
        tpu.vector_store %arg13[%parallel_loop3A_304, %parallel_loop3A_305, %parallel_loop3A_306], %parallel_loop3A_302 {strides = array<i32>} : memref<2x128x128xf32, #tpu.memory_space<vmem>>, vector<16xf32>,
        %parallel_loop3A_308 = arith.constant 0 : i32
        %parallel_loop3A_309 = arith.index_cast %parallel_loop3A_308 : i32 to index
        %parallel_loop3A_310 = arith.index_cast %parallel_loop3A_215 : i32 to index
        %parallel_loop3A_311 = arith.constant 96 : index
        %parallel_loop3A_312 = tpu.vector_load %arg13[%parallel_loop3A_309, %parallel_loop3A_310, %parallel_loop3A_311] {strides = array<i32>} : memref<2x128x128xf32, #tpu.memory_space<vmem>>, vector<16xf32>,
        %parallel_loop3A_313 = arith.subf %parallel_loop3A_312, %parallel_loop3A_219 : vector<16xf32>
        %parallel_loop3A_314 = arith.mulf %parallel_loop3A_313, %parallel_loop3A_223 : vector<16xf32>
        %parallel_loop3A_315 = arith.mulf %parallel_loop3A_314, %get3A_38 : vector<16xf32>
        %parallel_loop3A_316 = arith.addf %parallel_loop3A_315, %get3A_54 : vector<16xf32>
        %parallel_loop3A_317 = arith.constant 0 : i32
        %parallel_loop3A_318 = arith.index_cast %parallel_loop3A_317 : i32 to index
        %parallel_loop3A_319 = arith.index_cast %parallel_loop3A_215 : i32 to index
        %parallel_loop3A_320 = arith.constant 96 : index
        %parallel_loop3A_321 = tpu.vector_load %arg13[%parallel_loop3A_318, %parallel_loop3A_319, %parallel_loop3A_320] {strides = array<i32>} : memref<2x128x128xf32, #tpu.memory_space<vmem>>, vector<16xf32>,
        tpu.vector_store %arg13[%parallel_loop3A_318, %parallel_loop3A_319, %parallel_loop3A_320], %parallel_loop3A_316 {strides = array<i32>} : memref<2x128x128xf32, #tpu.memory_space<vmem>>, vector<16xf32>,
        %parallel_loop3A_322 = arith.constant 0 : i32
        %parallel_loop3A_323 = arith.index_cast %parallel_loop3A_322 : i32 to index
        %parallel_loop3A_324 = arith.index_cast %parallel_loop3A_215 : i32 to index
        %parallel_loop3A_325 = arith.constant 112 : index
        %parallel_loop3A_326 = tpu.vector_load %arg13[%parallel_loop3A_323, %parallel_loop3A_324, %parallel_loop3A_325] {strides = array<i32>} : memref<2x128x128xf32, #tpu.memory_space<vmem>>, vector<16xf32>,
        %parallel_loop3A_327 = arith.subf %parallel_loop3A_326, %parallel_loop3A_219 : vector<16xf32>
        %parallel_loop3A_328 = arith.mulf %parallel_loop3A_327, %parallel_loop3A_223 : vector<16xf32>
        %parallel_loop3A_329 = arith.mulf %parallel_loop3A_328, %get3A_40 : vector<16xf32>
        %parallel_loop3A_330 = arith.addf %parallel_loop3A_329, %get3A_56 : vector<16xf32>
        %parallel_loop3A_331 = arith.constant 0 : i32
        %parallel_loop3A_332 = arith.index_cast %parallel_loop3A_331 : i32 to index
        %parallel_loop3A_333 = arith.index_cast %parallel_loop3A_215 : i32 to index
        %parallel_loop3A_334 = arith.constant 112 : index
        %parallel_loop3A_335 = tpu.vector_load %arg13[%parallel_loop3A_332, %parallel_loop3A_333, %parallel_loop3A_334] {strides = array<i32>} : memref<2x128x128xf32, #tpu.memory_space<vmem>>, vector<16xf32>,
        tpu.vector_store %arg13[%parallel_loop3A_332, %parallel_loop3A_333, %parallel_loop3A_334], %parallel_loop3A_330 {strides = array<i32>} : memref<2x128x128xf32, #tpu.memory_space<vmem>>, vector<16xf32>,
      } {sc.loop_unroll_factor = 4 : i64, sc.parallel_access}
      %mul3A_135 = arith.constant 128 : i32
      %mul3A_136 = arith.muli %add3A_80, %mul3A_135 : i32
      %add3A_137 = arith.addi %mul3A_2, %mul3A_136 : i32
      %dma_start3A_138 = arith.constant 0 : i32
      %dma_start3A_139 = arith.constant 0 : i32
      %dma_start3A_140 = arith.constant 0 : i32
      %dma_start3A_141 = tpu.memref_slice %arg13[%dma_start3A_138, %dma_start3A_139, %dma_start3A_140] : memref<2x128x128xf32, #tpu.memory_space<vmem>> -> memref<1x128x128xf32, #tpu.memory_space<vmem>>
      %dma_start3A_142 = tpu.memref_squeeze %dma_start3A_141 : memref<1x128x128xf32, #tpu.memory_space<vmem>> -> memref<128x128xf32, #tpu.memory_space<vmem>>
      %dma_start3A_143 = arith.constant 0 : i32
      %dma_start3A_144 = tpu.memref_slice %arg9[%add3A_137, %dma_start3A_143] : memref<204800x128xf32, #tpu.memory_space<hbm>> -> memref<128x128xf32, #tpu.memory_space<hbm>>
      %dma_start3A_145 = arith.constant 0 : i32
      %dma_start3A_146 = tpu.memref_slice %arg9[%add3A_137, %dma_start3A_145] : memref<204800x128xf32, #tpu.memory_space<hbm>> -> memref<128x128xf32, #tpu.memory_space<hbm>>
      %dma_start3A_147 = arith.constant 0 : i32
      %dma_start3A_148 = arith.constant 0 : i32
      %dma_start3A_149 = tpu.memref_slice %arg13[%dma_start3A_138, %dma_start3A_147, %dma_start3A_148] : memref<2x128x128xf32, #tpu.memory_space<vmem>> -> memref<1x128x128xf32, #tpu.memory_space<vmem>>
      %dma_start3A_150 = tpu.memref_squeeze %dma_start3A_149 : memref<1x128x128xf32, #tpu.memory_space<vmem>> -> memref<128x128xf32, #tpu.memory_space<vmem>>
      tpu.enqueue_dma source(%dma_start3A_150 : memref<128x128xf32, #tpu.memory_space<vmem>>) target(%dma_start3A_146 : memref<128x128xf32, #tpu.memory_space<hbm>>) target_semaphore(%arg24 : memref<!tpu.dma_semaphore, #tpu.memory_space<semaphore_mem>>)
      %mul3A_151 = arith.constant 2 : i32
      %mul3A_152 = arith.muli %mul3A_151, %scan3A_75 : i32
      %add3A_153 = arith.constant 1 : i32
      %add3A_154 = arith.addi %mul3A_152, %add3A_153 : i32
      %dma_wait3A_155 = arith.constant 0 : i32
      %dma_wait3A_156 = arith.constant 0 : i32
      %dma_wait3A_157 = arith.constant 0 : i32
      %dma_wait3A_158 = tpu.memref_slice %arg13[%dma_wait3A_155, %dma_wait3A_156, %dma_wait3A_157] : memref<2x128x128xf32, #tpu.memory_space<vmem>> -> memref<1x128x128xf32, #tpu.memory_space<vmem>>
      %dma_wait3A_159 = tpu.memref_squeeze %dma_wait3A_158 : memref<1x128x128xf32, #tpu.memory_space<vmem>> -> memref<128x128xf32, #tpu.memory_space<vmem>>
      %dma_wait3A_160 = arith.constant 0 : i32
      %dma_wait3A_161 = tpu.memref_slice %arg9[%mul3A_2, %dma_wait3A_160] : memref<204800x128xf32, #tpu.memory_space<hbm>> -> memref<128x128xf32, #tpu.memory_space<hbm>>
      %dma_wait3A_162 = arith.constant 0 : i32
      %dma_wait3A_163 = tpu.memref_slice %arg9[%mul3A_2, %dma_wait3A_162] : memref<204800x128xf32, #tpu.memory_space<hbm>> -> memref<128x128xf32, #tpu.memory_space<hbm>>
      %dma_wait3A_164 = arith.constant 0 : i32
      %dma_wait3A_165 = arith.constant 0 : i32
      %dma_wait3A_166 = tpu.memref_slice %arg13[%dma_wait3A_155, %dma_wait3A_164, %dma_wait3A_165] : memref<2x128x128xf32, #tpu.memory_space<vmem>> -> memref<1x128x128xf32, #tpu.memory_space<vmem>>
      %dma_wait3A_167 = tpu.memref_squeeze %dma_wait3A_166 : memref<1x128x128xf32, #tpu.memory_space<vmem>> -> memref<128x128xf32, #tpu.memory_space<vmem>>
      tpu.wait_dma2 semaphore(%arg24 : memref<!tpu.dma_semaphore, #tpu.memory_space<semaphore_mem>>) src(%dma_wait3A_167 : memref<128x128xf32, #tpu.memory_space<vmem>>) dst(%dma_wait3A_163 : memref<128x128xf32, #tpu.memory_space<hbm>>)
      %lt3A = arith.constant 24 : i32
      %lt3A_168 = arith.cmpi slt, %scan3A_75, %lt3A : i32
      %convert_element_type3A_169 = arith.extui %lt3A_168 : i1 to i32
      %cond3A_170 = arith.constant 0 : i32
      %cond3A_171 = arith.cmpi ne, %convert_element_type3A_169, %cond3A_170 : i32
      scf.if %cond3A_171 {
        %add3A_215 = arith.constant 1 : i32
        %add3A_216 = arith.addi %add3A_154, %add3A_215 : i32
        %mul3A_217 = arith.constant 128 : i32
        %mul3A_218 = arith.muli %add3A_216, %mul3A_217 : i32
        %dma_start3A_219 = arith.constant 0 : i32
        %dma_start3A_220 = arith.constant 0 : i32
        %dma_start3A_221 = arith.constant 0 : i32
        %dma_start3A_222 = tpu.memref_slice %arg13[%dma_start3A_219, %dma_start3A_220, %dma_start3A_221] : memref<2x128x128xf32, #tpu.memory_space<vmem>> -> memref<1x128x128xf32, #tpu.memory_space<vmem>>
        %dma_start3A_223 = tpu.memref_squeeze %dma_start3A_222 : memref<1x128x128xf32, #tpu.memory_space<vmem>> -> memref<128x128xf32, #tpu.memory_space<vmem>>
        %dma_start3A_224 = tpu.memref_slice %arg10[%mul3A_218] : memref<6400xi32, #tpu.memory_space<vmem>> -> memref<128xi32, #tpu.memory_space<vmem>>
        %dma_start3A_225 = arith.constant 0 : i32
        %dma_start3A_226 = arith.constant 0 : i32
        %dma_start3A_227 = tpu.memref_slice %arg5[%dma_start3A_225, %dma_start3A_226] : memref<28996x128xf32, #tpu.memory_space<hbm>> -> memref<28996x128xf32, #tpu.memory_space<hbm>>
        tpu.enqueue_indirect_dma source(%dma_start3A_227 : memref<28996x128xf32, #tpu.memory_space<hbm>>) target(%dma_start3A_223 : memref<128x128xf32, #tpu.memory_space<vmem>>) offsets(%dma_start3A_224 : memref<128xi32, #tpu.memory_space<vmem>>) semaphore(%arg20 : memref<!tpu.dma_semaphore, #tpu.memory_space<semaphore_mem>>)
        %mul3A_228 = arith.constant 128 : i32
        %mul3A_229 = arith.muli %add3A_216, %mul3A_228 : i32
        %dma_start3A_230 = arith.constant 0 : i32
        %dma_start3A_231 = arith.constant 0 : i32
        %dma_start3A_232 = arith.constant 0 : i32
        %dma_start3A_233 = tpu.memref_slice %arg14[%dma_start3A_230, %dma_start3A_231, %dma_start3A_232] : memref<2x128x128xf32, #tpu.memory_space<vmem>> -> memref<1x128x128xf32, #tpu.memory_space<vmem>>
        %dma_start3A_234 = tpu.memref_squeeze %dma_start3A_233 : memref<1x128x128xf32, #tpu.memory_space<vmem>> -> memref<128x128xf32, #tpu.memory_space<vmem>>
        %dma_start3A_235 = tpu.memref_slice %arg11[%mul3A_229] : memref<6400xi32, #tpu.memory_space<vmem>> -> memref<128xi32, #tpu.memory_space<vmem>>
        %dma_start3A_236 = arith.constant 0 : i32
        %dma_start3A_237 = arith.constant 0 : i32
        %dma_start3A_238 = tpu.memref_slice %arg15[%dma_start3A_236, %dma_start3A_237] : memref<112x128xf32, #tpu.memory_space<vmem_shared>> -> memref<112x128xf32, #tpu.memory_space<vmem_shared>>
        tpu.enqueue_indirect_dma source(%dma_start3A_238 : memref<112x128xf32, #tpu.memory_space<vmem_shared>>) target(%dma_start3A_234 : memref<128x128xf32, #tpu.memory_space<vmem>>) offsets(%dma_start3A_235 : memref<128xi32, #tpu.memory_space<vmem>>) semaphore(%arg22 : memref<!tpu.dma_semaphore, #tpu.memory_space<semaphore_mem>>)
      } else {
      }
      %dma_wait3A_172 = arith.constant 1 : i32
      %dma_wait3A_173 = arith.constant 0 : i32
      %dma_wait3A_174 = arith.constant 0 : i32
      %dma_wait3A_175 = tpu.memref_slice %arg13[%dma_wait3A_172, %dma_wait3A_173, %dma_wait3A_174] : memref<2x128x128xf32, #tpu.memory_space<vmem>> -> memref<1x128x128xf32, #tpu.memory_space<vmem>>
      %dma_wait3A_176 = tpu.memref_squeeze %dma_wait3A_175 : memref<1x128x128xf32, #tpu.memory_space<vmem>> -> memref<128x128xf32, #tpu.memory_space<vmem>>
      %dma_wait3A_177 = arith.constant 0 : i32
      %dma_wait3A_178 = tpu.memref_slice %arg10[%dma_wait3A_177] : memref<6400xi32, #tpu.memory_space<vmem>> -> memref<128xi32, #tpu.memory_space<vmem>>
      %dma_wait3A_179 = arith.constant 0 : i32
      %dma_wait3A_180 = arith.constant 0 : i32
      %dma_wait3A_181 = tpu.memref_slice %arg5[%dma_wait3A_179, %dma_wait3A_180] : memref<28996x128xf32, #tpu.memory_space<hbm>> -> memref<28996x128xf32, #tpu.memory_space<hbm>>
      tpu.wait_indirect_dma semaphore(%arg21 : memref<!tpu.dma_semaphore, #tpu.memory_space<semaphore_mem>>) src(%dma_wait3A_181 : memref<28996x128xf32, #tpu.memory_space<hbm>>) dst(%dma_wait3A_176 : memref<128x128xf32, #tpu.memory_space<vmem>>)
      %dma_wait3A_182 = arith.constant 1 : i32
      %dma_wait3A_183 = arith.constant 0 : i32
      %dma_wait3A_184 = arith.constant 0 : i32
      %dma_wait3A_185 = tpu.memref_slice %arg14[%dma_wait3A_182, %dma_wait3A_183, %dma_wait3A_184] : memref<2x128x128xf32, #tpu.memory_space<vmem>> -> memref<1x128x128xf32, #tpu.memory_space<vmem>>
      %dma_wait3A_186 = tpu.memref_squeeze %dma_wait3A_185 : memref<1x128x128xf32, #tpu.memory_space<vmem>> -> memref<128x128xf32, #tpu.memory_space<vmem>>
      %dma_wait3A_187 = arith.constant 0 : i32
      %dma_wait3A_188 = tpu.memref_slice %arg11[%dma_wait3A_187] : memref<6400xi32, #tpu.memory_space<vmem>> -> memref<128xi32, #tpu.memory_space<vmem>>
      %dma_wait3A_189 = arith.constant 0 : i32
      %dma_wait3A_190 = arith.constant 0 : i32
      %dma_wait3A_191 = tpu.memref_slice %arg15[%dma_wait3A_189, %dma_wait3A_190] : memref<112x128xf32, #tpu.memory_space<vmem_shared>> -> memref<112x128xf32, #tpu.memory_space<vmem_shared>>
      tpu.wait_indirect_dma semaphore(%arg23 : memref<!tpu.dma_semaphore, #tpu.memory_space<semaphore_mem>>) src(%dma_wait3A_191 : memref<112x128xf32, #tpu.memory_space<vmem_shared>>) dst(%dma_wait3A_186 : memref<128x128xf32, #tpu.memory_space<vmem>>)
      %parallel_loop3A_192 = arith.constant 0 : i32
      %parallel_loop3A_193 = arith.constant 128 : i32
      %parallel_loop3A_194 = arith.constant 1 : i32
      scf.for %parallel_loop3A_215 = %parallel_loop3A_192 to %parallel_loop3A_193 step %parallel_loop3A_194  : i32 {
        %parallel_loop3A_216 = arith.constant 1 : i32
        %parallel_loop3A_217 = arith.index_cast %parallel_loop3A_216 : i32 to index
        %parallel_loop3A_218 = arith.index_cast %parallel_loop3A_215 : i32 to index
        %parallel_loop3A_219 = arith.constant 0 : index
        %parallel_loop3A_220 = tpu.vector_load %arg13[%parallel_loop3A_217, %parallel_loop3A_218, %parallel_loop3A_219] {strides = array<i32>} : memref<2x128x128xf32, #tpu.memory_space<vmem>>, vector<16xf32>,
        %parallel_loop3A_221 = arith.constant 1 : i32
        %parallel_loop3A_222 = arith.index_cast %parallel_loop3A_221 : i32 to index
        %parallel_loop3A_223 = arith.index_cast %parallel_loop3A_215 : i32 to index
        %parallel_loop3A_224 = arith.constant 0 : index
        %parallel_loop3A_225 = tpu.vector_load %arg14[%parallel_loop3A_222, %parallel_loop3A_223, %parallel_loop3A_224] {strides = array<i32>} : memref<2x128x128xf32, #tpu.memory_space<vmem>>, vector<16xf32>,
        %parallel_loop3A_226 = arith.addf %parallel_loop3A_220, %parallel_loop3A_225 : vector<16xf32>
        %parallel_loop3A_227 = arith.constant 1 : i32
        %parallel_loop3A_228 = arith.index_cast %parallel_loop3A_227 : i32 to index
        %parallel_loop3A_229 = arith.index_cast %parallel_loop3A_215 : i32 to index
        %parallel_loop3A_230 = arith.constant 0 : index
        %parallel_loop3A_231 = tpu.vector_load %arg13[%parallel_loop3A_228, %parallel_loop3A_229, %parallel_loop3A_230] {strides = array<i32>} : memref<2x128x128xf32, #tpu.memory_space<vmem>>, vector<16xf32>,
        tpu.vector_store %arg13[%parallel_loop3A_228, %parallel_loop3A_229, %parallel_loop3A_230], %parallel_loop3A_226 {strides = array<i32>} : memref<2x128x128xf32, #tpu.memory_space<vmem>>, vector<16xf32>,
        %parallel_loop3A_232 = arith.mulf %parallel_loop3A_226, %parallel_loop3A_226 : vector<16xf32>
        %parallel_loop3A_233 = arith.constant 1 : i32
        %parallel_loop3A_234 = arith.index_cast %parallel_loop3A_233 : i32 to index
        %parallel_loop3A_235 = arith.index_cast %parallel_loop3A_215 : i32 to index
        %parallel_loop3A_236 = arith.constant 16 : index
        %parallel_loop3A_237 = tpu.vector_load %arg13[%parallel_loop3A_234, %parallel_loop3A_235, %parallel_loop3A_236] {strides = array<i32>} : memref<2x128x128xf32, #tpu.memory_space<vmem>>, vector<16xf32>,
        %parallel_loop3A_238 = arith.constant 1 : i32
        %parallel_loop3A_239 = arith.index_cast %parallel_loop3A_238 : i32 to index
        %parallel_loop3A_240 = arith.index_cast %parallel_loop3A_215 : i32 to index
        %parallel_loop3A_241 = arith.constant 16 : index
        %parallel_loop3A_242 = tpu.vector_load %arg14[%parallel_loop3A_239, %parallel_loop3A_240, %parallel_loop3A_241] {strides = array<i32>} : memref<2x128x128xf32, #tpu.memory_space<vmem>>, vector<16xf32>,
        %parallel_loop3A_243 = arith.addf %parallel_loop3A_237, %parallel_loop3A_242 : vector<16xf32>
        %parallel_loop3A_244 = arith.constant 1 : i32
        %parallel_loop3A_245 = arith.index_cast %parallel_loop3A_244 : i32 to index
        %parallel_loop3A_246 = arith.index_cast %parallel_loop3A_215 : i32 to index
        %parallel_loop3A_247 = arith.constant 16 : index
        %parallel_loop3A_248 = tpu.vector_load %arg13[%parallel_loop3A_245, %parallel_loop3A_246, %parallel_loop3A_247] {strides = array<i32>} : memref<2x128x128xf32, #tpu.memory_space<vmem>>, vector<16xf32>,
        tpu.vector_store %arg13[%parallel_loop3A_245, %parallel_loop3A_246, %parallel_loop3A_247], %parallel_loop3A_243 {strides = array<i32>} : memref<2x128x128xf32, #tpu.memory_space<vmem>>, vector<16xf32>,
        %parallel_loop3A_249 = arith.addf %parallel_loop3A_226, %parallel_loop3A_243 : vector<16xf32>
        %parallel_loop3A_250 = arith.mulf %parallel_loop3A_243, %parallel_loop3A_243 : vector<16xf32>
        %parallel_loop3A_251 = arith.addf %parallel_loop3A_232, %parallel_loop3A_250 : vector<16xf32>
        %parallel_loop3A_252 = arith.constant 1 : i32
        %parallel_loop3A_253 = arith.index_cast %parallel_loop3A_252 : i32 to index
        %parallel_loop3A_254 = arith.index_cast %parallel_loop3A_215 : i32 to index
        %parallel_loop3A_255 = arith.constant 32 : index
        %parallel_loop3A_256 = tpu.vector_load %arg13[%parallel_loop3A_253, %parallel_loop3A_254, %parallel_loop3A_255] {strides = array<i32>} : memref<2x128x128xf32, #tpu.memory_space<vmem>>, vector<16xf32>,
        %parallel_loop3A_257 = arith.constant 1 : i32
        %parallel_loop3A_258 = arith.index_cast %parallel_loop3A_257 : i32 to index
        %parallel_loop3A_259 = arith.index_cast %parallel_loop3A_215 : i32 to index
        %parallel_loop3A_260 = arith.constant 32 : index
        %parallel_loop3A_261 = tpu.vector_load %arg14[%parallel_loop3A_258, %parallel_loop3A_259, %parallel_loop3A_260] {strides = array<i32>} : memref<2x128x128xf32, #tpu.memory_space<vmem>>, vector<16xf32>,
        %parallel_loop3A_262 = arith.addf %parallel_loop3A_256, %parallel_loop3A_261 : vector<16xf32>
        %parallel_loop3A_263 = arith.constant 1 : i32
        %parallel_loop3A_264 = arith.index_cast %parallel_loop3A_263 : i32 to index
        %parallel_loop3A_265 = arith.index_cast %parallel_loop3A_215 : i32 to index
        %parallel_loop3A_266 = arith.constant 32 : index
        %parallel_loop3A_267 = tpu.vector_load %arg13[%parallel_loop3A_264, %parallel_loop3A_265, %parallel_loop3A_266] {strides = array<i32>} : memref<2x128x128xf32, #tpu.memory_space<vmem>>, vector<16xf32>,
        tpu.vector_store %arg13[%parallel_loop3A_264, %parallel_loop3A_265, %parallel_loop3A_266], %parallel_loop3A_262 {strides = array<i32>} : memref<2x128x128xf32, #tpu.memory_space<vmem>>, vector<16xf32>,
        %parallel_loop3A_268 = arith.addf %parallel_loop3A_249, %parallel_loop3A_262 : vector<16xf32>
        %parallel_loop3A_269 = arith.mulf %parallel_loop3A_262, %parallel_loop3A_262 : vector<16xf32>
        %parallel_loop3A_270 = arith.addf %parallel_loop3A_251, %parallel_loop3A_269 : vector<16xf32>
        %parallel_loop3A_271 = arith.constant 1 : i32
        %parallel_loop3A_272 = arith.index_cast %parallel_loop3A_271 : i32 to index
        %parallel_loop3A_273 = arith.index_cast %parallel_loop3A_215 : i32 to index
        %parallel_loop3A_274 = arith.constant 48 : index
        %parallel_loop3A_275 = tpu.vector_load %arg13[%parallel_loop3A_272, %parallel_loop3A_273, %parallel_loop3A_274] {strides = array<i32>} : memref<2x128x128xf32, #tpu.memory_space<vmem>>, vector<16xf32>,
        %parallel_loop3A_276 = arith.constant 1 : i32
        %parallel_loop3A_277 = arith.index_cast %parallel_loop3A_276 : i32 to index
        %parallel_loop3A_278 = arith.index_cast %parallel_loop3A_215 : i32 to index
        %parallel_loop3A_279 = arith.constant 48 : index
        %parallel_loop3A_280 = tpu.vector_load %arg14[%parallel_loop3A_277, %parallel_loop3A_278, %parallel_loop3A_279] {strides = array<i32>} : memref<2x128x128xf32, #tpu.memory_space<vmem>>, vector<16xf32>,
        %parallel_loop3A_281 = arith.addf %parallel_loop3A_275, %parallel_loop3A_280 : vector<16xf32>
        %parallel_loop3A_282 = arith.constant 1 : i32
        %parallel_loop3A_283 = arith.index_cast %parallel_loop3A_282 : i32 to index
        %parallel_loop3A_284 = arith.index_cast %parallel_loop3A_215 : i32 to index
        %parallel_loop3A_285 = arith.constant 48 : index
        %parallel_loop3A_286 = tpu.vector_load %arg13[%parallel_loop3A_283, %parallel_loop3A_284, %parallel_loop3A_285] {strides = array<i32>} : memref<2x128x128xf32, #tpu.memory_space<vmem>>, vector<16xf32>,
        tpu.vector_store %arg13[%parallel_loop3A_283, %parallel_loop3A_284, %parallel_loop3A_285], %parallel_loop3A_281 {strides = array<i32>} : memref<2x128x128xf32, #tpu.memory_space<vmem>>, vector<16xf32>,
        %parallel_loop3A_287 = arith.addf %parallel_loop3A_268, %parallel_loop3A_281 : vector<16xf32>
        %parallel_loop3A_288 = arith.mulf %parallel_loop3A_281, %parallel_loop3A_281 : vector<16xf32>
        %parallel_loop3A_289 = arith.addf %parallel_loop3A_270, %parallel_loop3A_288 : vector<16xf32>
        %parallel_loop3A_290 = arith.constant 1 : i32
        %parallel_loop3A_291 = arith.index_cast %parallel_loop3A_290 : i32 to index
        %parallel_loop3A_292 = arith.index_cast %parallel_loop3A_215 : i32 to index
        %parallel_loop3A_293 = arith.constant 64 : index
        %parallel_loop3A_294 = tpu.vector_load %arg13[%parallel_loop3A_291, %parallel_loop3A_292, %parallel_loop3A_293] {strides = array<i32>} : memref<2x128x128xf32, #tpu.memory_space<vmem>>, vector<16xf32>,
        %parallel_loop3A_295 = arith.constant 1 : i32
        %parallel_loop3A_296 = arith.index_cast %parallel_loop3A_295 : i32 to index
        %parallel_loop3A_297 = arith.index_cast %parallel_loop3A_215 : i32 to index
        %parallel_loop3A_298 = arith.constant 64 : index
        %parallel_loop3A_299 = tpu.vector_load %arg14[%parallel_loop3A_296, %parallel_loop3A_297, %parallel_loop3A_298] {strides = array<i32>} : memref<2x128x128xf32, #tpu.memory_space<vmem>>, vector<16xf32>,
        %parallel_loop3A_300 = arith.addf %parallel_loop3A_294, %parallel_loop3A_299 : vector<16xf32>
        %parallel_loop3A_301 = arith.constant 1 : i32
        %parallel_loop3A_302 = arith.index_cast %parallel_loop3A_301 : i32 to index
        %parallel_loop3A_303 = arith.index_cast %parallel_loop3A_215 : i32 to index
        %parallel_loop3A_304 = arith.constant 64 : index
        %parallel_loop3A_305 = tpu.vector_load %arg13[%parallel_loop3A_302, %parallel_loop3A_303, %parallel_loop3A_304] {strides = array<i32>} : memref<2x128x128xf32, #tpu.memory_space<vmem>>, vector<16xf32>,
        tpu.vector_store %arg13[%parallel_loop3A_302, %parallel_loop3A_303, %parallel_loop3A_304], %parallel_loop3A_300 {strides = array<i32>} : memref<2x128x128xf32, #tpu.memory_space<vmem>>, vector<16xf32>,
        %parallel_loop3A_306 = arith.addf %parallel_loop3A_287, %parallel_loop3A_300 : vector<16xf32>
        %parallel_loop3A_307 = arith.mulf %parallel_loop3A_300, %parallel_loop3A_300 : vector<16xf32>
        %parallel_loop3A_308 = arith.addf %parallel_loop3A_289, %parallel_loop3A_307 : vector<16xf32>
        %parallel_loop3A_309 = arith.constant 1 : i32
        %parallel_loop3A_310 = arith.index_cast %parallel_loop3A_309 : i32 to index
        %parallel_loop3A_311 = arith.index_cast %parallel_loop3A_215 : i32 to index
        %parallel_loop3A_312 = arith.constant 80 : index
        %parallel_loop3A_313 = tpu.vector_load %arg13[%parallel_loop3A_310, %parallel_loop3A_311, %parallel_loop3A_312] {strides = array<i32>} : memref<2x128x128xf32, #tpu.memory_space<vmem>>, vector<16xf32>,
        %parallel_loop3A_314 = arith.constant 1 : i32
        %parallel_loop3A_315 = arith.index_cast %parallel_loop3A_314 : i32 to index
        %parallel_loop3A_316 = arith.index_cast %parallel_loop3A_215 : i32 to index
        %parallel_loop3A_317 = arith.constant 80 : index
        %parallel_loop3A_318 = tpu.vector_load %arg14[%parallel_loop3A_315, %parallel_loop3A_316, %parallel_loop3A_317] {strides = array<i32>} : memref<2x128x128xf32, #tpu.memory_space<vmem>>, vector<16xf32>,
        %parallel_loop3A_319 = arith.addf %parallel_loop3A_313, %parallel_loop3A_318 : vector<16xf32>
        %parallel_loop3A_320 = arith.constant 1 : i32
        %parallel_loop3A_321 = arith.index_cast %parallel_loop3A_320 : i32 to index
        %parallel_loop3A_322 = arith.index_cast %parallel_loop3A_215 : i32 to index
        %parallel_loop3A_323 = arith.constant 80 : index
        %parallel_loop3A_324 = tpu.vector_load %arg13[%parallel_loop3A_321, %parallel_loop3A_322, %parallel_loop3A_323] {strides = array<i32>} : memref<2x128x128xf32, #tpu.memory_space<vmem>>, vector<16xf32>,
        tpu.vector_store %arg13[%parallel_loop3A_321, %parallel_loop3A_322, %parallel_loop3A_323], %parallel_loop3A_319 {strides = array<i32>} : memref<2x128x128xf32, #tpu.memory_space<vmem>>, vector<16xf32>,
        %parallel_loop3A_325 = arith.addf %parallel_loop3A_306, %parallel_loop3A_319 : vector<16xf32>
        %parallel_loop3A_326 = arith.mulf %parallel_loop3A_319, %parallel_loop3A_319 : vector<16xf32>
        %parallel_loop3A_327 = arith.addf %parallel_loop3A_308, %parallel_loop3A_326 : vector<16xf32>
        %parallel_loop3A_328 = arith.constant 1 : i32
        %parallel_loop3A_329 = arith.index_cast %parallel_loop3A_328 : i32 to index
        %parallel_loop3A_330 = arith.index_cast %parallel_loop3A_215 : i32 to index
        %parallel_loop3A_331 = arith.constant 96 : index
        %parallel_loop3A_332 = tpu.vector_load %arg13[%parallel_loop3A_329, %parallel_loop3A_330, %parallel_loop3A_331] {strides = array<i32>} : memref<2x128x128xf32, #tpu.memory_space<vmem>>, vector<16xf32>,
        %parallel_loop3A_333 = arith.constant 1 : i32
        %parallel_loop3A_334 = arith.index_cast %parallel_loop3A_333 : i32 to index
        %parallel_loop3A_335 = arith.index_cast %parallel_loop3A_215 : i32 to index
        %parallel_loop3A_336 = arith.constant 96 : index
        %parallel_loop3A_337 = tpu.vector_load %arg14[%parallel_loop3A_334, %parallel_loop3A_335, %parallel_loop3A_336] {strides = array<i32>} : memref<2x128x128xf32, #tpu.memory_space<vmem>>, vector<16xf32>,
        %parallel_loop3A_338 = arith.addf %parallel_loop3A_332, %parallel_loop3A_337 : vector<16xf32>
        %parallel_loop3A_339 = arith.constant 1 : i32
        %parallel_loop3A_340 = arith.index_cast %parallel_loop3A_339 : i32 to index
        %parallel_loop3A_341 = arith.index_cast %parallel_loop3A_215 : i32 to index
        %parallel_loop3A_342 = arith.constant 96 : index
        %parallel_loop3A_343 = tpu.vector_load %arg13[%parallel_loop3A_340, %parallel_loop3A_341, %parallel_loop3A_342] {strides = array<i32>} : memref<2x128x128xf32, #tpu.memory_space<vmem>>, vector<16xf32>,
        tpu.vector_store %arg13[%parallel_loop3A_340, %parallel_loop3A_341, %parallel_loop3A_342], %parallel_loop3A_338 {strides = array<i32>} : memref<2x128x128xf32, #tpu.memory_space<vmem>>, vector<16xf32>,
        %parallel_loop3A_344 = arith.addf %parallel_loop3A_325, %parallel_loop3A_338 : vector<16xf32>
        %parallel_loop3A_345 = arith.mulf %parallel_loop3A_338, %parallel_loop3A_338 : vector<16xf32>
        %parallel_loop3A_346 = arith.addf %parallel_loop3A_327, %parallel_loop3A_345 : vector<16xf32>
        %parallel_loop3A_347 = arith.constant 1 : i32
        %parallel_loop3A_348 = arith.index_cast %parallel_loop3A_347 : i32 to index
        %parallel_loop3A_349 = arith.index_cast %parallel_loop3A_215 : i32 to index
        %parallel_loop3A_350 = arith.constant 112 : index
        %parallel_loop3A_351 = tpu.vector_load %arg13[%parallel_loop3A_348, %parallel_loop3A_349, %parallel_loop3A_350] {strides = array<i32>} : memref<2x128x128xf32, #tpu.memory_space<vmem>>, vector<16xf32>,
        %parallel_loop3A_352 = arith.constant 1 : i32
        %parallel_loop3A_353 = arith.index_cast %parallel_loop3A_352 : i32 to index
        %parallel_loop3A_354 = arith.index_cast %parallel_loop3A_215 : i32 to index
        %parallel_loop3A_355 = arith.constant 112 : index
        %parallel_loop3A_356 = tpu.vector_load %arg14[%parallel_loop3A_353, %parallel_loop3A_354, %parallel_loop3A_355] {strides = array<i32>} : memref<2x128x128xf32, #tpu.memory_space<vmem>>, vector<16xf32>,
        %parallel_loop3A_357 = arith.addf %parallel_loop3A_351, %parallel_loop3A_356 : vector<16xf32>
        %parallel_loop3A_358 = arith.constant 1 : i32
        %parallel_loop3A_359 = arith.index_cast %parallel_loop3A_358 : i32 to index
        %parallel_loop3A_360 = arith.index_cast %parallel_loop3A_215 : i32 to index
        %parallel_loop3A_361 = arith.constant 112 : index
        %parallel_loop3A_362 = tpu.vector_load %arg13[%parallel_loop3A_359, %parallel_loop3A_360, %parallel_loop3A_361] {strides = array<i32>} : memref<2x128x128xf32, #tpu.memory_space<vmem>>, vector<16xf32>,
        tpu.vector_store %arg13[%parallel_loop3A_359, %parallel_loop3A_360, %parallel_loop3A_361], %parallel_loop3A_357 {strides = array<i32>} : memref<2x128x128xf32, #tpu.memory_space<vmem>>, vector<16xf32>,
        %parallel_loop3A_363 = arith.addf %parallel_loop3A_344, %parallel_loop3A_357 : vector<16xf32>
        %parallel_loop3A_364 = arith.mulf %parallel_loop3A_357, %parallel_loop3A_357 : vector<16xf32>
        %parallel_loop3A_365 = arith.addf %parallel_loop3A_346, %parallel_loop3A_364 : vector<16xf32>
        %parallel_loop3A_366 = arith.constant true
        %parallel_loop3A_367 = vector.broadcast %parallel_loop3A_366 : i1 to vector<16xi1>
        %parallel_loop3A_368 = tpu.scan <sum>, %parallel_loop3A_363 masked %parallel_loop3A_367 : vector<16xf32>, vector<16xi1> -> vector<16xf32>
        %parallel_loop3A_369 = vector.extract %parallel_loop3A_368[15] : f32 from vector<16xf32>
        %parallel_loop3A_370 = vector.broadcast %parallel_loop3A_369 : f32 to vector<16xf32>
        %parallel_loop3A_371 = arith.constant 7.812500e-03 : f32
        %parallel_loop3A_372 = vector.broadcast %parallel_loop3A_371 : f32 to vector<16xf32>
        %parallel_loop3A_373 = arith.mulf %parallel_loop3A_370, %parallel_loop3A_372 : vector<16xf32>
        %parallel_loop3A_374 = arith.constant true
        %parallel_loop3A_375 = vector.broadcast %parallel_loop3A_374 : i1 to vector<16xi1>
        %parallel_loop3A_376 = tpu.scan <sum>, %parallel_loop3A_365 masked %parallel_loop3A_375 : vector<16xf32>, vector<16xi1> -> vector<16xf32>
        %parallel_loop3A_377 = vector.extract %parallel_loop3A_376[15] : f32 from vector<16xf32>
        %parallel_loop3A_378 = vector.broadcast %parallel_loop3A_377 : f32 to vector<16xf32>
        %parallel_loop3A_379 = arith.constant 7.812500e-03 : f32
        %parallel_loop3A_380 = vector.broadcast %parallel_loop3A_379 : f32 to vector<16xf32>
        %parallel_loop3A_381 = arith.mulf %parallel_loop3A_378, %parallel_loop3A_380 : vector<16xf32>
        %parallel_loop3A_382 = arith.constant 16 : i32
        %parallel_loop3A_383 = arith.muli %parallel_loop3A_215, %parallel_loop3A_382 : i32
        %parallel_loop3A_384 = arith.index_cast %parallel_loop3A_383 : i32 to index
        %parallel_loop3A_385 = tpu.vector_load %arg18[%parallel_loop3A_384] {strides = array<i32>} : memref<2048xf32, #tpu.memory_space<vmem>>, vector<16xf32>,
        tpu.vector_store %arg18[%parallel_loop3A_384], %parallel_loop3A_373 {strides = array<i32>} : memref<2048xf32, #tpu.memory_space<vmem>>, vector<16xf32>,
        %parallel_loop3A_386 = arith.mulf %parallel_loop3A_373, %parallel_loop3A_373 : vector<16xf32>
        %parallel_loop3A_387 = arith.subf %parallel_loop3A_381, %parallel_loop3A_386 : vector<16xf32>
        %parallel_loop3A_388 = arith.constant 9.99999996E-13 : f32
        %parallel_loop3A_389 = vector.broadcast %parallel_loop3A_388 : f32 to vector<16xf32>
        %parallel_loop3A_390 = arith.addf %parallel_loop3A_387, %parallel_loop3A_389 : vector<16xf32>
        %parallel_loop3A_391 = tpu.bitcast %parallel_loop3A_390 : vector<16xf32> -> vector<16xi32>
        %parallel_loop3A_392 = arith.constant 1 : i32
        %parallel_loop3A_393 = vector.broadcast %parallel_loop3A_392 : i32 to vector<16xi32>
        %parallel_loop3A_394 = arith.shrsi %parallel_loop3A_391, %parallel_loop3A_393 : vector<16xi32>
        %parallel_loop3A_395 = arith.constant 1597463007 : i32
        %parallel_loop3A_396 = vector.broadcast %parallel_loop3A_395 : i32 to vector<16xi32>
        %parallel_loop3A_397 = arith.subi %parallel_loop3A_396, %parallel_loop3A_394 : vector<16xi32>
        %parallel_loop3A_398 = tpu.bitcast %parallel_loop3A_397 : vector<16xi32> -> vector<16xf32>
        %parallel_loop3A_399 = arith.constant 5.000000e-01 : f32
        %parallel_loop3A_400 = vector.broadcast %parallel_loop3A_399 : f32 to vector<16xf32>
        %parallel_loop3A_401 = arith.mulf %parallel_loop3A_400, %parallel_loop3A_390 : vector<16xf32>
        %parallel_loop3A_402 = arith.mulf %parallel_loop3A_401, %parallel_loop3A_398 : vector<16xf32>
        %parallel_loop3A_403 = arith.mulf %parallel_loop3A_402, %parallel_loop3A_398 : vector<16xf32>
        %parallel_loop3A_404 = arith.constant 1.500000e+00 : f32
        %parallel_loop3A_405 = vector.broadcast %parallel_loop3A_404 : f32 to vector<16xf32>
        %parallel_loop3A_406 = arith.subf %parallel_loop3A_405, %parallel_loop3A_403 : vector<16xf32>
        %parallel_loop3A_407 = arith.mulf %parallel_loop3A_398, %parallel_loop3A_406 : vector<16xf32>
        %parallel_loop3A_408 = arith.mulf %parallel_loop3A_401, %parallel_loop3A_407 : vector<16xf32>
        %parallel_loop3A_409 = arith.mulf %parallel_loop3A_408, %parallel_loop3A_407 : vector<16xf32>
        %parallel_loop3A_410 = arith.constant 1.500000e+00 : f32
        %parallel_loop3A_411 = vector.broadcast %parallel_loop3A_410 : f32 to vector<16xf32>
        %parallel_loop3A_412 = arith.subf %parallel_loop3A_411, %parallel_loop3A_409 : vector<16xf32>
        %parallel_loop3A_413 = arith.mulf %parallel_loop3A_407, %parallel_loop3A_412 : vector<16xf32>
        %parallel_loop3A_414 = arith.constant 16 : i32
        %parallel_loop3A_415 = arith.muli %parallel_loop3A_215, %parallel_loop3A_414 : i32
        %parallel_loop3A_416 = arith.index_cast %parallel_loop3A_415 : i32 to index
        %parallel_loop3A_417 = tpu.vector_load %arg19[%parallel_loop3A_416] {strides = array<i32>} : memref<2048xf32, #tpu.memory_space<vmem>>, vector<16xf32>,
        tpu.vector_store %arg19[%parallel_loop3A_416], %parallel_loop3A_413 {strides = array<i32>} : memref<2048xf32, #tpu.memory_space<vmem>>, vector<16xf32>,
      } {sc.loop_unroll_factor = 4 : i64, sc.parallel_access}
      %parallel_loop3A_195 = arith.constant 0 : i32
      %parallel_loop3A_196 = arith.constant 128 : i32
      %parallel_loop3A_197 = arith.constant 1 : i32
      scf.for %parallel_loop3A_215 = %parallel_loop3A_195 to %parallel_loop3A_196 step %parallel_loop3A_197  : i32 {
        %parallel_loop3A_216 = arith.constant 16 : i32
        %parallel_loop3A_217 = arith.muli %parallel_loop3A_215, %parallel_loop3A_216 : i32
        %parallel_loop3A_218 = arith.index_cast %parallel_loop3A_217 : i32 to index
        %parallel_loop3A_219 = tpu.vector_load %arg18[%parallel_loop3A_218] {strides = array<i32>} : memref<2048xf32, #tpu.memory_space<vmem>>, vector<16xf32>,
        %parallel_loop3A_220 = arith.constant 16 : i32
        %parallel_loop3A_221 = arith.muli %parallel_loop3A_215, %parallel_loop3A_220 : i32
        %parallel_loop3A_222 = arith.index_cast %parallel_loop3A_221 : i32 to index
        %parallel_loop3A_223 = tpu.vector_load %arg19[%parallel_loop3A_222] {strides = array<i32>} : memref<2048xf32, #tpu.memory_space<vmem>>, vector<16xf32>,
        %parallel_loop3A_224 = arith.constant 1 : i32
        %parallel_loop3A_225 = arith.index_cast %parallel_loop3A_224 : i32 to index
        %parallel_loop3A_226 = arith.index_cast %parallel_loop3A_215 : i32 to index
        %parallel_loop3A_227 = arith.constant 0 : index
        %parallel_loop3A_228 = tpu.vector_load %arg13[%parallel_loop3A_225, %parallel_loop3A_226, %parallel_loop3A_227] {strides = array<i32>} : memref<2x128x128xf32, #tpu.memory_space<vmem>>, vector<16xf32>,
        %parallel_loop3A_229 = arith.subf %parallel_loop3A_228, %parallel_loop3A_219 : vector<16xf32>
        %parallel_loop3A_230 = arith.mulf %parallel_loop3A_229, %parallel_loop3A_223 : vector<16xf32>
        %parallel_loop3A_231 = arith.mulf %parallel_loop3A_230, %get3A_26 : vector<16xf32>
        %parallel_loop3A_232 = arith.addf %parallel_loop3A_231, %get3A_42 : vector<16xf32>
        %parallel_loop3A_233 = arith.constant 1 : i32
        %parallel_loop3A_234 = arith.index_cast %parallel_loop3A_233 : i32 to index
        %parallel_loop3A_235 = arith.index_cast %parallel_loop3A_215 : i32 to index
        %parallel_loop3A_236 = arith.constant 0 : index
        %parallel_loop3A_237 = tpu.vector_load %arg13[%parallel_loop3A_234, %parallel_loop3A_235, %parallel_loop3A_236] {strides = array<i32>} : memref<2x128x128xf32, #tpu.memory_space<vmem>>, vector<16xf32>,
        tpu.vector_store %arg13[%parallel_loop3A_234, %parallel_loop3A_235, %parallel_loop3A_236], %parallel_loop3A_232 {strides = array<i32>} : memref<2x128x128xf32, #tpu.memory_space<vmem>>, vector<16xf32>,
        %parallel_loop3A_238 = arith.constant 1 : i32
        %parallel_loop3A_239 = arith.index_cast %parallel_loop3A_238 : i32 to index
        %parallel_loop3A_240 = arith.index_cast %parallel_loop3A_215 : i32 to index
        %parallel_loop3A_241 = arith.constant 16 : index
        %parallel_loop3A_242 = tpu.vector_load %arg13[%parallel_loop3A_239, %parallel_loop3A_240, %parallel_loop3A_241] {strides = array<i32>} : memref<2x128x128xf32, #tpu.memory_space<vmem>>, vector<16xf32>,
        %parallel_loop3A_243 = arith.subf %parallel_loop3A_242, %parallel_loop3A_219 : vector<16xf32>
        %parallel_loop3A_244 = arith.mulf %parallel_loop3A_243, %parallel_loop3A_223 : vector<16xf32>
        %parallel_loop3A_245 = arith.mulf %parallel_loop3A_244, %get3A_28 : vector<16xf32>
        %parallel_loop3A_246 = arith.addf %parallel_loop3A_245, %get3A_44 : vector<16xf32>
        %parallel_loop3A_247 = arith.constant 1 : i32
        %parallel_loop3A_248 = arith.index_cast %parallel_loop3A_247 : i32 to index
        %parallel_loop3A_249 = arith.index_cast %parallel_loop3A_215 : i32 to index
        %parallel_loop3A_250 = arith.constant 16 : index
        %parallel_loop3A_251 = tpu.vector_load %arg13[%parallel_loop3A_248, %parallel_loop3A_249, %parallel_loop3A_250] {strides = array<i32>} : memref<2x128x128xf32, #tpu.memory_space<vmem>>, vector<16xf32>,
        tpu.vector_store %arg13[%parallel_loop3A_248, %parallel_loop3A_249, %parallel_loop3A_250], %parallel_loop3A_246 {strides = array<i32>} : memref<2x128x128xf32, #tpu.memory_space<vmem>>, vector<16xf32>,
        %parallel_loop3A_252 = arith.constant 1 : i32
        %parallel_loop3A_253 = arith.index_cast %parallel_loop3A_252 : i32 to index
        %parallel_loop3A_254 = arith.index_cast %parallel_loop3A_215 : i32 to index
        %parallel_loop3A_255 = arith.constant 32 : index
        %parallel_loop3A_256 = tpu.vector_load %arg13[%parallel_loop3A_253, %parallel_loop3A_254, %parallel_loop3A_255] {strides = array<i32>} : memref<2x128x128xf32, #tpu.memory_space<vmem>>, vector<16xf32>,
        %parallel_loop3A_257 = arith.subf %parallel_loop3A_256, %parallel_loop3A_219 : vector<16xf32>
        %parallel_loop3A_258 = arith.mulf %parallel_loop3A_257, %parallel_loop3A_223 : vector<16xf32>
        %parallel_loop3A_259 = arith.mulf %parallel_loop3A_258, %get3A_30 : vector<16xf32>
        %parallel_loop3A_260 = arith.addf %parallel_loop3A_259, %get3A_46 : vector<16xf32>
        %parallel_loop3A_261 = arith.constant 1 : i32
        %parallel_loop3A_262 = arith.index_cast %parallel_loop3A_261 : i32 to index
        %parallel_loop3A_263 = arith.index_cast %parallel_loop3A_215 : i32 to index
        %parallel_loop3A_264 = arith.constant 32 : index
        %parallel_loop3A_265 = tpu.vector_load %arg13[%parallel_loop3A_262, %parallel_loop3A_263, %parallel_loop3A_264] {strides = array<i32>} : memref<2x128x128xf32, #tpu.memory_space<vmem>>, vector<16xf32>,
        tpu.vector_store %arg13[%parallel_loop3A_262, %parallel_loop3A_263, %parallel_loop3A_264], %parallel_loop3A_260 {strides = array<i32>} : memref<2x128x128xf32, #tpu.memory_space<vmem>>, vector<16xf32>,
        %parallel_loop3A_266 = arith.constant 1 : i32
        %parallel_loop3A_267 = arith.index_cast %parallel_loop3A_266 : i32 to index
        %parallel_loop3A_268 = arith.index_cast %parallel_loop3A_215 : i32 to index
        %parallel_loop3A_269 = arith.constant 48 : index
        %parallel_loop3A_270 = tpu.vector_load %arg13[%parallel_loop3A_267, %parallel_loop3A_268, %parallel_loop3A_269] {strides = array<i32>} : memref<2x128x128xf32, #tpu.memory_space<vmem>>, vector<16xf32>,
        %parallel_loop3A_271 = arith.subf %parallel_loop3A_270, %parallel_loop3A_219 : vector<16xf32>
        %parallel_loop3A_272 = arith.mulf %parallel_loop3A_271, %parallel_loop3A_223 : vector<16xf32>
        %parallel_loop3A_273 = arith.mulf %parallel_loop3A_272, %get3A_32 : vector<16xf32>
        %parallel_loop3A_274 = arith.addf %parallel_loop3A_273, %get3A_48 : vector<16xf32>
        %parallel_loop3A_275 = arith.constant 1 : i32
        %parallel_loop3A_276 = arith.index_cast %parallel_loop3A_275 : i32 to index
        %parallel_loop3A_277 = arith.index_cast %parallel_loop3A_215 : i32 to index
        %parallel_loop3A_278 = arith.constant 48 : index
        %parallel_loop3A_279 = tpu.vector_load %arg13[%parallel_loop3A_276, %parallel_loop3A_277, %parallel_loop3A_278] {strides = array<i32>} : memref<2x128x128xf32, #tpu.memory_space<vmem>>, vector<16xf32>,
        tpu.vector_store %arg13[%parallel_loop3A_276, %parallel_loop3A_277, %parallel_loop3A_278], %parallel_loop3A_274 {strides = array<i32>} : memref<2x128x128xf32, #tpu.memory_space<vmem>>, vector<16xf32>,
        %parallel_loop3A_280 = arith.constant 1 : i32
        %parallel_loop3A_281 = arith.index_cast %parallel_loop3A_280 : i32 to index
        %parallel_loop3A_282 = arith.index_cast %parallel_loop3A_215 : i32 to index
        %parallel_loop3A_283 = arith.constant 64 : index
        %parallel_loop3A_284 = tpu.vector_load %arg13[%parallel_loop3A_281, %parallel_loop3A_282, %parallel_loop3A_283] {strides = array<i32>} : memref<2x128x128xf32, #tpu.memory_space<vmem>>, vector<16xf32>,
        %parallel_loop3A_285 = arith.subf %parallel_loop3A_284, %parallel_loop3A_219 : vector<16xf32>
        %parallel_loop3A_286 = arith.mulf %parallel_loop3A_285, %parallel_loop3A_223 : vector<16xf32>
        %parallel_loop3A_287 = arith.mulf %parallel_loop3A_286, %get3A_34 : vector<16xf32>
        %parallel_loop3A_288 = arith.addf %parallel_loop3A_287, %get3A_50 : vector<16xf32>
        %parallel_loop3A_289 = arith.constant 1 : i32
        %parallel_loop3A_290 = arith.index_cast %parallel_loop3A_289 : i32 to index
        %parallel_loop3A_291 = arith.index_cast %parallel_loop3A_215 : i32 to index
        %parallel_loop3A_292 = arith.constant 64 : index
        %parallel_loop3A_293 = tpu.vector_load %arg13[%parallel_loop3A_290, %parallel_loop3A_291, %parallel_loop3A_292] {strides = array<i32>} : memref<2x128x128xf32, #tpu.memory_space<vmem>>, vector<16xf32>,
        tpu.vector_store %arg13[%parallel_loop3A_290, %parallel_loop3A_291, %parallel_loop3A_292], %parallel_loop3A_288 {strides = array<i32>} : memref<2x128x128xf32, #tpu.memory_space<vmem>>, vector<16xf32>,
        %parallel_loop3A_294 = arith.constant 1 : i32
        %parallel_loop3A_295 = arith.index_cast %parallel_loop3A_294 : i32 to index
        %parallel_loop3A_296 = arith.index_cast %parallel_loop3A_215 : i32 to index
        %parallel_loop3A_297 = arith.constant 80 : index
        %parallel_loop3A_298 = tpu.vector_load %arg13[%parallel_loop3A_295, %parallel_loop3A_296, %parallel_loop3A_297] {strides = array<i32>} : memref<2x128x128xf32, #tpu.memory_space<vmem>>, vector<16xf32>,
        %parallel_loop3A_299 = arith.subf %parallel_loop3A_298, %parallel_loop3A_219 : vector<16xf32>
        %parallel_loop3A_300 = arith.mulf %parallel_loop3A_299, %parallel_loop3A_223 : vector<16xf32>
        %parallel_loop3A_301 = arith.mulf %parallel_loop3A_300, %get3A_36 : vector<16xf32>
        %parallel_loop3A_302 = arith.addf %parallel_loop3A_301, %get3A_52 : vector<16xf32>
        %parallel_loop3A_303 = arith.constant 1 : i32
        %parallel_loop3A_304 = arith.index_cast %parallel_loop3A_303 : i32 to index
        %parallel_loop3A_305 = arith.index_cast %parallel_loop3A_215 : i32 to index
        %parallel_loop3A_306 = arith.constant 80 : index
        %parallel_loop3A_307 = tpu.vector_load %arg13[%parallel_loop3A_304, %parallel_loop3A_305, %parallel_loop3A_306] {strides = array<i32>} : memref<2x128x128xf32, #tpu.memory_space<vmem>>, vector<16xf32>,
        tpu.vector_store %arg13[%parallel_loop3A_304, %parallel_loop3A_305, %parallel_loop3A_306], %parallel_loop3A_302 {strides = array<i32>} : memref<2x128x128xf32, #tpu.memory_space<vmem>>, vector<16xf32>,
        %parallel_loop3A_308 = arith.constant 1 : i32
        %parallel_loop3A_309 = arith.index_cast %parallel_loop3A_308 : i32 to index
        %parallel_loop3A_310 = arith.index_cast %parallel_loop3A_215 : i32 to index
        %parallel_loop3A_311 = arith.constant 96 : index
        %parallel_loop3A_312 = tpu.vector_load %arg13[%parallel_loop3A_309, %parallel_loop3A_310, %parallel_loop3A_311] {strides = array<i32>} : memref<2x128x128xf32, #tpu.memory_space<vmem>>, vector<16xf32>,
        %parallel_loop3A_313 = arith.subf %parallel_loop3A_312, %parallel_loop3A_219 : vector<16xf32>
        %parallel_loop3A_314 = arith.mulf %parallel_loop3A_313, %parallel_loop3A_223 : vector<16xf32>
        %parallel_loop3A_315 = arith.mulf %parallel_loop3A_314, %get3A_38 : vector<16xf32>
        %parallel_loop3A_316 = arith.addf %parallel_loop3A_315, %get3A_54 : vector<16xf32>
        %parallel_loop3A_317 = arith.constant 1 : i32
        %parallel_loop3A_318 = arith.index_cast %parallel_loop3A_317 : i32 to index
        %parallel_loop3A_319 = arith.index_cast %parallel_loop3A_215 : i32 to index
        %parallel_loop3A_320 = arith.constant 96 : index
        %parallel_loop3A_321 = tpu.vector_load %arg13[%parallel_loop3A_318, %parallel_loop3A_319, %parallel_loop3A_320] {strides = array<i32>} : memref<2x128x128xf32, #tpu.memory_space<vmem>>, vector<16xf32>,
        tpu.vector_store %arg13[%parallel_loop3A_318, %parallel_loop3A_319, %parallel_loop3A_320], %parallel_loop3A_316 {strides = array<i32>} : memref<2x128x128xf32, #tpu.memory_space<vmem>>, vector<16xf32>,
        %parallel_loop3A_322 = arith.constant 1 : i32
        %parallel_loop3A_323 = arith.index_cast %parallel_loop3A_322 : i32 to index
        %parallel_loop3A_324 = arith.index_cast %parallel_loop3A_215 : i32 to index
        %parallel_loop3A_325 = arith.constant 112 : index
        %parallel_loop3A_326 = tpu.vector_load %arg13[%parallel_loop3A_323, %parallel_loop3A_324, %parallel_loop3A_325] {strides = array<i32>} : memref<2x128x128xf32, #tpu.memory_space<vmem>>, vector<16xf32>,
        %parallel_loop3A_327 = arith.subf %parallel_loop3A_326, %parallel_loop3A_219 : vector<16xf32>
        %parallel_loop3A_328 = arith.mulf %parallel_loop3A_327, %parallel_loop3A_223 : vector<16xf32>
        %parallel_loop3A_329 = arith.mulf %parallel_loop3A_328, %get3A_40 : vector<16xf32>
        %parallel_loop3A_330 = arith.addf %parallel_loop3A_329, %get3A_56 : vector<16xf32>
        %parallel_loop3A_331 = arith.constant 1 : i32
        %parallel_loop3A_332 = arith.index_cast %parallel_loop3A_331 : i32 to index
        %parallel_loop3A_333 = arith.index_cast %parallel_loop3A_215 : i32 to index
        %parallel_loop3A_334 = arith.constant 112 : index
        %parallel_loop3A_335 = tpu.vector_load %arg13[%parallel_loop3A_332, %parallel_loop3A_333, %parallel_loop3A_334] {strides = array<i32>} : memref<2x128x128xf32, #tpu.memory_space<vmem>>, vector<16xf32>,
        tpu.vector_store %arg13[%parallel_loop3A_332, %parallel_loop3A_333, %parallel_loop3A_334], %parallel_loop3A_330 {strides = array<i32>} : memref<2x128x128xf32, #tpu.memory_space<vmem>>, vector<16xf32>,
      } {sc.loop_unroll_factor = 4 : i64, sc.parallel_access}
      %mul3A_198 = arith.constant 128 : i32
      %mul3A_199 = arith.muli %add3A_154, %mul3A_198 : i32
      %add3A_200 = arith.addi %mul3A_2, %mul3A_199 : i32
      %dma_start3A_201 = arith.constant 1 : i32
      %dma_start3A_202 = arith.constant 0 : i32
      %dma_start3A_203 = arith.constant 0 : i32
      %dma_start3A_204 = tpu.memref_slice %arg13[%dma_start3A_201, %dma_start3A_202, %dma_start3A_203] : memref<2x128x128xf32, #tpu.memory_space<vmem>> -> memref<1x128x128xf32, #tpu.memory_space<vmem>>
      %dma_start3A_205 = tpu.memref_squeeze %dma_start3A_204 : memref<1x128x128xf32, #tpu.memory_space<vmem>> -> memref<128x128xf32, #tpu.memory_space<vmem>>
      %dma_start3A_206 = arith.constant 0 : i32
      %dma_start3A_207 = tpu.memref_slice %arg9[%add3A_200, %dma_start3A_206] : memref<204800x128xf32, #tpu.memory_space<hbm>> -> memref<128x128xf32, #tpu.memory_space<hbm>>
      %dma_start3A_208 = arith.constant 0 : i32
      %dma_start3A_209 = tpu.memref_slice %arg9[%add3A_200, %dma_start3A_208] : memref<204800x128xf32, #tpu.memory_space<hbm>> -> memref<128x128xf32, #tpu.memory_space<hbm>>
      %dma_start3A_210 = arith.constant 0 : i32
      %dma_start3A_211 = arith.constant 0 : i32
      %dma_start3A_212 = tpu.memref_slice %arg13[%dma_start3A_201, %dma_start3A_210, %dma_start3A_211] : memref<2x128x128xf32, #tpu.memory_space<vmem>> -> memref<1x128x128xf32, #tpu.memory_space<vmem>>
      %dma_start3A_213 = tpu.memref_squeeze %dma_start3A_212 : memref<1x128x128xf32, #tpu.memory_space<vmem>> -> memref<128x128xf32, #tpu.memory_space<vmem>>
      tpu.enqueue_dma source(%dma_start3A_213 : memref<128x128xf32, #tpu.memory_space<vmem>>) target(%dma_start3A_209 : memref<128x128xf32, #tpu.memory_space<hbm>>) target_semaphore(%arg25 : memref<!tpu.dma_semaphore, #tpu.memory_space<semaphore_mem>>)
      %scan3A_214 = arith.constant 0 : i32
      scf.yield %scan3A_214 : i32
    }
    %scan3A_62 = arith.constant 25 : i32
    %dma_wait3A = arith.constant 1 : i32
    %dma_wait3A_63 = arith.constant 0 : i32
    %dma_wait3A_64 = arith.constant 0 : i32
    %dma_wait3A_65 = tpu.memref_slice %arg13[%dma_wait3A, %dma_wait3A_63, %dma_wait3A_64] : memref<2x128x128xf32, #tpu.memory_space<vmem>> -> memref<1x128x128xf32, #tpu.memory_space<vmem>>
    %dma_wait3A_66 = tpu.memref_squeeze %dma_wait3A_65 : memref<1x128x128xf32, #tpu.memory_space<vmem>> -> memref<128x128xf32, #tpu.memory_space<vmem>>
    %dma_wait3A_67 = arith.constant 0 : i32
    %dma_wait3A_68 = tpu.memref_slice %arg9[%mul3A_2, %dma_wait3A_67] : memref<204800x128xf32, #tpu.memory_space<hbm>> -> memref<128x128xf32, #tpu.memory_space<hbm>>
    %dma_wait3A_69 = arith.constant 0 : i32
    %dma_wait3A_70 = tpu.memref_slice %arg9[%mul3A_2, %dma_wait3A_69] : memref<204800x128xf32, #tpu.memory_space<hbm>> -> memref<128x128xf32, #tpu.memory_space<hbm>>
    %dma_wait3A_71 = arith.constant 0 : i32
    %dma_wait3A_72 = arith.constant 0 : i32
    %dma_wait3A_73 = tpu.memref_slice %arg13[%dma_wait3A, %dma_wait3A_71, %dma_wait3A_72] : memref<2x128x128xf32, #tpu.memory_space<vmem>> -> memref<1x128x128xf32, #tpu.memory_space<vmem>>
    %dma_wait3A_74 = tpu.memref_squeeze %dma_wait3A_73 : memref<1x128x128xf32, #tpu.memory_space<vmem>> -> memref<128x128xf32, #tpu.memory_space<vmem>>
    tpu.wait_dma2 semaphore(%arg25 : memref<!tpu.dma_semaphore, #tpu.memory_space<semaphore_mem>>) src(%dma_wait3A_74 : memref<128x128xf32, #tpu.memory_space<vmem>>) dst(%dma_wait3A_70 : memref<128x128xf32, #tpu.memory_space<hbm>>)
    return
  }
}

</mosaic_0001>

<sc_bundles>
// kernel: _sc_text_emb.3.cloned.1.call-start
scs
__scs_entry_jumppad:
0x0: {  	(pc) =	sbr.rel $0x88, $3  }
0x1: {  	(tag) =	ssettag $0x0;
	lr =	simm.s32 $0x1  }
0x2: {  	[smem:$0x3F9A] =	sst lr;
	_ =	strace $0xD0000000  }
0x3: {  	_ = 	snop  }
0x4: {  	_ = 	snop  }
0x5: {  	_ = 	snop  }
0x6: {  	_ = 	snop  }
0x7: {  	_ = 	snop  }
__scs_overlays_trampoline_lowered:
0x8: {  	[smem:$0x3FA9] =	sst s0  }
0x9: {  	[smem:$0x3FAA] =	sst s1  }
0xa: {  	[smem:$0x3FAB] =	sst s2  }
0xb: {  	[smem:$0x3FAC] =	sst s3  }
0xc: {  	[smem:$0x3FAD] =	sst s4  }
0xd: {  	[smem:$0x3FAE] =	sst s5  }
0xe: {  	[smem:$0x3FAF] =	sst s6  }
0xf: {  	[smem:$0x3FB0] =	sst s7  }
0x10: {  	[smem:$0x3FB1] =	sst s8  }
0x11: {  	[smem:$0x3FB2] =	sst s9;
	s0 =	simm.s32 @!p0 $0x0  }
0x12: {  	s1 =	sld [smem:$0x3F98];
	s0 =	simm.s32 @p0 $0x1  }
0x13: {  	[smem:$0x3FB3] =	sst s0;
	s0 =	simm.s32 @!p1 $0x0  }
0x14: {  	s2 =	sld [smem:$0x3F97];
	s0 =	simm.s32 @p1 $0x1  }
0x15: {  	[smem:$0x3FB4] =	sst s0;
	s0 =	simm.s32 @!p2 $0x0  }
0x16: {  	s3 =	sld [smem:$0x3FDB];
	s0 =	simm.s32 @p2 $0x1  }
0x17: {  	s4 =	simm.s32 $0x1BF5;
	[smem:$0x3FB6] =	sst s0  }
0x18: {  	s0 =	sld [smem:$0x3F99];
	_ =	swait.ge [sflag:s4], $0x0  }
0x19: {  	s7 =	sld [smem:$0x3F9A]  }
0x1a: {  	s8 =	sadd.s32 $0xFFFFE003, lr  }
0x1b: {  	s9 =	sadd.s32 $0xFFFFFEF7, lr;
	s5 =	simm.s32 $0xFFFFFFFF;
	p2 =	slt.u32 s8, $0xFFFFF086  }
0x1c: {  	p1 =	slt.u32 s9, $0xF7A;
	s5 =	simm.s32 @!p2 $0x0  }
0x1d: {  	s5 =	simm.s32 @p1 $0x1;
	p0 =	seq.s32 s7, s2  }
0x1e: {  	s7 =	smul.u32 @!p0 $0xF7A, s2;
	p2 =	seq.s32 @!p0 s5, $0x0  }
0x1f: {  	s9 =	smul.u32 $0xF7A, s1;
	s8 =	simm.s32 @!p0 $0x1BF5;
	p2 =	por !p2, p0  }
0x20: {  	[sflag:s8] =	ssyncset.s32 @!p0 $0xFFFFF086;
	s6 =	sadd.s32 @!p0 s3, s7;
	s7 =	simm.s32 @!p0 $0x108  }
0x21: {  	s3 =	sadd.s32 s3, s9;
	s6 =	sadd.s32 @!p0 $0x88, s6;
	s7 =	simm.s32 @p2 $0x1082  }
0x22: {  	[simem:s7], [sflag:s8] =	dma.local @!p0 [hbm:s6], $0xF7A  }
0x23: {  	s9 =	sor.u32 $0xD0000000, s2;
	s6 =	simm.s32 $0x108;
	_ =	swait.ge @!p0 [sflag:s8], $0x0  }
0x24: {  	s3 =	sadd.s32 $0x88, s3;
	s6 =	simm.s32 @!p1 $0x1082;
	[sflag:s4] =	ssyncset.s32 $0xFFFFF086  }
0x25: {  	[simem:s6], [sflag:s4] =	dma.local [hbm:s3], $0xF7A  }
0x26: {  	[smem:$0x3F9A] =	sst s1;
	(tag) =	ssettag s2;
	_ =	strace s9  }
0x27: {  	s1 =	sld [smem:$0x3FAA]  }
0x28: {  	s2 =	sld [smem:$0x3FAB]  }
0x29: {  	s4 =	sld [smem:$0x3FAD]  }
0x2a: {  	p0 =	seq.s32 s5, $0x0;
	s5 =	sld [smem:$0x3FAE]  }
0x2b: {  	s6 =	sld [smem:$0x3FAF]  }
0x2c: {  	s7 =	sld [smem:$0x3FB0]  }
0x2d: {  	s3 =	simm.s32 $0x108;
	s8 =	sld [smem:$0x3FB1]  }
0x2e: {  	s3 =	simm.s32 @!p0 $0x1082;
	s9 =	sld [smem:$0x3FB2]  }
0x2f: {  	lr =	sadd.s32 s0, s3;
	s0 =	sld [smem:$0x3FA9]  }
0x30: {  	s3 =	sld [smem:$0x3FAC]  }
0x31: {  	[smem:$0x3FB5] =	sst s10  }
0x32: {  	s10 =	sld [smem:$0x3FB3];
	_ =	sdelay $0x3  }
0x33: {  	p0 =	seq.s32 s10, $0x1;
	s10 =	sld [smem:$0x3FB5];
	_ =	sdelay $0x3  }
0x34: {  	[smem:$0x3FB5] =	sst s10  }
0x35: {  	s10 =	sld [smem:$0x3FB4];
	_ =	sdelay $0x3  }
0x36: {  	p1 =	seq.s32 s10, $0x1;
	s10 =	sld [smem:$0x3FB5];
	_ =	sdelay $0x3  }
0x37: {  	[smem:$0x3FB5] =	sst s10  }
0x38: {  	s10 =	sld [smem:$0x3FB6]  }
0x39: {  	_ = 	snop;
	(pc) =	sbr.ind lr, $3  }
0x3a: {  	_ = 	snop  }
0x3b: {  	_ = 	snop  }
0x3c: {  	p2 =	seq.s32 s10, $0x1;
	s10 =	sld [smem:$0x3FB5]  }
0x3d: {  	_ =	shalt  }
0x3e: {  	_ =	shalt  }
0x3f: {  	_ =	shalt  }
0x40: {  	_ =	shalt  }
0x41: {  	_ =	shalt  }
0x42: {  	_ =	shalt  }
0x43: {  	_ =	shalt  }
0x44: {  	_ =	shalt  }
0x45: {  	_ =	shalt  }
0x46: {  	_ =	shalt  }
0x47: {  	_ =	shalt  }
0x48: {  	_ =	shalt  }
0x49: {  	_ =	shalt  }
0x4a: {  	_ =	shalt  }
0x4b: {  	_ =	shalt  }
0x4c: {  	_ =	shalt  }
0x4d: {  	_ =	shalt  }
0x4e: {  	_ =	shalt  }
0x4f: {  	_ =	shalt  }
0x50: {  	_ =	shalt  }
0x51: {  	_ =	shalt  }
0x52: {  	_ =	shalt  }
0x53: {  	_ =	shalt  }
0x54: {  	_ =	shalt  }
0x55: {  	_ =	shalt  }
0x56: {  	_ =	shalt  }
0x57: {  	_ =	shalt  }
0x58: {  	_ =	shalt  }
0x59: {  	_ =	shalt  }
0x5a: {  	_ =	shalt  }
0x5b: {  	_ =	shalt  }
0x5c: {  	_ =	shalt  }
0x5d: {  	_ =	shalt  }
0x5e: {  	_ =	shalt  }
0x5f: {  	_ =	shalt  }
0x60: {  	_ =	shalt  }
0x61: {  	_ =	shalt  }
0x62: {  	_ =	shalt  }
0x63: {  	_ =	shalt  }
0x64: {  	_ =	shalt  }
0x65: {  	_ =	shalt  }
0x66: {  	_ =	shalt  }
0x67: {  	_ =	shalt  }
0x68: {  	_ =	shalt  }
0x69: {  	_ =	shalt  }
0x6a: {  	_ =	shalt  }
0x6b: {  	_ =	shalt  }
0x6c: {  	_ =	shalt  }
0x6d: {  	_ =	shalt  }
0x6e: {  	_ =	shalt  }
0x6f: {  	_ =	shalt  }
0x70: {  	_ =	shalt  }
0x71: {  	_ =	shalt  }
0x72: {  	_ =	shalt  }
0x73: {  	_ =	shalt  }
0x74: {  	_ =	shalt  }
0x75: {  	_ =	shalt  }
0x76: {  	_ =	shalt  }
0x77: {  	_ =	shalt  }
0x78: {  	_ =	shalt  }
0x79: {  	_ =	shalt  }
0x7a: {  	_ =	shalt  }
0x7b: {  	_ =	shalt  }
0x7c: {  	_ =	shalt  }
0x7d: {  	_ =	shalt  }
0x7e: {  	_ =	shalt  }
0x7f: {  	_ =	shalt  }
0x80: {  	_ =	shalt  }
0x81: {  	_ =	shalt  }
0x82: {  	_ =	shalt  }
0x83: {  	_ =	shalt  }
0x84: {  	_ =	shalt  }
0x85: {  	_ =	shalt  }
0x86: {  	_ =	shalt  }
0x87: {  	_ =	shalt  }
.Lfunc_end0:
.L_simem_size_0:
called_computation_lowered:
.L_overlay_start_0:
0x88: {  	s2 =	sld [smem:$0x3FD9]  }
0x89: {  	s3 =	sld [smem:$0x3FFE];
	_ =	sdelay $0x1  }
0x8a: {  	s1 =	srdreg.scid  }
0x8b: {  	s0 =	sand.u32 $0x1, s1  }
0x8c: {  	s18 =	sshll.u32 s0, $0xA;
	s2 =	sadd.s32 s3, s2  }
0x8d: {  	s2 =	sadd.s32 s2, s18  }
0x8e: {  	[smem:$0x3FC1] =	sst s2  }
0x8f: {  	_ = 	snop  }
0x90: {  	s2 =	sld [smem:$0x3FC9]  }
0x91: {  	s19 =	sld [smem:$0x3FC8]  }
0x92: {  	s4 =	sld [smem:$0x3FC7]  }
0x93: {  	s5 =	sld [smem:$0x3FC6]  }
0x94: {  	s6 =	sld [smem:$0x3FC5]  }
0x95: {  	s7 =	sld [smem:$0x3FC4]  }
0x96: {  	s8 =	sld [smem:$0x3FC3]  }
0x97: {  	s9 =	sld [smem:$0x3FD0];
	(tm) =	ssettm $0x1  }
0x98: {  	s10 =	sld [smem:$0x3FFB];
	_ =	sdelay $0x3  }
0x99: {  	_ =	strace s10  }
0x9a: {  	s10 =	sld [smem:$0x3FFC];
	_ =	sdelay $0x3  }
0x9b: {  	_ =	strace s10  }
0x9c: {  	s10 =	sld [smem:$0x3FFD];
	_ =	sdelay $0x3  }
0x9d: {  	_ =	strace s10  }
0x9e: {  	_ =	strace $0x8FFFFFFF  }
0x9f: {  	s20 =	sld [smem:$0x3FDB];
	_ =	sdelay $0x1  }
0xa0: {  	s11 =	simm.s32 $_scs_section_size  }
0xa1: {  	s12 =	simm.s32 $_size__tile_overlayer_lowered;
	s13 =	simm.s32 $_tile_overlayer_lowered  }
0xa2: {  	s23 =	simm.s32 $0x1BFF;
	s22 =	sshll.u32 s13, $0x1;
	s10 =	sadd.s32 s11, s20  }
0xa3: {  	s14 =	simm.s32 $0x0;
	s21 =	sshll.u32 s12, $0x1;
	s12 =	sadd.s32 s22, s10  }
0xa4: {  	[timem:s14], [sflag:s23] =	dma.local [hbm:s12], s21  }
0xa5: {  	_ =	swait.ge [sflag:s23], s21  }
0xa6: {  	s11 =	ssub.s32 $0x0, s21;
	[sflag:s23] =	ssyncset.done $0x0  }
0xa7: {  	[sflag:s23] =	ssyncadd.s32 s11;
	_ =	sdelay $0x1  }
0xa8: {  	s24 =	simm.s32 $0x1B8B  }
0xa9: {  	_ =	swait.ge [sflag:s24], $0x1  }
0xaa: {  	[sflag:s24] =	ssyncset.done $0x0  }
0xab: {  	s25 =	simm.s32 $0x1B8E;
	[sflag:s24] =	ssyncadd.s32 $0xFFFFFFFF  }
0xac: {  	s26 =	simm.s32 $execute0_lowered;
	[smem:$0x3FD2] =	sst s25  }
0xad: {  	s11 =	sshll.u32 s26, $0x1;
	_ =	strace $0x80000046;
	[dreg:$0x1] =	wrdreg $0xFFFFFFFF  }
0xae: {  	s28 =	simm.s32 $_size_execute0_lowered;
	s10 =	sadd.s32 s10, s11;
	[dreg:$0x0] =	wrdreg $0x0  }
0xaf: {  	s11 =	sshll.u32 s28, $0x1;
	[dreg:$0x2] =	wrdreg s10  }
0xb0: {  	[dreg:$0x3] =	wrdreg s11  }
0xb1: {  	[dreg:$0x4] =	wrdreg $0xC0  }
0xb2: {  	_ =	task [dreg:s14], $0x5FFFF  }
0xb3: {  	[dreg:$0x1] =	wrdreg $0xFFFFFFFF  }
0xb4: {  	[dreg:$0x0] =	wrdreg $0x60  }
0xb5: {  	[dreg:$0x2] =	wrdreg s2  }
0xb6: {  	[dreg:$0x3] =	wrdreg s19  }
0xb7: {  	[dreg:$0x4] =	wrdreg s4  }
0xb8: {  	[dreg:$0x5] =	wrdreg s5  }
0xb9: {  	[dreg:$0x6] =	wrdreg s6  }
0xba: {  	[dreg:$0x7] =	wrdreg s7  }
0xbb: {  	[dreg:$0x8] =	wrdreg s8  }
0xbc: {  	[dreg:$0x9] =	wrdreg s9  }
0xbd: {  	[dreg:$0xa] =	wrdreg $0x14B000  }
0xbe: {  	[dreg:$0xb] =	wrdreg $0x9  }
0xbf: {  	_ =	task.clear_ibuf [dreg:s14], $0xCFFFF;
	_ =	strace $0x90000046  }
0xc0: {  	s29 =	simm.s32 $0x9;
	_ =	strace $0x80000048  }
0xc1: {  	_ =	swait.ge [sflag:s29], $0x1  }
0xc2: {  	[sflag:s29] =	ssyncadd.s32 $0xFFFFFFFF  }
0xc3: {  	_ =	strace $0x90000048  }
0xc4: {  	_ =	sfence  }
0xc5: {  	s30 =	sld [smem:$0x0];
	_ =	sdelay $0x2  }
0xc6: {  	s31 =	sshll.u32 s1, $0xD;
	s1 =	sshrl.u32 s1, $0x2  }
0xc7: {  	s3 =	sand.u32 $0x4000, s31;
	s1 =	sadd.s32 s1, s30  }
0xc8: {  	s0 =	sor.u32 s3, s0;
	s1 =	sshll.u32 s1, $0x11  }
0xc9: {  	s0 =	sor.u32 s1, s0  }
0xca: {  	s0 =	sadd.s32 $0x8F2B, s0  }
0xcb: {  	[sflag:s0] =	ssyncadd.remote.s32 $0x1  }
0xcc: {  	_ =	sfence.sel $0xFFFF  }
0xcd: {  	[dreg:$0x0] =	wrdreg $0xFFFFFFFF;
	(pc) =	sbr.abs _section_cstart, $3  }
0xce: {  	[dreg:$0x1] =	wrdreg $0xFFFFFFFF  }
0xcf: {  	_ =	task.clear_ibuf [dreg:s14], $0x2FFFF;
	_ =	strace $0x9FFFFFFF  }
0xd0: {  	(tm) =	ssettm $0x7FFFFFFF  }
0xd1: {  	_ =	shalt  }
tec
execute0_lowered:
.L_overlay_start_1:
0x0: {  	(tag) =	ssettag $0x1  }
0x1: {  	s1 =	rddreg [dreg:$0x0]  }
0x2: {  	s2 =	rddreg [dreg:$0x1]  }
0x3: {  	s3 =	rddreg [dreg:$0x2]  }
0x4: {  	s0 =	rddreg [dreg:$0x3]  }
0x5: {  	s4 =	rddreg [dreg:$0x7]  }
0x6: {  	s5 =	srdreg.scid;
	s9 =	stileid.u32  }
0x7: {  	s6 =	rddreg [dreg:$0x8];
	s15 =	simm.s32 $0x7;
	s20 =	simm.s32 $0x80  }
0x8: {  	s21 =	simm.s32 $0x4B00;
	s23 =	simm.s32 $0x8B00;
	s28 =	simm.s32 $0x5  }
0x9: {  	s29 =	simm.s32 $0x2;
	s5 =	sand.u32 $0x1, s5;
	s7 =	sshll.u32 s9, $0x1  }
0xa: {  	s30 =	simm.s32 $0x4;
	s10 =	sor.u32 s5, s7;
	s5 =	ssub.s32 $0x2, s5  }
0xb: {  	p0 =	sne.s32 s9, $0x0;
	s8 =	smul.u32 $0x1900, s10;
	s11 =	sshrl.u32 s5, $0x1  }
0xc: {  	s9 =	simm.s32 $0x1900;
	s7 =	simm.s32 $0x0;
	s5 =	ssub.s32 s5, s11  }
0xd: {  	[smem:$0x7FF] =	sst s7;
	s24 =	sshrl.u32 s8, $0x3;
	s31 =	smax.u32 s5, $0x1  }
0xe: {  	_ =	strace $0x80000047;
	s1 =	sadd.s32 s1, s24;
	[dreg:$0xd] =	wrdreg s31  }
0xf: {  	s12 =	smul.u32 $0xC8000, s10;
	s25 =	sadd.s32 s2, s24;
	[dreg:$0xa] =	wrdreg s1  }
0x10: {  	s26 =	sadd.s32 s3, s24;
	s24 =	simm.s32 $0x10B00;
	[dreg:$0xb] =	wrdreg s25  }
0x11: {  	s3 =	simm.s32 $0x0;
	[dreg:$0xc] =	wrdreg s26;
	s1 =	sshrl.u32 @!p0 s6, $0x3  }
0x12: {  	s25 =	simm.s32 $0x1;
	s26 =	simm.s32 $0x3;
	[dreg:$0xe] =	wrdreg s1  }
.LBB2_1:
0x13: {  	[dreg:$0xf] =	wrdreg s3  }
0x14: {  	s1 =	rddreg [dreg:$0x5];
	s2 =	simm.s32 $0x14E80  }
0x15: {  	[tilespmem:s2], [sflag:$0x7] =	stream.linear.gather [hbm4b:s1+s7], $0x80, $0x38;
	[tilespmem:$0x15F80] =	vst v63  }
0x16: {  	_ =	swait.ge [sflag:s15], $0x80  }
0x17: {  	[sflag:s15] =	ssyncset.done $0x0  }
0x18: {  	[sflag:s15] =	ssyncadd.s32 $0xFFFFFF80  }
0x19: {  	s17 =	simm.s32 $0x14F00;
	s16 =	rddreg [dreg:$0x6]  }
0x1a: {  	[tilespmem:s17], [sflag:$0x7] =	stream.linear.gather [hbm4b:s16+s7], $0x80, $0x38;
	[tilespmem:$0x15F80] =	vst v63  }
0x1b: {  	_ =	swait.ge [sflag:s15], $0x80  }
0x1c: {  	[sflag:s15] =	ssyncset.done $0x0  }
0x1d: {  	s3 =	rddreg [dreg:$0xe];
	[sflag:s15] =	ssyncadd.s32 $0xFFFFFF80  }
0x1e: {  	s1 =	simm.s32 @!p0 $0x1C07;
	s2 =	rddreg [dreg:$0x4]  }
0x1f: {  	[spmem:s3], [sflag:s1] =	dma.local @!p0 [hbm:s2], $0x700  }
0x20: {  	s1 =	simm.s32 @!p0 $0x7  }
0x21: {  	_ =	swait.ge @!p0 [sflag:s1], $0x700  }
0x22: {  	[sflag:s1] =	ssyncset.done @!p0 $0x0  }
0x23: {  	[sflag:s1] =	ssyncadd.s32 @!p0 $0xFFFFF900  }
0x24: {  	[bflag:$0x0] =	sbarrier.arrive $0xFFFF  }
0x25: {  	s18 =	rddreg [dreg:$0xa]  }
0x26: {  	[tilespmem:s7], [sflag:$0x7] =	stream.linear.gather [hbm4b:s18+s7], $0x1900, $0x38;
	[tilespmem:$0x15F80] =	vst v63  }
0x27: {  	_ =	swait.ge [sflag:s15], $0x1900  }
0x28: {  	[sflag:s15] =	ssyncset.done $0x0  }
0x29: {  	s19 =	rddreg [dreg:$0xb];
	[sflag:s15] =	ssyncadd.s32 $0xFFFFE700  }
0x2a: {  	[tilespmem:s9], [sflag:$0x7] =	stream.linear.gather [hbm4b:s19+s7], $0x1900, $0x38;
	[tilespmem:$0x15F80] =	vst v63  }
0x2b: {  	_ =	swait.ge [sflag:s15], $0x1900  }
0x2c: {  	[sflag:s15] =	ssyncset.done $0x0  }
0x2d: {  	s31 =	simm.s32 $0x3200;
	s22 =	rddreg [dreg:$0xc];
	[sflag:s15] =	ssyncadd.s32 $0xFFFFE700  }
0x2e: {  	[tilespmem:s31], [sflag:$0x7] =	stream.linear.gather [hbm4b:s22+s7], $0x1900, $0x38;
	[tilespmem:$0x15F80] =	vst v63  }
0x2f: {  	_ =	swait.ge [sflag:s15], $0x1900  }
0x30: {  	[sflag:s15] =	ssyncset.done $0x0  }
0x31: {  	s1 =	simm.s32 $0x1940;
	[sflag:s15] =	ssyncadd.s32 $0xFFFFE700  }
0x32: {  	s2 =	simm.s32 $0x3240;
	v0 =	vld [tilespmem:s1+$0x30]  }
0x33: {  	v1 =	vld [tilespmem:s2+$0x30]  }
0x34: {  	v2 =	vld [tilespmem:s1+$0xFFFFFFD0]  }
0x35: {  	v3 =	vld [tilespmem:s1+$0xFFFFFFE0]  }
0x36: {  	v8 =	vld [tilespmem:s1+$0xFFFFFFF0]  }
0x37: {  	v9 =	vld [tilespmem:s1+$0x0]  }
0x38: {  	v10 =	vld [tilespmem:s1+$0x10]  }
0x39: {  	v11 =	vld [tilespmem:s1+$0x20]  }
0x3a: {  	v6 =	vld [tilespmem:s1+$0xFFFFFFC0]  }
0x3b: {  	v12 =	vld [tilespmem:s2+$0xFFFFFFC0]  }
0x3c: {  	v13 =	vld [tilespmem:s2+$0xFFFFFFD0]  }
0x3d: {  	v7 =	vld [tilespmem:s2+$0xFFFFFFE0]  }
0x3e: {  	v5 =	vld [tilespmem:s2+$0xFFFFFFF0];
	v0 =	vshll.u32 v0, $0x4;
	v14 =	vshll.u32 v2, $0x4  }
0x3f: {  	v4 =	vshll.u32 v3, $0x4;
	v2 =	vshll.u32 v6, $0x4;
	v6 =	vld [tilespmem:s2+$0x0];
	v0 =	vadd.s32 v1, v0  }
0x40: {  	v3 =	vshll.u32 v8, $0x4;
	v8 =	vld [tilespmem:s2+$0x10];
	v1 =	vshll.u32 v9, $0x4;
	v9 =	vadd.s32 v12, v2;
	[tilespmem:s1+$0x30] =	vst v0  }
0x41: {  	s5 =	simm.s32 $0x19C0;
	s3 =	simm.s32 $0x0;
	v2 =	vshll.u32 v10, $0x4;
	v10 =	vadd.s32 v13, v14;
	v0 =	vshll.u32 v11, $0x4;
	[tilespmem:s1+$0xFFFFFFC0] =	vst v9;
	v9 =	vld [tilespmem:s2+$0x20]  }
.LBB2_2:
0x42: {  	v11 =	vld [tilespmem:s5+$0x30];
	s3 =	sadd.s32 $0x8, s3;
	[tilespmem:s1+$0xFFFFFFD0] =	vst v10;
	v4 =	vadd.s32 v7, v4;
	s2 =	sadd.s32 $0x80, s2  }
0x43: {  	v7 =	vld [tilespmem:s2+$0x30];
	p1 =	slt.u32 s3, $0x188;
	[tilespmem:s1+$0xFFFFFFE0] =	vst v4;
	v3 =	vadd.s32 v5, v3  }
0x44: {  	v4 =	vld [tilespmem:s5+$0xFFFFFFD0];
	[tilespmem:s1+$0xFFFFFFF0] =	vst v3;
	v1 =	vadd.s32 v6, v1  }
0x45: {  	v3 =	vld [tilespmem:s5+$0xFFFFFFE0];
	[tilespmem:s1+$0x0] =	vst v1;
	v1 =	vadd.s32 v8, v2  }
0x46: {  	v2 =	vld [tilespmem:s5+$0xFFFFFFF0];
	[tilespmem:s1+$0x10] =	vst v1;
	v0 =	vadd.s32 v9, v0  }
0x47: {  	v1 =	vld [tilespmem:s5+$0x0];
	v5 =	vshll.u32 v11, $0x4;
	[tilespmem:s1+$0x20] =	vst v0;
	s1 =	smov.u32 s5  }
0x48: {  	v0 =	vld [tilespmem:s5+$0x10];
	v5 =	vadd.s32 v7, v5  }
0x49: {  	v9 =	vshll.u32 v4, $0x4;
	v6 =	vld [tilespmem:s5+$0x20];
	[tilespmem:s5+$0x30] =	vst v5  }
0x4a: {  	v8 =	vld [tilespmem:s5+$0xFFFFFFC0];
	v4 =	vshll.u32 v3, $0x4  }
0x4b: {  	v10 =	vld [tilespmem:s2+$0xFFFFFFC0];
	v3 =	vshll.u32 v2, $0x4  }
0x4c: {  	v11 =	vld [tilespmem:s2+$0xFFFFFFD0];
	v1 =	vshll.u32 v1, $0x4  }
.Ltmp0:
0x4d: {  	v7 =	vld [tilespmem:s2+$0xFFFFFFE0];
	v2 =	vshll.u32 v0, $0x4;
	(pc) =	sbr.rel @p1 .LBB2_2-.Ltmp0, $4  }
0x4e: {  	v5 =	vld [tilespmem:s2+$0xFFFFFFF0];
	v0 =	vshll.u32 v6, $0x4  }
0x4f: {  	v8 =	vshll.u32 v8, $0x4;
	v6 =	vld [tilespmem:s2+$0x0]  }
0x50: {  	v10 =	vadd.s32 v10, v8;
	v8 =	vld [tilespmem:s2+$0x10]  }
0x51: {  	s5 =	sadd.s32 $0x80, s5;
	[tilespmem:s1+$0xFFFFFFC0] =	vst v10;
	v10 =	vadd.s32 v11, v9;
	v9 =	vld [tilespmem:s2+$0x20]  }
0x52: {  	[tilespmem:s1+$0xFFFFFFD0] =	vst v10;
	v4 =	vadd.s32 v7, v4  }
0x53: {  	[tilespmem:s1+$0xFFFFFFE0] =	vst v4;
	v3 =	vadd.s32 v5, v3  }
0x54: {  	[tilespmem:s1+$0xFFFFFFF0] =	vst v3;
	v1 =	vadd.s32 v6, v1  }
0x55: {  	[tilespmem:s1+$0x0] =	vst v1;
	v1 =	vadd.s32 v8, v2  }
0x56: {  	[tilespmem:s1+$0x10] =	vst v1;
	v0 =	vadd.s32 v9, v0  }
0x57: {  	[tilespmem:s1+$0x20] =	vst v0;
	s1 =	simm.s32 $0x0  }
0x58: {  	[tilespmem:s21], [sflag:$0x1] =	stream.indirect.gather [hbm4b:s0+s20], $0x80, s1, s20, $0xb8;
	[tilespmem:$0x15F80] =	vst v63  }
0x59: {  	s2 =	simm.s32 $0xCB00  }
0x5a: {  	[tilespmem:s2], [sflag:$0x3] =	stream.indirect.gather [spmem:s6], $0x80, s9, s20, $0xb8;
	[tilespmem:$0x15F80] =	vst v63  }
0x5b: {  	v0 =	vld [tilespmem:$0x14E80]  }
0x5c: {  	v1 =	vld [tilespmem:$0x14E90]  }
0x5d: {  	v2 =	vld [tilespmem:$0x14EA0]  }
0x5e: {  	v3 =	vld [tilespmem:$0x14EB0]  }
0x5f: {  	v4 =	vld [tilespmem:$0x14EC0]  }
0x60: {  	v5 =	vld [tilespmem:$0x14ED0]  }
0x61: {  	v6 =	vld [tilespmem:$0x14EE0]  }
0x62: {  	v7 =	vld [tilespmem:$0x14EF0]  }
0x63: {  	v8 =	vld [tilespmem:$0x14F00]  }
0x64: {  	v9 =	vld [tilespmem:$0x14F10]  }
0x65: {  	v10 =	vld [tilespmem:$0x14F20]  }
0x66: {  	v11 =	vld [tilespmem:$0x14F30]  }
0x67: {  	v15 =	vld [tilespmem:$0x14F70]  }
0x68: {  	v12 =	vld [tilespmem:$0x14F40]  }
0x69: {  	v13 =	vld [tilespmem:$0x14F50]  }
0x6a: {  	v14 =	vld [tilespmem:$0x14F60]  }
.LBB2_4:
0x6b: {  	p1 =	seq.s32 s1, $0x0  }
0x6c: {  	s2 =	simm.s32 @!p1 $0x6  }
0x6d: {  	_ =	swait.ge @!p1 [sflag:s2], $0x4000  }
0x6e: {  	s3 =	sshll.u32 s1, $0x8;
	[sflag:s2] =	ssyncset.done @!p1 $0x0  }
0x6f: {  	[sflag:s2] =	ssyncadd.s32 @!p1 $0xFFFFC000;
	s2 =	sor.u32 $0x80, s3  }
0x70: {  	[tilespmem:s23], [sflag:$0x2] =	stream.indirect.gather [hbm4b:s0+s20], $0x80, s2, s20, $0xb8;
	[tilespmem:$0x15F80] =	vst v63  }
0x71: {  	s5 =	sadd.s32 $0x1980, s3  }
0x72: {  	[tilespmem:s24], [sflag:$0x4] =	stream.indirect.gather [spmem:s6], $0x80, s5, s20, $0xb8;
	[tilespmem:$0x15F80] =	vst v63  }
0x73: {  	_ =	swait.ge [sflag:s25], $0x4000  }
0x74: {  	[sflag:s25] =	ssyncset.done $0x0  }
0x75: {  	[sflag:s25] =	ssyncadd.s32 $0xFFFFC000  }
0x76: {  	_ =	swait.ge [sflag:s26], $0x4000  }
0x77: {  	[sflag:s26] =	ssyncset.done $0x0  }
0x78: {  	s14 =	simm.s32 $0x4C00;
	[sflag:s26] =	ssyncadd.s32 $0xFFFFC000  }
0x79: {  	s22 =	simm.s32 $0xCC00;
	v16 =	vld [tilespmem:s14+$0x80]  }
0x7a: {  	v17 =	vld [tilespmem:s22+$0x80]  }
0x7b: {  	v18 =	vld [tilespmem:s22+$0xFFFFFF00]  }
0x7c: {  	v19 =	vld [tilespmem:s14+$0xFFFFFF80]  }
0x7d: {  	v20 =	vld [tilespmem:s22+$0xFFFFFF80]  }
0x7e: {  	v21 =	vld [tilespmem:s14+$0x0]  }
0x7f: {  	v22 =	vld [tilespmem:s14+$0xFFFFFF00]  }
0x80: {  	v23 =	vld [tilespmem:s14+$0x90]  }
0x81: {  	v24 =	vld [tilespmem:s14+$0xFFFFFF10]  }
0x82: {  	v25 =	vld [tilespmem:s14+$0x10]  }
0x83: {  	v27 =	vld [tilespmem:s14+$0xA0]  }
0x84: {  	v28 =	vld [tilespmem:s14+$0xFFFFFF20]  }
0x85: {  	v29 =	vld [tilespmem:s14+$0x20]  }
0x86: {  	v31 =	vld [tilespmem:s14+$0xB0]  }
0x87: {  	v32 =	vld [tilespmem:s14+$0xFFFFFF30]  }
0x88: {  	v16 =	vadd.f32 v17, v16;
	v17 =	vld [tilespmem:s22+$0x0]  }
0x89: {  	v33 =	vld [tilespmem:s14+$0x30];
	v18 =	vadd.f32 v18, v22  }
0x8a: {  	v35 =	vld [tilespmem:s14+$0xC0];
	v19 =	vadd.f32 v20, v19;
	[tilespmem:s14+$0x80] =	vst v16  }
0x8b: {  	[tilespmem:s14+$0xFFFFFF00] =	vst v18;
	v20 =	vld [tilespmem:s22+$0x90]  }
0x8c: {  	[tilespmem:s14+$0xFFFFFF80] =	vst v19;
	v26 =	vld [tilespmem:s22+$0xFFFFFF10]  }
0x8d: {  	v22 =	vld [tilespmem:s22+$0xFFFFFF90];
	v17 =	vadd.f32 v17, v21  }
0x8e: {  	v21 =	vld [tilespmem:s14+$0xFFFFFF90]  }
0x8f: {  	v36 =	vld [tilespmem:s14+$0xFFFFFF40];
	[tilespmem:s14+$0x0] =	vst v17  }
0x90: {  	v20 =	vadd.f32 v20, v23;
	v23 =	vld [tilespmem:s22+$0x10]  }
0x91: {  	v60 =	vld [tilespmem:s14+$0xFFFFFFC0];
	v24 =	vadd.f32 v26, v24  }
0x92: {  	v37 =	vld [tilespmem:s14+$0x40];
	[tilespmem:s14+$0x90] =	vst v20  }
0x93: {  	v21 =	vadd.f32 v22, v21;
	[tilespmem:s14+$0xFFFFFF10] =	vst v24;
	v22 =	vld [tilespmem:s22+$0xA0]  }
0x94: {  	v30 =	vld [tilespmem:s22+$0xFFFFFF20]  }
0x95: {  	[tilespmem:s14+$0xFFFFFF90] =	vst v21;
	v23 =	vadd.f32 v23, v25;
	v25 =	vld [tilespmem:s14+$0xFFFFFFA0]  }
0x96: {  	v26 =	vld [tilespmem:s22+$0xFFFFFFA0]  }
0x97: {  	v39 =	vld [tilespmem:s14+$0xD0];
	[tilespmem:s14+$0x10] =	vst v23  }
0x98: {  	v22 =	vadd.f32 v22, v27;
	v27 =	vld [tilespmem:s22+$0x20]  }
0x99: {  	v41 =	vld [tilespmem:s14+$0xFFFFFF50];
	v28 =	vadd.f32 v30, v28  }
0x9a: {  	v63 =	vld [tilespmem:s14+$0xFFFFFFD0];
	[tilespmem:s14+$0xA0] =	vst v22  }
0x9b: {  	v25 =	vadd.f32 v26, v25;
	[tilespmem:s14+$0xFFFFFF20] =	vst v28;
	v26 =	vld [tilespmem:s22+$0xB0]  }
0x9c: {  	v34 =	vld [tilespmem:s22+$0xFFFFFF30]  }
0x9d: {  	[tilespmem:s14+$0xFFFFFFA0] =	vst v25;
	v27 =	vadd.f32 v27, v29;
	v29 =	vld [tilespmem:s14+$0xFFFFFFB0]  }
0x9e: {  	v30 =	vld [tilespmem:s22+$0xFFFFFFB0]  }
0x9f: {  	v48 =	vld [tilespmem:s14+$0x50]  }
0xa0: {  	v51 =	vld [tilespmem:s14+$0xE0];
	v26 =	vadd.f32 v26, v31  }
0xa1: {  	v53 =	vld [tilespmem:s14+$0xFFFFFFE0];
	[tilespmem:s14+$0x20] =	vst v27  }
0xa2: {  	v31 =	vld [tilespmem:s22+$0x30];
	[tilespmem:s14+$0xB0] =	vst v26  }
0xa3: {  	v32 =	vadd.f32 v34, v32;
	v29 =	vadd.f32 v30, v29;
	v30 =	vld [tilespmem:s22+$0xC0]  }
0xa4: {  	v55 =	vld [tilespmem:s14+$0x60];
	v49 =	vmul.f32 v19, v19;
	v44 =	vmul.f32 v18, v18  }
0xa5: {  	v57 =	vld [tilespmem:s14+$0xFFFFFF70];
	v43 =	vmul.f32 v17, v17;
	v58 =	vadd.f32 v20, v16;
	v16 =	vmul.f32 v16, v16;
	[tilespmem:s14+$0xFFFFFF30] =	vst v32  }
0xa6: {  	v20 =	vmul.f32 v20, v20;
	v50 =	vmul.f32 v21, v21;
	v38 =	vld [tilespmem:s22+$0xFFFFFF40]  }
0xa7: {  	s18 =	simm.s32 $0xCE00;
	v59 =	vld [tilespmem:s14+$0xFFFFFFF0];
	v19 =	vadd.f32 v21, v19;
	v21 =	vmul.f32 v23, v23;
	v31 =	vadd.f32 v31, v33  }
0xa8: {  	v47 =	vld [tilespmem:s18+$0xFFFFFF80];
	v17 =	vadd.f32 v23, v17;
	v23 =	vmul.f32 v24, v24;
	[tilespmem:s14+$0xFFFFFFB0] =	vst v29;
	v30 =	vadd.f32 v30, v35  }
0xa9: {  	v18 =	vadd.f32 v24, v18;
	v16 =	vadd.f32 v20, v16;
	v61 =	vld [tilespmem:s22+$0xFFFFFFC0];
	[tilespmem:s14+$0x30] =	vst v31  }
0xaa: {  	v21 =	vadd.f32 v21, v43;
	v23 =	vadd.f32 v23, v44;
	v54 =	vmul.f32 v28, v28;
	v62 =	vld [tilespmem:s22+$0x40];
	[tilespmem:s14+$0xC0] =	vst v30  }
0xab: {  	v18 =	vadd.f32 v28, v18;
	v20 =	vmul.f32 v22, v22;
	v36 =	vadd.f32 v38, v36;
	v40 =	vld [tilespmem:s22+$0xD0]  }
0xac: {  	v24 =	vld [tilespmem:s14+$0xFFFFFF60];
	v44 =	vadd.f32 v22, v58;
	v19 =	vadd.f32 v25, v19  }
0xad: {  	v22 =	vld [tilespmem:s14+$0x70];
	v23 =	vadd.f32 v54, v23;
	v16 =	vadd.f32 v20, v16;
	v20 =	vmul.f32 v26, v26;
	[tilespmem:s14+$0xFFFFFF40] =	vst v36  }
0xae: {  	v17 =	vadd.f32 v27, v17;
	v33 =	vadd.f32 v61, v60;
	v46 =	vld [tilespmem:s22+$0xFFFFFF50]  }
0xaf: {  	s16 =	simm.s32 $0x4E00;
	v27 =	vmul.f32 v27, v27;
	v16 =	vadd.f32 v20, v16;
	v20 =	vld [tilespmem:s18+$0x80];
	v35 =	vadd.f32 v62, v37  }
0xb0: {  	v25 =	vmul.f32 v25, v25;
	v38 =	vadd.f32 v50, v49;
	v49 =	vld [tilespmem:s16+$0x0];
	[tilespmem:s14+$0xFFFFFFC0] =	vst v33;
	v39 =	vadd.f32 v40, v39  }
0xb1: {  	v21 =	vadd.f32 v27, v21;
	v18 =	vadd.f32 v32, v18;
	v42 =	vld [tilespmem:s22+$0xFFFFFFD0];
	[tilespmem:s14+$0x40] =	vst v35  }
0xb2: {  	v19 =	vadd.f32 v29, v19;
	v29 =	vmul.f32 v29, v29;
	v25 =	vadd.f32 v25, v38;
	v45 =	vld [tilespmem:s22+$0x50];
	[tilespmem:s14+$0xD0] =	vst v39  }
0xb3: {  	v32 =	vmul.f32 v32, v32;
	v17 =	vadd.f32 v31, v17;
	v41 =	vadd.f32 v46, v41;
	v52 =	vld [tilespmem:s22+$0xE0]  }
0xb4: {  	v50 =	vld [tilespmem:s18+$0x0];
	v18 =	vadd.f32 v36, v18;
	v25 =	vadd.f32 v29, v25;
	v29 =	vmul.f32 v31, v31  }
0xb5: {  	v60 =	vld [tilespmem:s14+$0xF0];
	v31 =	vadd.f32 v32, v23;
	v23 =	vadd.f32 v26, v44;
	[tilespmem:s14+$0xFFFFFF50] =	vst v41  }
0xb6: {  	v21 =	vadd.f32 v29, v21;
	v34 =	vadd.f32 v42, v63;
	v27 =	vld [tilespmem:s22+$0xFFFFFF60]  }
0xb7: {  	v36 =	vmul.f32 v36, v36;
	v23 =	vadd.f32 v30, v23;
	v63 =	vld [tilespmem:s16+$0xFFFFFF80];
	v37 =	vadd.f32 v45, v48  }
0xb8: {  	v29 =	vld [tilespmem:s16+$0x80];
	v17 =	vadd.f32 v35, v17;
	v35 =	vmul.f32 v35, v35;
	[tilespmem:s14+$0xFFFFFFD0] =	vst v34;
	v40 =	vadd.f32 v52, v51  }
0xb9: {  	v31 =	vadd.f32 v36, v31;
	v28 =	vld [tilespmem:s22+$0xFFFFFFE0];
	[tilespmem:s14+$0x50] =	vst v37  }
0xba: {  	v21 =	vadd.f32 v35, v21;
	v23 =	vadd.f32 v39, v23;
	v56 =	vld [tilespmem:s22+$0x60];
	[tilespmem:s14+$0xE0] =	vst v40  }
0xbb: {  	v24 =	vadd.f32 v27, v24;
	v27 =	vmul.f32 v33, v33;
	v33 =	vadd.f32 v33, v19;
	v61 =	vld [tilespmem:s22+$0xF0]  }
0xbc: {  	v19 =	vmul.f32 v30, v30;
	v30 =	vmul.f32 v39, v39;
	v51 =	vld [tilespmem:s16+$0xFFFFFF00];
	v39 =	vadd.f32 v47, v63  }
0xbd: {  	v48 =	vadd.f32 v40, v23;
	v23 =	vadd.f32 v20, v29;
	v29 =	vld [tilespmem:s18+$0xFFFFFF00]  }
0xbe: {  	v28 =	vadd.f32 v28, v53;
	[tilespmem:s14+$0xFFFFFF60] =	vst v24;
	v16 =	vadd.f32 v19, v16;
	v53 =	vld [tilespmem:s16+$0xFFFFFF90]  }
0xbf: {  	v35 =	vadd.f32 v50, v49;
	v25 =	vadd.f32 v27, v25;
	[tilespmem:s16+$0xFFFFFF80] =	vst v39;
	v27 =	vld [tilespmem:s22+$0xFFFFFF70]  }
0xc0: {  	v54 =	vld [tilespmem:s18+$0xFFFFFF90];
	[tilespmem:s14+$0xFFFFFFE0] =	vst v28;
	v16 =	vadd.f32 v30, v16;
	v30 =	vmul.f32 v40, v40;
	v19 =	vadd.f32 v61, v60  }
0xc1: {  	v18 =	vadd.f32 v41, v18;
	[tilespmem:s16+$0x80] =	vst v23;
	v38 =	vadd.f32 v56, v55;
	v62 =	vld [tilespmem:s22+$0xFFFFFFF0]  }
0xc2: {  	v52 =	vld [tilespmem:s18+$0x90];
	v16 =	vadd.f32 v30, v16;
	v20 =	vadd.f32 v19, v48;
	v30 =	vmul.f32 v19, v19  }
0xc3: {  	v41 =	vmul.f32 v41, v41;
	v33 =	vadd.f32 v34, v33;
	v18 =	vadd.f32 v24, v18;
	v55 =	vld [tilespmem:s16+$0x10];
	[tilespmem:s14+$0x60] =	vst v38  }
0xc4: {  	v26 =	vld [tilespmem:s22+$0x70];
	v27 =	vadd.f32 v27, v57;
	(xrf2) =	vadd.scan.msk.f32 $0xffff, v20;
	v16 =	vadd.f32 v30, v16  }
0xc5: {  	[tilespmem:s16+$0x0] =	vst v35;
	v41 =	vadd.f32 v41, v31;
	v17 =	vadd.f32 v37, v17;
	v20 =	vld [tilespmem:s16+$0x90]  }
0xc6: {  	v37 =	vmul.f32 v37, v37;
	v33 =	vadd.f32 v28, v33;
	v57 =	vld [tilespmem:s18+$0x10];
	v18 =	vadd.f32 v27, v18;
	(xrf2) =	vadd.scan.msk.f32 $0xffff, v16  }
0xc7: {  	v29 =	vadd.f32 v29, v51;
	v17 =	vadd.f32 v38, v17;
	v30 =	vmul.f32 v34, v34  }
0xc8: {  	v56 =	vmul.f32 v28, v28;
	v58 =	vadd.f32 v54, v53;
	v31 =	vadd.f32 v62, v59;
	(xrf2) =	vadd.scan.msk.f32 $0xffff, v18  }
0xc9: {  	[tilespmem:s16+$0xFFFFFF00] =	vst v29;
	v49 =	vmul.f32 v29, v29;
	v28 =	vadd.f32 v26, v22;
	v16 =	vld [tilespmem:s16+$0xFFFFFF10];
	v25 =	vadd.f32 v30, v25  }
0xca: {  	v59 =	vmul.f32 v27, v27;
	v30 =	vadd.f32 v52, v20;
	v20 =	vadd.f32 v37, v21;
	v21 =	vld [tilespmem:s18+$0xFFFFFF10]  }
0xcb: {  	v36 =	vadd.f32 v57, v55;
	v18 =	vmul.f32 v24, v24;
	v24 =	vadd.f32 v31, v33  }
0xcc: {  	v22 =	vmul.f32 v38, v38;
	v26 =	vld [tilespmem:s16+$0xA0];
	v17 =	vadd.f32 v28, v17;
	v33 =	vadd.f32 v58, v39;
	[tilespmem:s16+$0x90] =	vst v30  }
0xcd: {  	[tilespmem:s16+$0xFFFFFF90] =	vst v58;
	v62 =	vmul.f32 v31, v31;
	v55 =	vadd.f32 v36, v35;
	v25 =	vadd.f32 v56, v25;
	v61 =	vld [tilespmem:s18+$0xA0]  }
0xce: {  	v63 =	vld [tilespmem:s18+$0xFFFFFFA0];
	v47 =	vmul.f32 v28, v28;
	v18 =	vadd.f32 v18, v41;
	v20 =	vadd.f32 v22, v20;
	v60, _, _ =	vpop (xrf2)  }
0xcf: {  	v25 =	vadd.f32 v62, v25;
	(xrf2) =	vadd.scan.msk.f32 $0xffff, v24;
	v24 =	vld [tilespmem:s16+$0xFFFFFFA0];
	v21 =	vadd.f32 v21, v16;
	v34 =	vmul.f32 $7.812500000e-03, v60  }
0xd0: {  	v48 =	vld [tilespmem:s16+$0x20];
	v50 =	vmul.f32 v58, v58;
	[tilespmem:s16+$0x10] =	vst v36;
	v18 =	vadd.f32 v59, v18;
	v20 =	vadd.f32 v47, v20;
	v22, _, _ =	vpop (xrf2)  }
0xd1: {  	v38 =	vld [tilespmem:s16+$0xFFFFFF20];
	(xrf2) =	vadd.scan.msk.f32 $0xffff, v17;
	[tilespmem:s16+$0xFFFFFF10] =	vst v21;
	v17 =	vmul.f32 $7.812500000e-03, v22;
	v22 =	vmul.f32 v34, v34  }
0xd2: {  	v29 =	vadd.f32 v21, v29;
	v21 =	vmul.f32 v21, v21;
	v32 =	vadd.f32 v61, v26;
	v51, _, _ =	vpop (xrf2);
	v53 =	vld [tilespmem:s18+$0xFFFFFF20];
	(xrf2) =	vadd.scan.msk.f32 $0xffff, v18  }
0xd3: {  	v26 =	vmul.f32 v35, v35;
	v18 =	vmul.f32 v36, v36;
	v16 =	vsub.f32 v17, v22;
	v17 =	vld [tilespmem:s18+$0x20]  }
0xd4: {  	v54 =	vld [tilespmem:s16+$0xB0];
	(xrf2) =	vadd.scan.msk.f32 $0xffff, v25;
	v22 =	vmul.f32 v39, v39;
	[tilespmem:s16+$0xA0] =	vst v32;
	v24 =	vadd.f32 v63, v24  }
0xd5: {  	v21 =	vadd.f32 v21, v49;
	v25 =	vld [tilespmem:s18+$0xB0];
	v52 =	vadd.f32 $9.999999960e-13, v16;
	v16 =	vmul.f32 $7.812500000e-03, v51  }
0xd6: {  	[tilespmem:s16+$0xFFFFFFA0] =	vst v24;
	v22 =	vadd.f32 v50, v22;
	v33 =	vadd.f32 v24, v33;
	v24 =	vmul.f32 v24, v24  }
0xd7: {  	v57 =	vld [tilespmem:s16+$0xFFFFFFB0];
	v26 =	vadd.f32 v18, v26;
	v38 =	vadd.f32 v53, v38;
	v56 =	vbroadcast v52, $0xF  }
0xd8: {  	v60 =	vld [tilespmem:s18+$0xFFFFFFB0];
	v63 =	vmul.f32 v16, v16;
	v22 =	vadd.f32 v24, v22;
	v40 =	vadd.f32 v17, v48  }
0xd9: {  	v62 =	vld [tilespmem:s16+$0x30];
	v58, _, _ =	vpop (xrf2);
	(xrf2) =	vadd.scan.msk.f32 $0xffff, v20;
	[tilespmem:s16+$0xFFFFFF20] =	vst v38;
	v29 =	vadd.f32 v38, v29;
	v38 =	vmul.f32 v38, v38  }
0xda: {  	v36 =	vld [tilespmem:s16+$0xFFFFFF30];
	v17 =	vshra.s32 v56, $0x1;
	v42 =	vmul.f32 $5.000000000e-01, v56;
	v35 =	vadd.f32 v25, v54  }
0xdb: {  	v48 =	vld [tilespmem:s18+$0xFFFFFF30];
	v59 =	vsub.s32 $0x5F3759DF, v17;
	[tilespmem:s16+$0x20] =	vst v40;
	v17 =	vmul.f32 $7.812500000e-03, v58;
	v18, _, _ =	vpop (xrf2);
	v41 =	vadd.f32 v40, v55  }
0xdc: {  	v40 =	vmul.f32 v40, v40;
	v21 =	vadd.f32 v38, v21;
	v61 =	vmul.f32 v59, v42;
	v20 =	vld [tilespmem:s18+$0x30];
	v54, _, _ =	vpop (xrf2)  }
0xdd: {  	v49 =	vld [tilespmem:s16+$0xC0];
	v18 =	vmul.f32 $7.812500000e-03, v18;
	[tilespmem:s16+$0xB0] =	vst v35;
	v43 =	vadd.f32 v60, v57;
	v44 =	vmul.f32 $7.812500000e-03, v54  }
0xde: {  	v25 =	vmul.f32 v17, v17;
	v24 =	vld [tilespmem:s18+$0xC0];
	v55, _, _ =	vpop (xrf2);
	v26 =	vadd.f32 v40, v26;
	v52 =	vmul.f32 v59, v61  }
0xdf: {  	v50 =	vld [tilespmem:s16+$0xFFFFFF40];
	v56 =	vmul.f32 $7.812500000e-03, v55;
	v33 =	vadd.f32 v43, v33;
	v58 =	vsub.f32 v44, v63  }
0xe0: {  	v57 =	vld [tilespmem:s16+$0xFFFFFFC0];
	v53 =	vmul.f32 v18, v18;
	v36 =	vadd.f32 v48, v36;
	v39 =	vsub.f32 $1.500000000e+00, v52  }
0xe1: {  	v60 =	vld [tilespmem:s16+$0x40];
	[tilespmem:s16+$0xFFFFFFB0] =	vst v43;
	v43 =	vmul.f32 v43, v43;
	v25 =	vsub.f32 v56, v25;
	v20 =	vadd.f32 v20, v62  }
0xe2: {  	[tilespmem:s16+$0xFFFFFF30] =	vst v36;
	v29 =	vadd.f32 v36, v29;
	v36 =	vmul.f32 v36, v36;
	v37 =	vmul.f32 v59, v39;
	v59 =	vld [tilespmem:s18+$0xFFFFFFC0]  }
0xe3: {  	v47 =	vadd.f32 v24, v49;
	v62 =	vld [tilespmem:s18+$0xFFFFFF40];
	[tilespmem:s16+$0x30] =	vst v20;
	v41 =	vadd.f32 v20, v41;
	v24, _, _ =	vpop (xrf2);
	v20 =	vmul.f32 v20, v20  }
0xe4: {  	v22 =	vadd.f32 v43, v22;
	v42 =	vmul.f32 v37, v42;
	v61 =	vld [tilespmem:s18+$0x40];
	v24 =	vmul.f32 $7.812500000e-03, v24  }
0xe5: {  	v55 =	vld [tilespmem:s16+$0xFFFFFFD0];
	v25 =	vadd.f32 $9.999999960e-13, v25;
	v21 =	vadd.f32 v36, v21  }
0xe6: {  	[tilespmem:s16+$0xC0] =	vst v47;
	v20 =	vadd.f32 v20, v26;
	v26 =	vld [tilespmem:s16+$0xD0];
	v42 =	vmul.f32 v42, v37;
	v24 =	vsub.f32 v24, v53  }
0xe7: {  	v54 =	vld [tilespmem:s18+$0xD0];
	v63 =	vadd.f32 v59, v57;
	v57 =	vadd.f32 $9.999999960e-13, v58  }
0xe8: {  	v44 =	vld [tilespmem:s16+$0x50];
	v49 =	vbroadcast v34, $0xF;
	v59 =	vadd.f32 v62, v50;
	v42 =	vsub.f32 $1.500000000e+00, v42  }
0xe9: {  	v43 =	vld [tilespmem:s16+$0xFFFFFF50];
	v25 =	vbroadcast v25, $0xF;
	v24 =	vadd.f32 $9.999999960e-13, v24;
	v38 =	vadd.f32 v61, v60;
	[tilespmem:s16+$0xFFFFFFC0] =	vst v63  }
0xea: {  	v58 =	vmul.f32 v63, v63;
	v33 =	vadd.f32 v63, v33;
	v60 =	vbroadcast v57, $0xF;
	[tilespmem:s16+$0xFFFFFF40] =	vst v59;
	v61 =	vld [tilespmem:s18+$0xFFFFFFD0]  }
0xeb: {  	v63 =	vadd.f32 v59, v29;
	v51 =	vmul.f32 v42, v37;
	v42 =	vmul.f32 v59, v59;
	v56 =	vld [tilespmem:s18+$0xFFFFFF50];
	[tilespmem:s16+$0x40] =	vst v38  }
0xec: {  	v48 =	vadd.f32 v54, v26;
	v40 =	vadd.f32 v58, v22;
	v22 =	vmul.f32 v38, v38;
	v62 =	vld [tilespmem:s18+$0x50]  }
0xed: {  	v52 =	vld [tilespmem:s16+$0xFFFFFFE0];
	v57 =	vshra.s32 v25, $0x1;
	v41 =	vadd.f32 v38, v41;
	v36 =	vadd.f32 v42, v21  }
0xee: {  	v58 =	vld [tilespmem:s16+$0xE0];
	v21 =	vmul.f32 $5.000000000e-01, v25;
	v29 =	vadd.f32 v22, v20;
	v20 =	vbroadcast v24, $0xF  }
0xef: {  	v42 =	vld [tilespmem:s16+$0xFFFFFF60];
	[tilespmem:s16+$0xD0] =	vst v48;
	v24 =	vshra.s32 v60, $0x1;
	v22 =	vmul.f32 $5.000000000e-01, v60;
	v37 =	vadd.f32 v61, v55  }
0xf0: {  	[tilespmem:s14+$0xFFFFFFF0] =	vst v31;
	v59 =	vld [tilespmem:s18+$0xE0];
	v26 =	vsub.s32 $0x5F3759DF, v24;
	v24 =	vsub.s32 $0x5F3759DF, v57;
	v43 =	vadd.f32 v56, v43  }
0xf1: {  	v57 =	vmul.f32 v23, v23;
	v25 =	vshra.s32 v20, $0x1;
	v61 =	vld [tilespmem:s16+$0x60];
	v38 =	vadd.f32 v62, v44;
	[tilespmem:s16+$0xFFFFFFD0] =	vst v37  }
0xf2: {  	v20 =	vmul.f32 $5.000000000e-01, v20;
	v55 =	vadd.f32 v30, v23;
	v30 =	vmul.f32 v30, v30;
	[tilespmem:s16+$0xFFFFFF50] =	vst v43;
	v53 =	vld [tilespmem:s18+$0xFFFFFFE0]  }
0xf3: {  	v31 =	vmul.f32 v26, v22;
	v44 =	vadd.f32 v37, v33;
	v60 =	vmul.f32 v37, v37;
	v56 =	vld [tilespmem:s18+$0xFFFFFF60];
	[tilespmem:s16+$0x50] =	vst v38  }
0xf4: {  	[tilespmem:s14+$0xFFFFFF70] =	vst v27;
	v27 =	vmul.f32 v24, v21;
	v45 =	vadd.f32 v43, v63;
	v30 =	vadd.f32 v30, v57;
	v63 =	vld [tilespmem:s18+$0x60]  }
0xf5: {  	v62 =	vmul.f32 v43, v43;
	v33 =	vadd.f32 v60, v40;
	v40 =	vadd.f32 v32, v55  }
0xf6: {  	v37 =	vadd.f32 v59, v58;
	v59 =	vld [tilespmem:s16+$0xF0];
	v54 =	vadd.f32 v38, v41;
	v32 =	vmul.f32 v32, v32  }
0xf7: {  	[tilespmem:s14+$0xF0] =	vst v19;
	v25 =	vsub.s32 $0x5F3759DF, v25;
	v23 =	vadd.f32 v62, v36;
	v36 =	vld [tilespmem:s16+$0xFFFFFF70];
	v40 =	vadd.f32 v35, v40  }
0xf8: {  	v60 =	vmul.f32 v35, v35;
	v41 =	vld [tilespmem:s16+$0x70];
	[tilespmem:s16+$0xE0] =	vst v37;
	v32 =	vadd.f32 v32, v30;
	v58 =	vadd.f32 v53, v52  }
0xf9: {  	[tilespmem:s14+$0x70] =	vst v28;
	v28 =	vmul.f32 v25, v20;
	v42 =	vadd.f32 v56, v42;
	v19 =	vadd.f32 v63, v61;
	v61 =	vld [tilespmem:s18+$0xF0]  }
0xfa: {  	v34 =	vmul.f32 v38, v38;
	v35 =	vld [tilespmem:s16+$0xFFFFFFF0];
	v62 =	vadd.f32 v47, v40;
	v32 =	vadd.f32 v60, v32;
	[tilespmem:s16+$0xFFFFFFE0] =	vst v58  }
0xfb: {  	v47 =	vmul.f32 v47, v47;
	v30 =	vmul.f32 v58, v58;
	v38 =	vadd.f32 v58, v44;
	v43 =	vld [tilespmem:s18+$0xFFFFFFF0];
	[tilespmem:s16+$0x60] =	vst v19  }
0xfc: {  	s9 =	simm.s32 $0x14FA0;
	s19 =	simm.s32 $0x157A0;
	s31 =	simm.s32 $0x4;
	v40 =	vadd.f32 v42, v45;
	v39 =	vmul.f32 v42, v42;
	v63 =	vadd.f32 v48, v62;
	[tilespmem:s16+$0xFFFFFF60] =	vst v42;
	v44 =	vld [tilespmem:s18+$0x70]  }
0xfd: {  	s13 =	simm.s32 $0x4E00;
	s17 =	simm.s32 $0x14FA0;
	s11 =	simm.s32 $0x157A0;
	[tilespmem:s9+$0x10] =	vst v49;
	v46 =	vadd.f32 v47, v32;
	v47 =	vmul.f32 v48, v48;
	v45 =	vld [tilespmem:s18+$0xFFFFFF70];
	v42 =	vadd.f32 v19, v54  }
0xfe: {  	s10 =	simm.s32 $0x157A0;
	s5 =	simm.s32 $0x5000;
	s22 =	simm.s32 $0x0;
	[tilespmem:s19+$0x10] =	vst v51;
	v32 =	vmul.f32 v19, v19;
	v48 =	vadd.f32 v37, v63;
	v19 =	vadd.f32 v61, v59  }
.LBB2_5:
0xff: {  	v49 =	vld [tilespmem:s5+$0x80];
	v29 =	vadd.f32 v34, v29;
	v34 =	vadd.f32 v47, v46;
	v37 =	vmul.f32 v37, v37;
	s18 =	sadd.s32 $0x200, s18  }
0x100: {  	v31 =	vmul.f32 v26, v31;
	v46 =	vld [tilespmem:s18+$0x80];
	v35 =	vadd.f32 v43, v35;
	v43 =	vadd.f32 v19, v48  }
0x101: {  	v47 =	vld [tilespmem:s18+$0xFFFFFF00];
	v41 =	vadd.f32 v44, v41;
	v34 =	vadd.f32 v37, v34;
	v37 =	vmul.f32 v19, v19  }
0x102: {  	v44 =	vld [tilespmem:s5+$0xFFFFFF80];
	v36 =	vadd.f32 v45, v36;
	v38 =	vadd.f32 v35, v38;
	v45 =	vmul.f32 v35, v35;
	(xrf2) =	vadd.scan.msk.f32 $0xffff, v43  }
0x103: {  	s31 =	sadd.s32 $0x4, s31;
	v43 =	vld [tilespmem:s18+$0xFFFFFF80];
	[tilespmem:s13+$0xFFFFFFF0] =	vst v35;
	v35 =	vadd.f32 v41, v42;
	v42 =	vmul.f32 v41, v41;
	v34 =	vadd.f32 v37, v34  }
0x104: {  	v39 =	vadd.f32 v39, v23;
	p1 =	slt.u32 s31, $0x7C;
	v37 =	vld [tilespmem:s5+$0x0];
	[tilespmem:s13+$0xFFFFFF70] =	vst v36;
	v40 =	vadd.f32 v36, v40;
	v36 =	vmul.f32 v36, v36  }
0x105: {  	v30 =	vadd.f32 v30, v33;
	v27 =	vmul.f32 v24, v27;
	v48 =	vld [tilespmem:s18+$0x0];
	v23 =	vadd.f32 v46, v49;
	(xrf2) =	vadd.scan.msk.f32 $0xffff, v34  }
0x106: {  	v28 =	vmul.f32 v25, v28;
	v29 =	vadd.f32 v32, v29;
	v33 =	vld [tilespmem:s5+$0xFFFFFF00];
	v34 =	vadd.f32 v36, v39;
	[tilespmem:s13+$0x70] =	vst v41  }
0x107: {  	v16 =	vbroadcast v16, $0xF;
	v31 =	vsub.f32 $1.500000000e+00, v31;
	v30 =	vadd.f32 v45, v30;
	[tilespmem:s5+$0x80] =	vst v23;
	v32 =	vld [tilespmem:s5+$0x90]  }
0x108: {  	v17 =	vbroadcast v17, $0xF;
	v41 =	vadd.f32 v42, v29;
	v36 =	vadd.f32 v43, v44;
	v39 =	vld [tilespmem:s18+$0x90];
	(xrf2) =	vadd.scan.msk.f32 $0xffff, v40  }
0x109: {  	v26 =	vmul.f32 v26, v31;
	v40 =	vld [tilespmem:s5+$0xFFFFFF10];
	[tilespmem:s17+$0xFFFFFFE0] =	vst v16;
	v16 =	vsub.f32 $1.500000000e+00, v27;
	v27 =	vsub.f32 $1.500000000e+00, v28  }
0x10a: {  	v18 =	vbroadcast v18, $0xF;
	[tilespmem:s5+$0xFFFFFF80] =	vst v36;
	v31 =	vmul.f32 v36, v36;
	v28 =	vld [tilespmem:s5+$0xFFFFFF90];
	v37 =	vadd.f32 v48, v37  }
0x10b: {  	v33 =	vadd.f32 v47, v33;
	v42 =	vld [tilespmem:s18+$0xFFFFFF90];
	(xrf2) =	vadd.scan.msk.f32 $0xffff, v38;
	v29 =	vmul.f32 v24, v16;
	v24 =	vmul.f32 v25, v27  }
0x10c: {  	v22 =	vmul.f32 v26, v22;
	[tilespmem:s5+$0x0] =	vst v37;
	v25 =	vmul.f32 v37, v37;
	v16 =	vld [tilespmem:s5+$0x10];
	v38, _, _ =	vpop (xrf2)  }
0x10d: {  	[tilespmem:s5+$0xFFFFFF00] =	vst v33;
	v43 =	vmul.f32 v33, v33;
	v44 =	vld [tilespmem:s18+$0x10];
	v27 =	vadd.f32 v39, v32;
	v32 =	vmul.f32 v29, v21  }
0x10e: {  	v21 =	vmul.f32 $7.812500000e-03, v38;
	v39 =	vld [tilespmem:s18+$0xFFFFFF10];
	(xrf2) =	vadd.scan.msk.f32 $0xffff, v35;
	[tilespmem:s17+$0xFFFFFFF0] =	vst v17;
	v17 =	vmul.f32 v24, v20  }
0x10f: {  	v22 =	vmul.f32 v22, v26;
	[tilespmem:s5+$0x90] =	vst v27;
	v20 =	vld [tilespmem:s5+$0xA0];
	v35, _, _ =	vpop (xrf2);
	v32 =	vmul.f32 v32, v29  }
0x110: {  	v28 =	vadd.f32 v42, v28;
	v38 =	vld [tilespmem:s18+$0xA0];
	v35 =	vmul.f32 $7.812500000e-03, v35;
	v42 =	vmul.f32 v21, v21;
	[tilespmem:s17+$0x0] =	vst v18  }
0x111: {  	v22 =	vsub.f32 $1.500000000e+00, v22;
	v45 =	vld [tilespmem:s5+$0xFFFFFF20];
	(xrf2) =	vadd.scan.msk.f32 $0xffff, v34;
	v32 =	vsub.f32 $1.500000000e+00, v32;
	v34 =	vmul.f32 v17, v24  }
0x112: {  	[tilespmem:s5+$0xFFFFFF90] =	vst v28;
	v17 =	vmul.f32 v28, v28;
	v18 =	vld [tilespmem:s5+$0xFFFFFFA0];
	v44 =	vadd.f32 v44, v16;
	v35 =	vsub.f32 v35, v42;
	v16, _, _ =	vpop (xrf2)  }
0x113: {  	v36 =	vadd.f32 v28, v36;
	v39 =	vadd.f32 v39, v40;
	v40 =	vld [tilespmem:s18+$0xFFFFFFA0];
	v16 =	vmul.f32 $7.812500000e-03, v16  }
0x114: {  	[tilespmem:s5+$0x10] =	vst v44;
	v37 =	vadd.f32 v44, v37;
	v42 =	vmul.f32 v44, v44;
	v44 =	vld [tilespmem:s5+$0x20];
	v35 =	vadd.f32 $9.999999960e-13, v35  }
0x115: {  	[tilespmem:s5+$0xFFFFFF10] =	vst v39;
	v33 =	vadd.f32 v39, v33;
	v39 =	vmul.f32 v39, v39;
	v46 =	vld [tilespmem:s18+$0x20];
	v28 =	vadd.f32 v38, v20;
	v20, _, _ =	vpop (xrf2)  }
0x116: {  	v31 =	vadd.f32 v17, v31;
	v38 =	vld [tilespmem:s18+$0xFFFFFF20];
	v25 =	vadd.f32 v42, v25;
	v35 =	vbroadcast v35, $0xF;
	(xrf2) =	vadd.scan.msk.f32 $0xffff, v30  }
0x117: {  	v42 =	vmul.f32 v16, v16;
	v17 =	vmul.f32 $7.812500000e-03, v20;
	v39 =	vadd.f32 v39, v43;
	[tilespmem:s5+$0xA0] =	vst v28;
	v30 =	vld [tilespmem:s5+$0xB0]  }
0x118: {  	v20 =	vadd.f32 v40, v18;
	v40 =	vld [tilespmem:s18+$0xB0];
	v43 =	vshra.s32 v35, $0x1;
	v35 =	vmul.f32 $5.000000000e-01, v35;
	v18, _, _ =	vpop (xrf2)  }
0x119: {  	v48 =	vmul.f32 v17, v17;
	v47 =	vld [tilespmem:s5+$0xFFFFFF30];
	v18 =	vmul.f32 $7.812500000e-03, v18;
	v43 =	vsub.s32 $0x5F3759DF, v43;
	(xrf2) =	vadd.scan.msk.f32 $0xffff, v41  }
0x11a: {  	[tilespmem:s5+$0xFFFFFFA0] =	vst v20;
	v36 =	vadd.f32 v20, v36;
	v41 =	vld [tilespmem:s5+$0xFFFFFFB0];
	v44 =	vadd.f32 v46, v44;
	v46 =	vmul.f32 v43, v35  }
0x11b: {  	v20 =	vmul.f32 v20, v20;
	v38 =	vadd.f32 v38, v45;
	v45 =	vld [tilespmem:s18+$0xFFFFFFB0];
	v49 =	vmul.f32 v18, v18;
	v50, _, _ =	vpop (xrf2)  }
0x11c: {  	[tilespmem:s5+$0x20] =	vst v44;
	v37 =	vadd.f32 v44, v37;
	v44 =	vmul.f32 v44, v44;
	v51 =	vld [tilespmem:s5+$0x30];
	v46 =	vmul.f32 v43, v46  }
0x11d: {  	[tilespmem:s5+$0xFFFFFF20] =	vst v38;
	v33 =	vadd.f32 v38, v33;
	v38 =	vmul.f32 v38, v38;
	v52 =	vld [tilespmem:s18+$0x30];
	v30 =	vadd.f32 v40, v30  }
0x11e: {  	v20 =	vadd.f32 v20, v31;
	v31 =	vmul.f32 $7.812500000e-03, v50;
	v40 =	vld [tilespmem:s18+$0xFFFFFF30];
	v46 =	vsub.f32 $1.500000000e+00, v46  }
0x11f: {  	v22 =	vmul.f32 v22, v26;
	v25 =	vadd.f32 v44, v25;
	v38 =	vadd.f32 v38, v39;
	[tilespmem:s5+$0xB0] =	vst v30;
	v39 =	vld [tilespmem:s5+$0xC0]  }
0x120: {  	v31 =	vsub.f32 v31, v42;
	v26 =	vadd.f32 v45, v41;
	v41 =	vld [tilespmem:s18+$0xC0];
	v42 =	vmul.f32 v43, v46;
	v43, _, _ =	vpop (xrf2)  }
0x121: {  	v44 =	vld [tilespmem:s5+$0xFFFFFF40];
	v43 =	vmul.f32 $7.812500000e-03, v43;
	[tilespmem:s11+$0xFFFFFFE0] =	vst v22;
	v22 =	vmul.f32 v32, v29;
	v29 =	vsub.f32 $1.500000000e+00, v34  }
0x122: {  	[tilespmem:s5+$0xFFFFFFB0] =	vst v26;
	v34 =	vadd.f32 v26, v36;
	v36 =	vld [tilespmem:s5+$0xFFFFFFC0];
	v32 =	vadd.f32 v52, v51;
	v35 =	vmul.f32 v42, v35  }
0x123: {  	v26 =	vmul.f32 v26, v26;
	v40 =	vadd.f32 v40, v47;
	v45 =	vld [tilespmem:s18+$0xFFFFFFC0];
	v43 =	vsub.f32 v43, v48;
	v46, _, _ =	vpop (xrf2);
	[tilespmem:s11+$0xFFFFFFF0] =	vst v22  }
0x124: {  	[tilespmem:s5+$0x30] =	vst v32;
	v22 =	vadd.f32 v32, v37;
	v37 =	vmul.f32 v32, v32;
	v47 =	vld [tilespmem:s5+$0x40];
	v35 =	vmul.f32 v35, v42  }
0x125: {  	[tilespmem:s5+$0xFFFFFF30] =	vst v40;
	v33 =	vadd.f32 v40, v33;
	v40 =	vmul.f32 v40, v40;
	v48 =	vld [tilespmem:s18+$0x40];
	v32 =	vadd.f32 v41, v39  }
0x126: {  	v20 =	vadd.f32 v26, v20;
	v26 =	vmul.f32 $7.812500000e-03, v46;
	v39 =	vld [tilespmem:s18+$0xFFFFFF40];
	v35 =	vsub.f32 $1.500000000e+00, v35  }
0x127: {  	v21 =	vbroadcast v21, $0xF;
	v25 =	vadd.f32 v37, v25;
	v38 =	vadd.f32 v40, v38;
	v40 =	vld [tilespmem:s5+$0xFFFFFF50];
	[tilespmem:s5+$0xC0] =	vst v32  }
0x128: {  	s17 =	sadd.s32 $0x40, s17;
	v26 =	vsub.f32 v26, v49;
	v36 =	vadd.f32 v45, v36;
	v37 =	vld [tilespmem:s5+$0xFFFFFFD0];
	[tilespmem:s13+$0xF0] =	vst v19;
	v19 =	vmul.f32 v35, v42;
	s13 =	smov.u32 s5  }
0x129: {  	v31 =	vadd.f32 $9.999999960e-13, v31;
	s11 =	sadd.s32 $0x40, s11;
	v41 =	vadd.f32 $9.999999960e-13, v43;
	v35 =	vld [tilespmem:s5+$0xD0];
	[tilespmem:s17+$0x10] =	vst v21;
	v21 =	vmul.f32 v29, v24  }
0x12a: {  	v34 =	vadd.f32 v36, v34;
	v24 =	vmul.f32 v36, v36;
	v29 =	vadd.f32 v48, v47;
	v42 =	vld [tilespmem:s18+$0xD0];
	[tilespmem:s11+$0x10] =	vst v19  }
0x12b: {  	v31 =	vbroadcast v31, $0xF;
	v26 =	vadd.f32 $9.999999960e-13, v26;
	v19 =	vadd.f32 v39, v44;
	[tilespmem:s5+$0xFFFFFFC0] =	vst v36;
	v36 =	vld [tilespmem:s5+$0x50]  }
0x12c: {  	v39 =	vadd.f32 v24, v20;
	v20 =	vld [tilespmem:s18+$0xFFFFFFD0];
	[tilespmem:s5+$0x40] =	vst v29;
	v43 =	vadd.f32 v29, v22;
	v22 =	vmul.f32 v29, v29  }
0x12d: {  	v41 =	vbroadcast v41, $0xF;
	[tilespmem:s5+$0xFFFFFF40] =	vst v19;
	v33 =	vadd.f32 v19, v33;
	v19 =	vmul.f32 v19, v19;
	v24 =	vld [tilespmem:s18+$0x50]  }
0x12e: {  	v45 =	vbroadcast v26, $0xF;
	v44 =	vld [tilespmem:s18+$0xFFFFFF50];
	v29 =	vadd.f32 v22, v25;
	v25 =	vshra.s32 v31, $0x1;
	[tilespmem:s10+$0x0] =	vst v21;
	s10 =	smov.u32 s11  }
0x12f: {  	v22 =	vmul.f32 $5.000000000e-01, v31;
	v19 =	vadd.f32 v19, v38;
	v38 =	vld [tilespmem:s5+$0xFFFFFF60];
	v47 =	vadd.f32 v42, v35  }
0x130: {  	v31 =	vshra.s32 v41, $0x1;
	v21 =	vmul.f32 $5.000000000e-01, v41;
	v35 =	vshra.s32 v45, $0x1;
	v42 =	vld [tilespmem:s5+$0xFFFFFFE0]  }
0x131: {  	v26 =	vsub.s32 $0x5F3759DF, v25;
	v37 =	vadd.f32 v20, v37;
	[tilespmem:s5+$0xD0] =	vst v47;
	v41 =	vld [tilespmem:s5+$0xE0];
	v20 =	vmul.f32 $5.000000000e-01, v45  }
0x132: {  	v25 =	vsub.s32 $0x5F3759DF, v35;
	v36 =	vadd.f32 v24, v36;
	v45 =	vld [tilespmem:s18+$0xE0];
	v24 =	vsub.s32 $0x5F3759DF, v31  }
0x133: {  	v35 =	vadd.f32 v44, v40;
	[tilespmem:s5+$0xFFFFFFD0] =	vst v37;
	v40 =	vadd.f32 v37, v34;
	v37 =	vmul.f32 v37, v37;
	v44 =	vld [tilespmem:s5+$0x60]  }
0x134: {  	v31 =	vmul.f32 v26, v22;
	v46 =	vld [tilespmem:s18+$0xFFFFFFE0];
	[tilespmem:s5+$0x50] =	vst v36;
	v48 =	vadd.f32 v36, v43;
	v34 =	vmul.f32 v36, v36  }
0x135: {  	v50 =	vadd.f32 v27, v23;
	[tilespmem:s5+$0xFFFFFF50] =	vst v35;
	v49 =	vadd.f32 v35, v33;
	v35 =	vmul.f32 v35, v35;
	v43 =	vld [tilespmem:s18+$0x60]  }
0x136: {  	v52 =	vmul.f32 v27, v27;
	v33 =	vadd.f32 v37, v39;
	v39 =	vmul.f32 v23, v23;
	v51 =	vld [tilespmem:s18+$0xFFFFFF60]  }
0x137: {  	v50 =	vadd.f32 v28, v50;
	v27 =	vmul.f32 v24, v21;
	v36 =	vld [tilespmem:s5+$0xFFFFFF70];
	v37 =	vadd.f32 v45, v41  }
0x138: {  	v23 =	vadd.f32 v35, v19;
	v19 =	vadd.f32 v52, v39;
	v39 =	vmul.f32 v28, v28;
	v35 =	vld [tilespmem:s5+$0xFFFFFFF0]  }
0x139: {  	v45 =	vadd.f32 v30, v50;
	v28 =	vmul.f32 v25, v20;
	v42 =	vadd.f32 v46, v42;
	[tilespmem:s5+$0xE0] =	vst v37;
	v50 =	vld [tilespmem:s5+$0xF0]  }
0x13a: {  	v19 =	vadd.f32 v39, v19;
	v39 =	vmul.f32 v30, v30;
	v52 =	vadd.f32 v43, v44;
	v53 =	vld [tilespmem:s18+$0xF0]  }
.Ltmp1:
0x13b: {  	v45 =	vadd.f32 v32, v45;
	v44 =	vadd.f32 v51, v38;
	[tilespmem:s5+$0xFFFFFFE0] =	vst v42;
	v30 =	vmul.f32 v42, v42;
	v41 =	vld [tilespmem:s5+$0x70];
	(pc) =	sbr.rel @p1 .LBB2_5-.Ltmp1, $4  }
0x13c: {  	v32 =	vmul.f32 v32, v32;
	v38 =	vadd.f32 v42, v40;
	v19 =	vadd.f32 v39, v19;
	v43 =	vld [tilespmem:s18+$0xFFFFFFF0];
	[tilespmem:s5+$0x60] =	vst v52  }
0x13d: {  	[tilespmem:s5+$0xFFFFFF60] =	vst v44;
	v40 =	vadd.f32 v44, v49;
	v39 =	vmul.f32 v44, v44;
	v44 =	vld [tilespmem:s18+$0x70];
	v49 =	vadd.f32 v47, v45  }
0x13e: {  	v42 =	vadd.f32 v52, v48;
	v46 =	vadd.f32 v32, v19;
	v47 =	vmul.f32 v47, v47;
	v45 =	vld [tilespmem:s18+$0xFFFFFF70]  }
0x13f: {  	v32 =	vmul.f32 v52, v52;
	s5 =	sadd.s32 $0x200, s5;
	v48 =	vadd.f32 v37, v49;
	v19 =	vadd.f32 v53, v50  }
0x140: {  	v46 =	vadd.f32 v47, v46;
	v37 =	vmul.f32 v37, v37;
	_ =	sdelay $0x1  }
0x141: {  	v48 =	vadd.f32 v19, v48;
	v49 =	vmul.f32 v19, v19;
	v37 =	vadd.f32 v37, v46;
	_ =	sdelay $0x1  }
0x142: {  	(xrf2) =	vadd.scan.msk.f32 $0xffff, v48;
	v37 =	vadd.f32 v49, v37;
	_ =	sdelay $0x1  }
0x143: {  	(xrf2) =	vadd.scan.msk.f32 $0xffff, v37;
	_ =	sdelay $0x2  }
0x144: {  	v36 =	vadd.f32 v45, v36  }
0x145: {  	v29 =	vadd.f32 v34, v29;
	v35 =	vadd.f32 v43, v35  }
0x146: {  	v50 =	vadd.f32 v36, v40;
	v40 =	vadd.f32 v44, v41  }
0x147: {  	v23 =	vadd.f32 v39, v23;
	v38 =	vadd.f32 v35, v38;
	v51 =	vmul.f32 v36, v36  }
0x148: {  	v30 =	vadd.f32 v30, v33;
	v52 =	vmul.f32 v35, v35;
	(xrf2) =	vadd.scan.msk.f32 $0xffff, v50;
	v53 =	vadd.f32 v40, v42  }
0x149: {  	v29 =	vadd.f32 v32, v29;
	v54 =	vmul.f32 v40, v40;
	v23 =	vadd.f32 v51, v23;
	(xrf2) =	vadd.scan.msk.f32 $0xffff, v38;
	v55, _, _ =	vpop (xrf2)  }
0x14a: {  	v30 =	vadd.f32 v52, v30;
	(xrf2) =	vadd.scan.msk.f32 $0xffff, v53;
	v32 =	vmul.f32 $7.812500000e-03, v55  }
0x14b: {  	v31 =	vmul.f32 v26, v31;
	v27 =	vmul.f32 v24, v27;
	v29 =	vadd.f32 v54, v29;
	v56, _, _ =	vpop (xrf2);
	(xrf2) =	vadd.scan.msk.f32 $0xffff, v23  }
0x14c: {  	v57 =	vmul.f32 v32, v32;
	v23 =	vmul.f32 $7.812500000e-03, v56;
	(xrf2) =	vadd.scan.msk.f32 $0xffff, v30  }
0x14d: {  	v28 =	vmul.f32 v25, v28;
	v27 =	vsub.f32 $1.500000000e+00, v27;
	(xrf2) =	vadd.scan.msk.f32 $0xffff, v29  }
0x14e: {  	v29 =	vsub.f32 $1.500000000e+00, v31;
	v23 =	vsub.f32 v23, v57  }
0x14f: {  	v16 =	vbroadcast v16, $0xF;
	v28 =	vsub.f32 $1.500000000e+00, v28;
	v24 =	vmul.f32 v24, v27  }
0x150: {  	v17 =	vbroadcast v17, $0xF;
	v18 =	vbroadcast v18, $0xF;
	v23 =	vadd.f32 $9.999999960e-13, v23  }
0x151: {  	v25 =	vmul.f32 v25, v28;
	v21 =	vmul.f32 v24, v21  }
0x152: {  	v26 =	vmul.f32 v26, v29;
	v29, _, _ =	vpop (xrf2);
	v23 =	vbroadcast v23, $0xF  }
0x153: {  	v20 =	vmul.f32 v25, v20;
	v27, _, _ =	vpop (xrf2);
	v28 =	vmul.f32 $7.812500000e-03, v29  }
0x154: {  	v27 =	vmul.f32 $7.812500000e-03, v27;
	v30, _, _ =	vpop (xrf2);
	v29 =	vshra.s32 v23, $0x1;
	v23 =	vmul.f32 $5.000000000e-01, v23  }
0x155: {  	v31 =	vmul.f32 v28, v28;
	v30 =	vmul.f32 $7.812500000e-03, v30;
	v29 =	vsub.s32 $0x5F3759DF, v29;
	v59, _, _ =	vpop (xrf2)  }
0x156: {  	v58 =	vmul.f32 v27, v27;
	v60 =	vmul.f32 v29, v23;
	v61, _, _ =	vpop (xrf2)  }
0x157: {  	v34 =	vmul.f32 $7.812500000e-03, v59;
	v38 =	vmul.f32 $7.812500000e-03, v61;
	v62, _, _ =	vpop (xrf2)  }
0x158: {  	v63 =	vmul.f32 v30, v30;
	v39 =	vmul.f32 $7.812500000e-03, v62  }
0x159: {  	v21 =	vmul.f32 v21, v24;
	v31 =	vsub.f32 v34, v31;
	v33 =	vsub.f32 v38, v58  }
0x15a: {  	v22 =	vmul.f32 v26, v22;
	v42 =	vmul.f32 v29, v60;
	v43 =	vsub.f32 v39, v63  }
0x15b: {  	v20 =	vmul.f32 v20, v25;
	v31 =	vadd.f32 $9.999999960e-13, v31;
	v33 =	vadd.f32 $9.999999960e-13, v33  }
0x15c: {  	v22 =	vmul.f32 v22, v26;
	v34 =	vsub.f32 $1.500000000e+00, v42;
	v37 =	vadd.f32 $9.999999960e-13, v43  }
0x15d: {  	v31 =	vbroadcast v31, $0xF;
	v33 =	vbroadcast v33, $0xF  }
0x15e: {  	v29 =	vmul.f32 v29, v34;
	v44 =	vbroadcast v37, $0xF  }
0x15f: {  	v45 =	vshra.s32 v31, $0x1;
	v31 =	vmul.f32 $5.000000000e-01, v31;
	v46 =	vshra.s32 v33, $0x1  }
0x160: {  	v33 =	vmul.f32 $5.000000000e-01, v33;
	v37 =	vsub.s32 $0x5F3759DF, v45;
	v47 =	vshra.s32 v44, $0x1  }
0x161: {  	v34 =	vmul.f32 $5.000000000e-01, v44;
	v38 =	vsub.s32 $0x5F3759DF, v46;
	v48 =	vmul.f32 v37, v31  }
0x162: {  	[tilespmem:s13+$0xF0] =	vst v19;
	v23 =	vmul.f32 v29, v23;
	v49 =	vsub.s32 $0x5F3759DF, v47;
	v50 =	vmul.f32 v38, v33  }
0x163: {  	[tilespmem:s17+$0xFFFFFFE0] =	vst v16;
	v22 =	vsub.f32 $1.500000000e+00, v22;
	v51 =	vmul.f32 v49, v34;
	v41 =	vmul.f32 v37, v48  }
0x164: {  	[tilespmem:s17+$0xFFFFFFF0] =	vst v17;
	v21 =	vsub.f32 $1.500000000e+00, v21;
	v23 =	vmul.f32 v23, v29;
	v39 =	vmul.f32 v38, v50  }
0x165: {  	[tilespmem:s17+$0x0] =	vst v18;
	v16 =	vmul.f32 v22, v26;
	v22 =	vmul.f32 v49, v51;
	v26 =	vsub.f32 $1.500000000e+00, v41  }
0x166: {  	[tilespmem:s13+$0xFFFFFFF0] =	vst v35;
	v17 =	vmul.f32 v21, v24;
	v21 =	vsub.f32 $1.500000000e+00, v23;
	v23 =	vsub.f32 $1.500000000e+00, v39  }
0x167: {  	[tilespmem:s13+$0xFFFFFF70] =	vst v36;
	v18 =	vbroadcast v32, $0xF;
	v24 =	vmul.f32 v37, v26;
	v22 =	vsub.f32 $1.500000000e+00, v22  }
0x168: {  	[tilespmem:s11+$0xFFFFFFE0] =	vst v16;
	v16 =	vsub.f32 $1.500000000e+00, v20;
	v20 =	vmul.f32 v21, v29;
	v21 =	vmul.f32 v38, v23  }
0x169: {  	[tilespmem:s11+$0xFFFFFFF0] =	vst v17;
	v17 =	vmul.f32 v49, v22;
	v22 =	vmul.f32 v24, v31  }
0x16a: {  	s5 =	sadd.s32 $0x40, s17;
	[tilespmem:s13+$0x70] =	vst v40;
	v16 =	vmul.f32 v16, v25;
	v19 =	vmul.f32 v21, v33  }
0x16b: {  	s31 =	sadd.s32 $0x40, s11;
	[tilespmem:s5+$0x10] =	vst v18;
	v18 =	vmul.f32 v17, v34;
	v22 =	vmul.f32 v22, v24  }
0x16c: {  	[tilespmem:s31+$0x10] =	vst v20;
	v20 =	vbroadcast v28, $0xF;
	v19 =	vmul.f32 v19, v21  }
0x16d: {  	[tilespmem:s10+$0x0] =	vst v16;
	v16 =	vbroadcast v27, $0xF;
	v22 =	vsub.f32 $1.500000000e+00, v22;
	v18 =	vmul.f32 v18, v17  }
0x16e: {  	[tilespmem:s5+$0xFFFFFFE0] =	vst v20;
	v20 =	vbroadcast v30, $0xF;
	v19 =	vsub.f32 $1.500000000e+00, v19  }
0x16f: {  	[tilespmem:s5+$0xFFFFFFF0] =	vst v16;
	v16 =	vmul.f32 v22, v24;
	v18 =	vsub.f32 $1.500000000e+00, v18  }
0x170: {  	[tilespmem:s5+$0x0] =	vst v20;
	v19 =	vmul.f32 v19, v21  }
0x171: {  	[tilespmem:s31+$0xFFFFFFE0] =	vst v16;
	v16 =	vmul.f32 v18, v17  }
0x172: {  	[tilespmem:s31+$0xFFFFFFF0] =	vst v19  }
0x173: {  	[tilespmem:s31+$0x0] =	vst v16  }
0x174: {  	v23 =	vld [tilespmem:s9+$0x10]  }
0x175: {  	v26 =	vld [tilespmem:s14+$0xFFFFFF10]  }
0x176: {  	v31 =	vld [tilespmem:s14+$0xFFFFFF40]  }
0x177: {  	v33 =	vld [tilespmem:s14+$0xFFFFFF70]  }
0x178: {  	v20 =	vld [tilespmem:s9+$0xFFFFFFF0]  }
0x179: {  	v16 =	vld [tilespmem:s14+$0xE0]  }
0x17a: {  	v24 =	vld [tilespmem:s14+$0xFFFFFF80]  }
0x17b: {  	v17 =	vld [tilespmem:s14+$0xF0]  }
0x17c: {  	v34 =	vld [tilespmem:s14+$0xFFFFFFB0]  }
0x17d: {  	v19 =	vld [tilespmem:s14+$0xFFFFFFA0]  }
0x17e: {  	v53 =	vld [tilespmem:s14+$0xFFFFFFE0]  }
0x17f: {  	v22 =	vld [tilespmem:s14+$0xC0]  }
0x180: {  	v25 =	vld [tilespmem:s14+$0x80]  }
0x181: {  	v18 =	vld [tilespmem:s14+$0x90]  }
0x182: {  	v27 =	vld [tilespmem:s14+$0xFFFFFFF0]  }
0x183: {  	v42 =	vld [tilespmem:s9+$0x0]  }
0x184: {  	v28 =	vld [tilespmem:s14+$0x0]  }
0x185: {  	v30 =	vld [tilespmem:s14+$0x10]  }
0x186: {  	v57 =	vld [tilespmem:s14+$0x40]  }
0x187: {  	v59 =	vld [tilespmem:s14+$0x50];
	v54 =	vsub.f32 v18, v23  }
0x188: {  	v44 =	vld [tilespmem:s9+$0xFFFFFFE0];
	v55 =	vsub.f32 v16, v23;
	v56 =	vsub.f32 v22, v23  }
0x189: {  	v21 =	vld [tilespmem:s19+$0x10];
	v16 =	vsub.f32 v17, v23;
	v17 =	vsub.f32 v19, v20  }
0x18a: {  	v38 =	vld [tilespmem:s19+$0xFFFFFFE0];
	v19 =	vsub.f32 v25, v23;
	v58 =	vsub.f32 v28, v42  }
0x18b: {  	v60 =	vld [tilespmem:s14+$0x60];
	v24 =	vsub.f32 v24, v20;
	v61 =	vsub.f32 v30, v42  }
0x18c: {  	v52 =	vld [tilespmem:s14+$0xFFFFFFD0];
	v62 =	vsub.f32 v27, v20;
	v39 =	vsub.f32 v57, v42  }
0x18d: {  	v18 =	vld [tilespmem:s19+$0xFFFFFFF0];
	v41 =	vsub.f32 v59, v42;
	v31 =	vsub.f32 v31, v44  }
0x18e: {  	v22 =	vld [tilespmem:s19+$0x0];
	v33 =	vsub.f32 v33, v44;
	v36 =	vmul.f32 v54, v21;
	v25 =	vmul.f32 v56, v21  }
0x18f: {  	v29 =	vld [tilespmem:s14+$0xFFFFFF30];
	v35 =	vsub.f32 v53, v20;
	v28 =	vmul.f32 v55, v21;
	v40 =	vmul.f32 v31, v38  }
0x190: {  	v51 =	vld [tilespmem:s14+$0xFFFFFF50];
	v46 =	vsub.f32 v60, v42;
	v33 =	vmul.f32 v33, v38;
	v36 =	vmul.f32 v36, v1  }
0x191: {  	v34 =	vsub.f32 v34, v20;
	v54 =	vld [tilespmem:s14+$0xFFFFFF00];
	v25 =	vmul.f32 v25, v4;
	v27 =	vmul.f32 v28, v6  }
0x192: {  	v55 =	vld [tilespmem:s14+$0xFFFFFF60];
	v56 =	vsub.f32 v52, v20;
	v30 =	vmul.f32 v24, v18;
	v28 =	vmul.f32 v62, v18  }
0x193: {  	v59 =	vsub.f32 v26, v44;
	v24 =	vmul.f32 v58, v22;
	v43 =	vmul.f32 v61, v22;
	v58 =	vld [tilespmem:s14+$0x70]  }
0x194: {  	v57 =	vld [tilespmem:s14+$0xFFFFFFC0];
	v29 =	vsub.f32 v29, v44;
	v32 =	vmul.f32 v39, v22;
	v50 =	vmul.f32 v56, v18  }
0x195: {  	v39 =	vmul.f32 v41, v22;
	v49 =	vmul.f32 v35, v18;
	v63 =	vadd.f32 v36, v9  }
0x196: {  	v60 =	vld [tilespmem:s14+$0x30];
	v41 =	vmul.f32 v59, v38;
	v53 =	vmul.f32 v34, v18;
	v36 =	vsub.f32 v54, v44  }
0x197: {  	v26 =	vmul.f32 v43, v1;
	v61 =	vsub.f32 v55, v44;
	v54 =	vld [tilespmem:s14+$0x20];
	[tilespmem:s14+$0x90] =	vst v63;
	v63 =	vsub.f32 v51, v44  }
0x198: {  	v37 =	vld [tilespmem:s14+$0xFFFFFF20];
	v52 =	vmul.f32 v36, v38;
	v36 =	vmul.f32 v29, v38;
	v45 =	vsub.f32 v58, v42  }
0x199: {  	v48 =	vld [tilespmem:s14+$0xD0];
	v29 =	vsub.f32 v57, v20;
	v31 =	vmul.f32 v61, v38;
	v43 =	vmul.f32 v63, v38  }
0x19a: {  	v34 =	vld [tilespmem:s14+$0xB0];
	v62 =	vmul.f32 v52, v0;
	v45 =	vmul.f32 v45, v22  }
0x19b: {  	v35 =	vsub.f32 v60, v42;
	v29 =	vmul.f32 v29, v18;
	v31 =	vmul.f32 v31, v6;
	v52 =	vld [tilespmem:s14+$0xFFFFFF90]  }
0x19c: {  	s5 =	simm.s32 $0x14FE0;
	v51 =	vld [tilespmem:s14+$0xA0];
	v42 =	vsub.f32 v54, v42;
	v47 =	vadd.f32 v62, v8;
	v54 =	vmul.f32 v45, v7  }
.LBB2_7:
0x19d: {  	v45 =	vld [tilespmem:s5+$0x10];
	s22 =	sadd.s32 $0x4, s22;
	v44 =	vsub.f32 v37, v44;
	v53 =	vmul.f32 v53, v3;
	v55 =	vmul.f32 v35, v22;
	s19 =	sadd.s32 $0x40, s19  }
0x19e: {  	v56 =	vmul.f32 v36, v3;
	v46 =	vmul.f32 v46, v22;
	v37 =	vld [tilespmem:s16+$0xFFFFFF10];
	p1 =	slt.u32 s22, $0x7C;
	v54 =	vadd.f32 v54, v15  }
0x19f: {  	v50 =	vmul.f32 v50, v5;
	v35 =	vld [tilespmem:s16+$0xFFFFFF30];
	v53 =	vadd.f32 v53, v11;
	v57 =	vsub.f32 v34, v23  }
0x1a0: {  	v58 =	vmul.f32 v40, v4;
	v56 =	vadd.f32 v56, v11;
	v36 =	vld [tilespmem:s16+$0xFFFFFF40];
	v20 =	vsub.f32 v52, v20;
	[tilespmem:s14+$0x70] =	vst v54  }
0x1a1: {  	v38 =	vmul.f32 v44, v38;
	v34 =	vld [tilespmem:s16+$0xFFFFFF50];
	[tilespmem:s14+$0xFFFFFFB0] =	vst v53;
	v44 =	vsub.f32 v51, v23;
	v51 =	vmul.f32 v57, v21  }
0x1a2: {  	v49 =	vmul.f32 v49, v6;
	v52 =	vadd.f32 v58, v12;
	v40 =	vld [tilespmem:s16+$0xFFFFFF70];
	[tilespmem:s14+$0xFFFFFF30] =	vst v56;
	v53 =	vmul.f32 v20, v18  }
0x1a3: {  	v50 =	vadd.f32 v50, v13;
	v54 =	vmul.f32 v39, v5;
	v38 =	vmul.f32 v38, v2;
	v20 =	vld [tilespmem:s5+$0xFFFFFFF0]  }
0x1a4: {  	v41 =	vmul.f32 v41, v1;
	v39 =	vadd.f32 v49, v14;
	v44 =	vmul.f32 v44, v21;
	v56 =	vld [tilespmem:s16+$0xE0];
	[tilespmem:s14+$0xFFFFFF40] =	vst v52  }
0x1a5: {  	v38 =	vadd.f32 v38, v10;
	v52 =	vmul.f32 v53, v1;
	v49 =	vld [tilespmem:s16+$0xFFFFFF80];
	[tilespmem:s14+$0xFFFFFFD0] =	vst v50;
	v50 =	vmul.f32 v51, v3  }
0x1a6: {  	v43 =	vmul.f32 v43, v5;
	v23 =	vsub.f32 v48, v23;
	v44 =	vmul.f32 v44, v2;
	v51 =	vld [tilespmem:s16+$0xF0];
	[tilespmem:s14+$0xFFFFFFE0] =	vst v39  }
0x1a7: {  	v46 =	vmul.f32 v46, v6;
	v48 =	vadd.f32 v54, v13;
	v39 =	vld [tilespmem:s16+$0xFFFFFFB0];
	[tilespmem:s14+$0xFFFFFF20] =	vst v38;
	v38 =	vadd.f32 v52, v9  }
0x1a8: {  	v23 =	vmul.f32 v23, v21;
	v44 =	vadd.f32 v44, v10;
	v52 =	vld [tilespmem:s16+$0xFFFFFFA0];
	[tilespmem:s14+$0xFFFFFF00] =	vst v47;
	v47 =	vmul.f32 v55, v3  }
0x1a9: {  	v32 =	vmul.f32 v32, v4;
	v53 =	vld [tilespmem:s16+$0xFFFFFFD0];
	[tilespmem:s14+$0xFFFFFF90] =	vst v38;
	v38 =	vadd.f32 v46, v14;
	v46 =	vadd.f32 v50, v11  }
0x1aa: {  	v22 =	vmul.f32 v42, v22;
	v23 =	vmul.f32 v23, v5;
	v50 =	vld [tilespmem:s16+$0xFFFFFFE0];
	v42 =	vadd.f32 v47, v11;
	[tilespmem:s14+$0xA0] =	vst v44  }
0x1ab: {  	v30 =	vmul.f32 v30, v0;
	v41 =	vadd.f32 v41, v9;
	v43 =	vadd.f32 v43, v13;
	v44 =	vld [tilespmem:s16+$0xC0];
	[tilespmem:s14+$0xB0] =	vst v46  }
0x1ac: {  	v32 =	vadd.f32 v32, v12;
	v22 =	vmul.f32 v22, v2;
	v23 =	vadd.f32 v23, v13;
	v46 =	vld [tilespmem:s16+$0x80];
	[tilespmem:s14+$0x60] =	vst v38  }
0x1ad: {  	v28 =	vmul.f32 v28, v7;
	v25 =	vadd.f32 v25, v12;
	v27 =	vadd.f32 v27, v14;
	v38 =	vld [tilespmem:s16+$0x90];
	[tilespmem:s14+$0x30] =	vst v42  }
0x1ae: {  	v24 =	vmul.f32 v24, v0;
	v55 =	vadd.f32 v22, v10;
	v54 =	vsub.f32 v56, v45;
	v47 =	vld [tilespmem:s16+$0xFFFFFFF0];
	[tilespmem:s14+$0xD0] =	vst v23  }
0x1af: {  	v17 =	vmul.f32 v17, v18;
	v26 =	vadd.f32 v26, v9;
	v22 =	vsub.f32 v51, v45;
	v42 =	vld [tilespmem:s5+$0x0];
	[tilespmem:s14+$0xE0] =	vst v27  }
0x1b0: {  	v18 =	vadd.f32 v30, v8;
	v23 =	vadd.f32 v28, v15;
	v28 =	vmul.f32 v19, v21;
	v27 =	vld [tilespmem:s16+$0x0];
	[tilespmem:s14+$0xC0] =	vst v25  }
0x1b1: {  	v24 =	vadd.f32 v24, v8;
	v30 =	vmul.f32 v17, v2;
	v25 =	vsub.f32 v44, v45;
	v51 =	vld [tilespmem:s19+$0x10];
	[tilespmem:s14+$0x50] =	vst v48  }
0x1b2: {  	v33 =	vmul.f32 v33, v7;
	v17 =	vsub.f32 v52, v20;
	v44 =	vld [tilespmem:s16+$0x10];
	v38 =	vsub.f32 v38, v45;
	[tilespmem:s14+$0xFFFFFF80] =	vst v18  }
0x1b3: {  	v30 =	vadd.f32 v30, v10;
	v28 =	vmul.f32 v28, v0;
	v19 =	vsub.f32 v46, v45;
	v18 =	vld [tilespmem:s19+$0xFFFFFFF0];
	[tilespmem:s14+$0x40] =	vst v32  }
0x1b4: {  	v21 =	vmul.f32 v16, v21;
	v16 =	vmovc v22;
	v32 =	vadd.f32 v33, v15;
	v56 =	vld [tilespmem:s16+$0x20];
	[tilespmem:s14+$0xFFFFFFF0] =	vst v23;
	v23 =	vmov v45  }
0x1b5: {  	v28 =	vadd.f32 v28, v8;
	v22 =	vld [tilespmem:s19+$0x0];
	v33 =	vsub.f32 v27, v42;
	[tilespmem:s14+$0xFFFFFF10] =	vst v41;
	v27 =	vmul.f32 v29, v4  }
0x1b6: {  	v31 =	vadd.f32 v31, v14;
	v29 =	vld [tilespmem:s16+$0x40];
	v38 =	vmul.f32 v38, v51;
	v25 =	vmul.f32 v25, v51;
	[tilespmem:s14+$0x20] =	vst v55  }
0x1b7: {  	v21 =	vmul.f32 v21, v7;
	v46 =	vmul.f32 v54, v51;
	v41 =	vsub.f32 v44, v42;
	v45 =	vld [tilespmem:s16+$0x50];
	[tilespmem:s14+$0x0] =	vst v24  }
0x1b8: {  	v24 =	vsub.f32 v49, v20;
	v52 =	vadd.f32 v27, v12;
	v48 =	vld [tilespmem:s16+$0x60];
	v49 =	vmul.f32 v38, v1;
	[tilespmem:s14+$0x80] =	vst v28  }
0x1b9: {  	v21 =	vadd.f32 v21, v15;
	v28 =	vsub.f32 v47, v20;
	v25 =	vmul.f32 v25, v4;
	v38 =	vld [tilespmem:s19+$0xFFFFFFE0];
	[tilespmem:s14+$0xFFFFFFA0] =	vst v30  }
0x1ba: {  	v27 =	vmul.f32 v46, v6;
	v30 =	vmul.f32 v24, v18;
	v44 =	vld [tilespmem:s5+$0xFFFFFFE0];
	v47 =	vadd.f32 v49, v9;
	[tilespmem:s14+$0xFFFFFF50] =	vst v43  }
0x1bb: {  	v28 =	vmul.f32 v28, v18;
	v24 =	vmul.f32 v33, v22;
	v43 =	vld [tilespmem:s16+$0xFFFFFF00];
	v29 =	vsub.f32 v29, v42;
	[tilespmem:s14+$0xFFFFFF70] =	vst v32  }
0x1bc: {  	v49 =	vsub.f32 v53, v20;
	v41 =	vmul.f32 v41, v22;
	v33 =	vld [tilespmem:s16+$0xFFFFFF60];
	v45 =	vsub.f32 v45, v42;
	[tilespmem:s14+$0xF0] =	vst v21  }
0x1bd: {  	v21 =	vsub.f32 v50, v20;
	v53 =	vld [tilespmem:s16+$0xFFFFFFC0];
	v32 =	vmul.f32 v29, v22;
	v46 =	vsub.f32 v48, v42;
	[tilespmem:s14+$0x10] =	vst v26  }
0x1be: {  	v54 =	vsub.f32 v39, v20;
	v50 =	vmul.f32 v49, v18;
	v39 =	vmul.f32 v45, v22;
	v29 =	vld [tilespmem:s16+$0x70];
	[tilespmem:s14+$0xFFFFFF60] =	vst v31  }
0x1bf: {  	v26 =	vmul.f32 v41, v1;
	v31 =	vsub.f32 v37, v44;
	v45 =	vsub.f32 v40, v44;
	v48 =	vld [tilespmem:s16+$0x30];
	[tilespmem:s14+$0xFFFFFFC0] =	vst v52;
	s14 =	smov.u32 s16  }
0x1c0: {  	v49 =	vmul.f32 v21, v18;
	v35 =	vsub.f32 v35, v44;
	v37 =	vsub.f32 v43, v44;
	[tilespmem:s16+$0x90] =	vst v47  }
0x1c1: {  	v21 =	vmovc v51;
	v41 =	vmul.f32 v31, v38;
	v31 =	vsub.f32 v36, v44;
	v33 =	vsub.f32 v33, v44  }
0x1c2: {  	v36 =	vmul.f32 v35, v38;
	v43 =	vmul.f32 v37, v38;
	v35 =	vsub.f32 v53, v20  }
.Ltmp2:
0x1c3: {  	v37 =	vld [tilespmem:s16+$0xFFFFFF20];
	v40 =	vmul.f32 v31, v38;
	v31 =	vmul.f32 v33, v38;
	v33 =	vsub.f32 v29, v42;
	(pc) =	sbr.rel @p1 .LBB2_7-.Ltmp2, $4  }
0x1c4: {  	v43 =	vmul.f32 v43, v0;
	v29 =	vmul.f32 v35, v18;
	v35 =	vsub.f32 v48, v42;
	v48 =	vld [tilespmem:s16+$0xD0]  }
0x1c5: {  	v51 =	vsub.f32 v34, v44;
	v53 =	vmul.f32 v54, v18;
	v54 =	vmul.f32 v33, v22;
	v34 =	vld [tilespmem:s16+$0xB0]  }
0x1c6: {  	v31 =	vmul.f32 v31, v6;
	v33 =	vmul.f32 v45, v38;
	v47 =	vadd.f32 v43, v8;
	v52 =	vld [tilespmem:s16+$0xFFFFFF90]  }
0x1c7: {  	s5 =	sadd.s32 $0x40, s5;
	v42 =	vsub.f32 v56, v42;
	v43 =	vmul.f32 v51, v38;
	s16 =	sadd.s32 $0x200, s16;
	v54 =	vmul.f32 v54, v7;
	v51 =	vld [tilespmem:s14+$0xA0]  }
0x1c8: {  	v45 =	vmul.f32 v53, v3;
	v27 =	vadd.f32 v27, v14  }
0x1c9: {  	v37 =	vsub.f32 v37, v44;
	v36 =	vmul.f32 v36, v3;
	[tilespmem:s14+$0xFFFFFF00] =	vst v47;
	v25 =	vadd.f32 v25, v12  }
0x1ca: {  	v50 =	vmul.f32 v50, v5;
	v40 =	vmul.f32 v40, v4;
	v57 =	vadd.f32 v54, v15;
	[tilespmem:s14+$0xE0] =	vst v27  }
0x1cb: {  	v59 =	vmul.f32 v49, v6;
	v35 =	vmul.f32 v35, v22;
	v45 =	vadd.f32 v45, v11;
	[tilespmem:s14+$0xC0] =	vst v25  }
0x1cc: {  	v30 =	vmul.f32 v30, v0;
	v19 =	vmul.f32 v19, v21;
	v36 =	vadd.f32 v36, v11;
	[tilespmem:s14+$0x70] =	vst v57  }
0x1cd: {  	v17 =	vmul.f32 v17, v18;
	v34 =	vsub.f32 v34, v23;
	v40 =	vadd.f32 v40, v12;
	[tilespmem:s14+$0xFFFFFFB0] =	vst v45  }
0x1ce: {  	v16 =	vmul.f32 v16, v21;
	v61 =	vadd.f32 v50, v13;
	v62 =	vadd.f32 v59, v14;
	[tilespmem:s14+$0xFFFFFF30] =	vst v36  }
0x1cf: {  	v35 =	vmul.f32 v35, v3;
	v27 =	vmul.f32 v28, v7;
	v20 =	vsub.f32 v52, v20;
	[tilespmem:s14+$0xFFFFFF40] =	vst v40  }
0x1d0: {  	v28 =	vadd.f32 v30, v8;
	v25 =	vmul.f32 v41, v1;
	v19 =	vmul.f32 v19, v0;
	[tilespmem:s14+$0xFFFFFFD0] =	vst v61  }
0x1d1: {  	v17 =	vmul.f32 v17, v2;
	[tilespmem:s14+$0xFFFFFFE0] =	vst v62;
	v35 =	vadd.f32 v35, v11;
	v20 =	vmul.f32 v20, v18  }
0x1d2: {  	v58 =	vsub.f32 v51, v23;
	v34 =	vmul.f32 v34, v21;
	[tilespmem:s14+$0xFFFFFF80] =	vst v28;
	v25 =	vadd.f32 v25, v9  }
0x1d3: {  	v23 =	vsub.f32 v48, v23;
	v19 =	vadd.f32 v19, v8;
	[tilespmem:s14+$0x30] =	vst v35;
	v20 =	vmul.f32 v20, v1  }
0x1d4: {  	v37 =	vmul.f32 v37, v38;
	v16 =	vmul.f32 v16, v7;
	v17 =	vadd.f32 v17, v10;
	[tilespmem:s14+$0xFFFFFF10] =	vst v25  }
0x1d5: {  	v34 =	vmul.f32 v34, v3;
	v23 =	vmul.f32 v23, v21;
	[tilespmem:s14+$0x80] =	vst v19;
	v20 =	vadd.f32 v20, v9  }
0x1d6: {  	v63 =	vmul.f32 v46, v22;
	v60 =	vmul.f32 v37, v2;
	v16 =	vadd.f32 v16, v15;
	[tilespmem:s14+$0xFFFFFFA0] =	vst v17  }
0x1d7: {  	v23 =	vmul.f32 v23, v5;
	[tilespmem:s14+$0xFFFFFF90] =	vst v20;
	v20 =	vadd.f32 v34, v11  }
0x1d8: {  	v40 =	vmul.f32 v63, v6;
	v36 =	vadd.f32 v60, v10;
	[tilespmem:s14+$0xF0] =	vst v16  }
0x1d9: {  	[tilespmem:s14+$0xB0] =	vst v20;
	v20 =	vadd.f32 v23, v13;
	v23 =	vmul.f32 v39, v5  }
0x1da: {  	v38 =	vmul.f32 v58, v21;
	v45 =	vadd.f32 v40, v14;
	[tilespmem:s14+$0xFFFFFF20] =	vst v36  }
0x1db: {  	v22 =	vmul.f32 v42, v22;
	v19 =	vmul.f32 v29, v4;
	[tilespmem:s14+$0xD0] =	vst v20;
	v20 =	vadd.f32 v23, v13  }
0x1dc: {  	v17 =	vadd.f32 v26, v9;
	v38 =	vmul.f32 v38, v2;
	[tilespmem:s14+$0x60] =	vst v45  }
0x1dd: {  	v16 =	vadd.f32 v19, v12;
	[tilespmem:s14+$0x50] =	vst v20;
	v20 =	vmul.f32 v22, v2  }
0x1de: {  	[tilespmem:s14+$0x10] =	vst v17;
	v44 =	vadd.f32 v38, v10  }
0x1df: {  	[tilespmem:s14+$0xFFFFFFC0] =	vst v16;
	v23 =	vmul.f32 v32, v4;
	v18 =	vadd.f32 v20, v10  }
0x1e0: {  	v24 =	vmul.f32 v24, v0;
	[tilespmem:s14+$0xA0] =	vst v44;
	v22 =	vadd.f32 v27, v15  }
0x1e1: {  	v23 =	vadd.f32 v23, v12;
	[tilespmem:s14+$0x20] =	vst v18;
	v18 =	vmul.f32 v33, v7  }
0x1e2: {  	[tilespmem:s14+$0xFFFFFFF0] =	vst v22;
	v20 =	vadd.f32 v24, v8;
	v22 =	vmul.f32 v43, v5  }
0x1e3: {  	[tilespmem:s14+$0x40] =	vst v23;
	v18 =	vadd.f32 v18, v15  }
0x1e4: {  	s5 =	sshll.u32 s1, $0xF;
	[tilespmem:s14+$0x0] =	vst v20;
	v20 =	vadd.f32 v22, v13  }
0x1e5: {  	s5 =	sadd.s32 s12, s5;
	[tilespmem:s14+$0xFFFFFF70] =	vst v18;
	v18 =	vadd.f32 v31, v14  }
0x1e6: {  	s5 =	sshrl.u32 s5, $0x3;
	[tilespmem:s14+$0xFFFFFF50] =	vst v20  }
0x1e7: {  	s5 =	sadd.s32 s4, s5;
	[tilespmem:s14+$0xFFFFFF60] =	vst v18  }
0x1e8: {  	[hbm4b:s5+s7] =	stream.linear.scatter [tilespmem:s21], [sflag:$0x5], $0x4000, $0x38;
	[tilespmem:$0x15F80] =	vst v63  }
0x1e9: {  	p1 =	seq.s32 s1, $0x18;
	_ =	swait.ge [sflag:s28], $0x4000  }
0x1ea: {  	s9 =	simm.s32 @!p1 $0x80;
	[sflag:s28] =	ssyncset.done $0x0  }
0x1eb: {  	s10 =	simm.s32 @!p1 $0x4B00;
	s5 =	sadd.s32 @!p1 $0x100, s3;
	[sflag:s28] =	ssyncadd.s32 $0xFFFFC000  }
0x1ec: {  	[tilespmem:s10], [sflag:$0x1] =	stream.indirect.gather @!p1 [hbm4b:s0+s9], $0x80, s5, s9, $0xb8;
	[tilespmem:$0x15F80] =	vst v63  }
0x1ed: {  	s3 =	sadd.s32 @!p1 $0x1A00, s3;
	s5 =	simm.s32 @!p1 $0xCB00  }
0x1ee: {  	[tilespmem:s5], [sflag:$0x3] =	stream.indirect.gather @!p1 [spmem:s6], $0x80, s3, s9, $0xb8;
	[tilespmem:$0x15F80] =	vst v63  }
0x1ef: {  	_ =	swait.ge [sflag:s29], $0x4000  }
0x1f0: {  	[sflag:s29] =	ssyncset.done $0x0  }
0x1f1: {  	[sflag:s29] =	ssyncadd.s32 $0xFFFFC000  }
0x1f2: {  	_ =	swait.ge [sflag:s30], $0x4000  }
0x1f3: {  	[sflag:s30] =	ssyncset.done $0x0  }
0x1f4: {  	s31 =	simm.s32 $0x0;
	[sflag:s30] =	ssyncadd.s32 $0xFFFFC000  }
0x1f5: {  	v16 =	vld [tilespmem:s31+$0x8C80]  }
0x1f6: {  	v17 =	vld [tilespmem:s31+$0x10C80]  }
0x1f7: {  	v18 =	vld [tilespmem:s31+$0x8C90]  }
0x1f8: {  	v19 =	vld [tilespmem:s31+$0x10C90]  }
0x1f9: {  	v20 =	vld [tilespmem:s31+$0x8CA0]  }
0x1fa: {  	v22 =	vld [tilespmem:s31+$0x10CA0]  }
0x1fb: {  	v23 =	vld [tilespmem:s31+$0x8CB0]  }
0x1fc: {  	v24 =	vld [tilespmem:s31+$0x10CB0]  }
0x1fd: {  	v25 =	vld [tilespmem:s31+$0x8CC0]  }
0x1fe: {  	v26 =	vld [tilespmem:s31+$0x10CC0]  }
0x1ff: {  	v28 =	vld [tilespmem:s31+$0x8CD0]  }
0x200: {  	v29 =	vld [tilespmem:s31+$0x10CD0]  }
0x201: {  	v30 =	vld [tilespmem:s31+$0x8CE0]  }
0x202: {  	v31 =	vld [tilespmem:s31+$0x10CE0]  }
0x203: {  	v46 =	vld [tilespmem:s31+$0x8CF0];
	v27 =	vadd.f32 v17, v16;
	v16 =	vadd.f32 v22, v20  }
0x204: {  	v47 =	vld [tilespmem:s31+$0x8B00]  }
0x205: {  	v21 =	vadd.f32 v19, v18;
	v18 =	vld [tilespmem:s31+$0x10CF0];
	[tilespmem:$0x1FFD0] =	vst v16  }
0x206: {  	v48 =	vld [tilespmem:s31+$0x10B00]  }
0x207: {  	v17 =	vadd.f32 v21, v27;
	v49 =	vld [tilespmem:s31+$0x8B10]  }
0x208: {  	v19 =	vadd.f32 v24, v23;
	v20 =	vmul.f32 v27, v27;
	v22 =	vmul.f32 v21, v21;
	v23 =	vld [tilespmem:s31+$0x10B10]  }
0x209: {  	v50 =	vld [tilespmem:s31+$0x8B80];
	v17 =	vadd.f32 v16, v17  }
0x20a: {  	v24 =	vmul.f32 v16, v16;
	v51 =	vld [tilespmem:s31+$0x8B90];
	v22 =	vadd.f32 v22, v20;
	v20 =	vadd.f32 v26, v25  }
0x20b: {  	v25 =	vld [tilespmem:s31+$0x10B80];
	v16 =	vadd.f32 v31, v30;
	v17 =	vadd.f32 v19, v17  }
0x20c: {  	v24 =	vadd.f32 v24, v22;
	v22 =	vadd.f32 v29, v28;
	v28 =	vld [tilespmem:s31+$0x10B90]  }
0x20d: {  	v29 =	vld [tilespmem:s31+$0x8C00];
	[tilespmem:$0x1FFE0] =	vst v16  }
0x20e: {  	v30 =	vld [tilespmem:s31+$0x10C00];
	v17 =	vadd.f32 v20, v17  }
0x20f: {  	v31 =	vld [tilespmem:s31+$0x8C10]  }
0x210: {  	v26 =	vmul.f32 v19, v19;
	v53 =	vld [tilespmem:s31+$0x10C10];
	v52 =	vadd.f32 v22, v17;
	v17 =	vadd.f32 v18, v46  }
0x211: {  	v54 =	vld [tilespmem:s31+$0x8B20]  }
0x212: {  	v55 =	vld [tilespmem:s31+$0x10B20];
	v24 =	vadd.f32 v26, v24;
	v26 =	vmul.f32 v20, v20;
	[tilespmem:$0x1FFF0] =	vst v17  }
0x213: {  	v41 =	vld [tilespmem:s31+$0x8BA0]  }
0x214: {  	v24 =	vadd.f32 v26, v24;
	v26 =	vmul.f32 v22, v22;
	v56 =	vld [tilespmem:s31+$0x10BA0]  }
0x215: {  	v35 =	vld [tilespmem:s31+$0x10B30]  }
0x216: {  	v38 =	vadd.f32 v16, v52;
	v24 =	vadd.f32 v26, v24;
	v26 =	vmul.f32 v16, v16;
	v43 =	vld [tilespmem:s31+$0x8BB0]  }
0x217: {  	v37 =	vadd.f32 v28, v51;
	v45 =	vld [tilespmem:s31+$0x10BB0]  }
0x218: {  	v28 =	vld [tilespmem:s31+$0x8C30];
	v38 =	vadd.f32 v17, v38;
	v24 =	vadd.f32 v26, v24;
	v26 =	vmul.f32 v17, v17  }
0x219: {  	v46 =	vld [tilespmem:s31+$0x10C30]  }
0x21a: {  	v29 =	vadd.f32 v30, v29;
	v30 =	vld [tilespmem:s31+$0x8B40];
	(xrf2) =	vadd.scan.msk.f32 $0xffff, v38;
	v24 =	vadd.f32 v26, v24  }
0x21b: {  	v23 =	vadd.f32 v23, v49;
	v49 =	vadd.f32 v53, v31;
	v31 =	vld [tilespmem:s31+$0x10B40]  }
0x21c: {  	v40 =	vld [tilespmem:s31+$0x8BC0];
	(xrf2) =	vadd.scan.msk.f32 $0xffff, v24  }
0x21d: {  	v33 =	vadd.f32 v48, v47;
	v52 =	vld [tilespmem:s31+$0x10BC0]  }
0x21e: {  	v26 =	vld [tilespmem:s31+$0x8C20]  }
0x21f: {  	v25 =	vadd.f32 v25, v50;
	v34 =	vmul.f32 v33, v33;
	v57 =	vmul.f32 v23, v23;
	v38 =	vld [tilespmem:s31+$0x10C20]  }
0x220: {  	v32 =	vadd.f32 v55, v54;
	v54 =	vld [tilespmem:s31+$0x8C40]  }
0x221: {  	v58 =	vadd.f32 v23, v33;
	v59 =	vmul.f32 v25, v25;
	v44 =	vadd.f32 v57, v34;
	v55 =	vld [tilespmem:s31+$0x10C40]  }
0x222: {  	v60 =	vmul.f32 v37, v37;
	v48 =	vadd.f32 v37, v25;
	v42 =	vld [tilespmem:s31+$0x8B50];
	v61 =	vmul.f32 v29, v29  }
0x223: {  	v63 =	vadd.f32 v49, v29;
	v57 =	vmul.f32 v49, v49;
	v36 =	vadd.f32 v32, v58;
	v24 =	vld [tilespmem:s31+$0x8B30]  }
0x224: {  	v53 =	vld [tilespmem:s31+$0x10B50];
	v58 =	vmul.f32 v32, v32;
	v39 =	vadd.f32 v60, v59;
	v26 =	vadd.f32 v38, v26;
	v62, _, _ =	vpop (xrf2)  }
0x225: {  	v18 =	vld [tilespmem:s31+$0x10C70];
	v47 =	vadd.f32 v57, v61;
	v41 =	vadd.f32 v56, v41;
	v34 =	vmul.f32 $7.812500000e-03, v62  }
0x226: {  	v57 =	vld [tilespmem:s31+$0x8C50];
	v38 =	vadd.f32 v58, v44;
	v50 =	vadd.f32 v26, v63;
	v63 =	vmul.f32 v26, v26;
	v59, _, _ =	vpop (xrf2)  }
0x227: {  	v44 =	vadd.f32 v41, v48;
	v48 =	vld [tilespmem:s31+$0x8B60];
	v60 =	vmul.f32 $7.812500000e-03, v59;
	v61 =	vmul.f32 v34, v34  }
0x228: {  	v43 =	vadd.f32 v45, v43;
	v56 =	vadd.f32 v35, v24;
	v24 =	vld [tilespmem:s31+$0x8BD0]  }
0x229: {  	v35 =	vadd.f32 v63, v47;
	v47 =	vld [tilespmem:s31+$0x10C50];
	v62 =	vmul.f32 v41, v41;
	v51 =	vsub.f32 v60, v61  }
0x22a: {  	s16 =	simm.s32 $0x200;
	v46 =	vadd.f32 v46, v28;
	v36 =	vadd.f32 v56, v36;
	v63 =	vld [tilespmem:s31+$0x8B70];
	v61 =	vmul.f32 v56, v56  }
0x22b: {  	v45 =	vmul.f32 v43, v43;
	[tilespmem:s31+$0x8BA0] =	vst v41;
	v41 =	vld [tilespmem:s16+$0x8CC0];
	v39 =	vadd.f32 v62, v39;
	v60 =	vadd.f32 $9.999999960e-13, v51  }
0x22c: {  	v62 =	vld [tilespmem:s31+$0x8C60];
	v38 =	vadd.f32 v61, v38;
	v61 =	vadd.f32 v31, v30  }
0x22d: {  	v40 =	vadd.f32 v52, v40;
	v39 =	vadd.f32 v45, v39;
	v45 =	vld [tilespmem:s31+$0x10BE0];
	v28 =	vbroadcast v60, $0xF  }
0x22e: {  	v44 =	vadd.f32 v43, v44;
	[tilespmem:s31+$0x8B30] =	vst v56;
	v56 =	vld [tilespmem:s16+$0x10CD0];
	v52 =	vadd.f32 v61, v36;
	v36 =	vmul.f32 v61, v61  }
0x22f: {  	v51 =	vld [tilespmem:s31+$0x10BD0];
	v58 =	vshra.s32 v28, $0x1;
	v59 =	vmul.f32 $5.000000000e-01, v28;
	v28 =	vmul.f32 v46, v46  }
0x230: {  	v50 =	vadd.f32 v46, v50;
	v30 =	vld [tilespmem:s31+$0x8BE0];
	v38 =	vadd.f32 v36, v38;
	v58 =	vsub.s32 $0x5F3759DF, v58  }
0x231: {  	v60 =	vld [tilespmem:s31+$0x10B60];
	v36 =	vadd.f32 v53, v42;
	v31 =	vmul.f32 v58, v59;
	v28 =	vadd.f32 v28, v35  }
0x232: {  	v42 =	vld [tilespmem:s31+$0x10B70];
	v35 =	vadd.f32 v40, v44;
	v44 =	vadd.f32 v55, v54;
	v55 =	vmul.f32 v40, v40  }
0x233: {  	v54 =	vld [tilespmem:s31+$0x10C60];
	v52 =	vadd.f32 v36, v52;
	v31 =	vmul.f32 v58, v31  }
0x234: {  	[tilespmem:s31+$0x8BC0] =	vst v40;
	v40 =	vld [tilespmem:s16+$0x10B00];
	v50 =	vadd.f32 v44, v50;
	v16 =	vmul.f32 v44, v44;
	v39 =	vadd.f32 v55, v39  }
0x235: {  	v55 =	vld [tilespmem:s31+$0x10BF0];
	v53 =	vsub.f32 $1.500000000e+00, v31;
	v31 =	vadd.f32 v51, v24;
	v51 =	vmul.f32 v36, v36  }
0x236: {  	[tilespmem:s31+$0x8C40] =	vst v44;
	v44 =	vld [tilespmem:s16+$0x8B00];
	v16 =	vadd.f32 v16, v28;
	v28 =	vadd.f32 v47, v57  }
0x237: {  	v24 =	vld [tilespmem:s31+$0x8BF0];
	v17 =	vadd.f32 v31, v35;
	v51 =	vadd.f32 v51, v38  }
0x238: {  	[tilespmem:s31+$0x8B00] =	vst v33;
	v57 =	vld [tilespmem:s31+$0x8C70];
	v47 =	vmul.f32 v31, v31;
	v38 =	vadd.f32 v60, v48;
	v33 =	vadd.f32 v28, v50  }
0x239: {  	v48 =	vmul.f32 v28, v28;
	v60 =	vld [tilespmem:s16+$0x8C80];
	v35 =	vadd.f32 v45, v30;
	v30 =	vadd.f32 v54, v62  }
0x23a: {  	[tilespmem:s31+$0x8B10] =	vst v23;
	v45 =	vld [tilespmem:s16+$0x10C80];
	v53 =	vmul.f32 v58, v53;
	v47 =	vadd.f32 v47, v39;
	v23 =	vadd.f32 v38, v52  }
0x23b: {  	[tilespmem:s31+$0x8B80] =	vst v25;
	v62 =	vld [tilespmem:s16+$0x10C90];
	v16 =	vadd.f32 v48, v16;
	v25 =	vmul.f32 v38, v38;
	v17 =	vadd.f32 v35, v17  }
0x23c: {  	[tilespmem:s31+$0x8B90] =	vst v37;
	v58 =	vld [tilespmem:s16+$0x8CB0];
	v50 =	vmul.f32 v35, v35;
	v39 =	vadd.f32 v42, v63;
	v54 =	vadd.f32 v30, v33  }
0x23d: {  	[tilespmem:s31+$0x8C00] =	vst v29;
	v48 =	vld [tilespmem:s16+$0x8C90];
	v29 =	vmul.f32 v30, v30;
	v37 =	vadd.f32 v55, v24;
	v33 =	vadd.f32 v18, v57  }
0x23e: {  	[tilespmem:s31+$0x8C80] =	vst v27;
	v42 =	vld [tilespmem:s16+$0x8CA0];
	v59 =	vmul.f32 v53, v59;
	v25 =	vadd.f32 v25, v51;
	v23 =	vadd.f32 v39, v23  }
0x23f: {  	[tilespmem:s31+$0x8B20] =	vst v32;
	v47 =	vadd.f32 v50, v47;
	v50 =	vld [tilespmem:s16+$0x10CA0];
	v18 =	vmul.f32 v39, v39;
	v17 =	vadd.f32 v37, v17  }
0x240: {  	[tilespmem:s31+$0x8C20] =	vst v26;
	v16 =	vadd.f32 v29, v16;
	v29 =	vld [tilespmem:s16+$0x10CB0];
	v26 =	vadd.f32 v33, v54;
	(xrf2) =	vadd.scan.msk.f32 $0xffff, v23  }
0x241: {  	v32 =	vmul.f32 v59, v53;
	v24 =	vadd.f32 v45, v60;
	v60 =	vld [tilespmem:s16+$0x10CE0];
	v18 =	vadd.f32 v18, v25;
	(xrf2) =	vadd.scan.msk.f32 $0xffff, v17  }
0x242: {  	[tilespmem:s31+$0x8BB0] =	vst v43;
	v23 =	vadd.f32 v62, v48;
	v62 =	vld [tilespmem:s16+$0x10CC0];
	(xrf2) =	vadd.scan.msk.f32 $0xffff, v26  }
0x243: {  	v40 =	vadd.f32 v40, v44;
	v63 =	vmul.f32 v37, v37;
	v43 =	vsub.f32 $1.500000000e+00, v32;
	(xrf2) =	vadd.scan.msk.f32 $0xffff, v18;
	v18 =	vld [tilespmem:s16+$0x8CE0]  }
0x244: {  	[tilespmem:s31+$0x8C90] =	vst v21;
	v54 =	vmul.f32 v24, v24;
	v25 =	vadd.f32 v50, v42;
	v42 =	vld [tilespmem:s16+$0x8CD0];
	v55 =	vmul.f32 v23, v23  }
0x245: {  	[tilespmem:s31+$0x8B40] =	vst v61;
	v61 =	vld [tilespmem:s16+$0x8CF0];
	v17 =	vadd.f32 v23, v24;
	v26 =	vadd.f32 v29, v58  }
0x246: {  	[tilespmem:s31+$0x8C10] =	vst v49;
	v57 =	vadd.f32 v63, v47;
	v47 =	vld [tilespmem:s16+$0x8B10];
	v58 =	vadd.f32 v55, v54;
	v59 =	vmul.f32 v25, v25  }
0x247: {  	[tilespmem:s31+$0x8C30] =	vst v46;
	v48 =	vld [tilespmem:s16+$0x10B10];
	v17 =	vadd.f32 v25, v17;
	v52 =	vmul.f32 v26, v26;
	v29 =	vadd.f32 v62, v41  }
0x248: {  	(xrf2) =	vadd.scan.msk.f32 $0xffff, v57;
	v62 =	vmul.f32 v33, v33;
	v63 =	vadd.f32 v59, v58;
	v27 =	vadd.f32 v60, v18;
	v60 =	vld [tilespmem:$0x1FFD0]  }
0x249: {  	v54 =	vld [tilespmem:s16+$0x10CF0];
	v17 =	vadd.f32 v26, v17;
	v32 =	vadd.f32 v56, v42;
	v56 =	vmul.f32 v29, v29;
	[tilespmem:s31+$0x8CB0] =	vst v19  }
0x24a: {  	v16 =	vadd.f32 v62, v16;
	[tilespmem:s31+$0x8CC0] =	vst v20;
	v55 =	vadd.f32 v52, v63  }
0x24b: {  	v44 =	vld [tilespmem:s16+$0x10C10];
	v21 =	vmul.f32 v43, v53;
	[tilespmem:s31+$0x8CD0] =	vst v22;
	v17 =	vadd.f32 v29, v17;
	v57, _, _ =	vpop (xrf2)  }
0x24c: {  	v43 =	vld [tilespmem:s16+$0x8B80];
	[tilespmem:s16+$0x8B00] =	vst v40;
	(xrf2) =	vadd.scan.msk.f32 $0xffff, v16;
	v16 =	vadd.f32 v56, v55;
	v59, _, _ =	vpop (xrf2);
	v55 =	vadd.f32 v48, v47  }
0x24d: {  	v46 =	vbroadcast v34, $0xF;
	v50 =	vld [tilespmem:s16+$0x10B80];
	v17 =	vadd.f32 v32, v17;
	v56, _, _ =	vpop (xrf2);
	[tilespmem:s31+$0x8CA0] =	vst v60  }
0x24e: {  	v20 =	vld [tilespmem:s16+$0x10B90];
	v58 =	vmul.f32 v32, v32;
	v34 =	vadd.f32 v54, v61;
	v18 =	vmul.f32 $7.812500000e-03, v57;
	v62, _, _ =	vpop (xrf2);
	[tilespmem:s16+$0x8B10] =	vst v55  }
0x24f: {  	v57 =	vmul.f32 v27, v27;
	v17 =	vadd.f32 v27, v17;
	v49 =	vmul.f32 $7.812500000e-03, v62;
	v62 =	vld [tilespmem:$0x1FFE0]  }
0x250: {  	v19 =	vmul.f32 $7.812500000e-03, v59;
	v63 =	vmul.f32 v34, v34;
	v42 =	vadd.f32 v58, v16;
	v58 =	vld [tilespmem:s16+$0x8B90]  }
0x251: {  	v61 =	vmul.f32 v18, v18;
	v16 =	vmul.f32 $7.812500000e-03, v56;
	v56 =	vld [tilespmem:s16+$0x8C00];
	v17 =	vadd.f32 v34, v17  }
0x252: {  	v22 =	vbroadcast v18, $0xF;
	v18 =	vld [tilespmem:s16+$0x8C10];
	v52 =	vmul.f32 v19, v19;
	v60, _, _ =	vpop (xrf2);
	v42 =	vadd.f32 v57, v42  }
0x253: {  	v43 =	vadd.f32 v50, v43;
	v50 =	vbroadcast v19, $0xF;
	v19 =	vmul.f32 $7.812500000e-03, v60;
	(xrf2) =	vadd.scan.msk.f32 $0xffff, v17;
	v17 =	vld [tilespmem:s16+$0x10C00]  }
0x254: {  	v59 =	vmul.f32 v40, v40;
	v41 =	vsub.f32 v49, v61;
	v42 =	vadd.f32 v63, v42;
	v63 =	vld [tilespmem:s16+$0x8B20];
	[tilespmem:s31+$0x8CE0] =	vst v62  }
0x255: {  	v40 =	vadd.f32 v55, v40;
	v61 =	vmul.f32 v55, v55;
	v19 =	vsub.f32 v19, v52;
	v53 =	vld [tilespmem:$0x1FFF0]  }
0x256: {  	v41 =	vadd.f32 $9.999999960e-13, v41;
	v20 =	vadd.f32 v20, v58;
	v58 =	vld [tilespmem:s16+$0x10B20];
	(xrf2) =	vadd.scan.msk.f32 $0xffff, v42  }
0x257: {  	v48 =	vmul.f32 v16, v16;
	v44 =	vadd.f32 v44, v18;
	v42 =	vadd.f32 v61, v59;
	v57, _, _ =	vpop (xrf2);
	[tilespmem:s16+$0x8B80] =	vst v43  }
0x258: {  	v60 =	vld [tilespmem:s16+$0x10BA0];
	v19 =	vadd.f32 $9.999999960e-13, v19;
	v41 =	vbroadcast v41, $0xF;
	[tilespmem:s31+$0x8B50] =	vst v36;
	v45 =	vmul.f32 $7.812500000e-03, v57  }
0x259: {  	v62 =	vld [tilespmem:s16+$0x10C20];
	v52 =	vadd.f32 v20, v43;
	v59 =	vmul.f32 v20, v20;
	[tilespmem:s31+$0x8B60] =	vst v38;
	v47 =	vadd.f32 v17, v56  }
0x25a: {  	s19 =	simm.s32 $0x14FA0;
	v18 =	vbroadcast v19, $0xF;
	v17 =	vmul.f32 v43, v43;
	v43 =	vld [tilespmem:s16+$0x8C20];
	v45 =	vsub.f32 v45, v48;
	[tilespmem:s31+$0x8CF0] =	vst v53  }
0x25b: {  	v57 =	vmul.f32 v44, v44;
	v63 =	vadd.f32 v58, v63;
	v61 =	vmul.f32 v47, v47;
	[tilespmem:s19+$0x10] =	vst v46;
	v46 =	vld [tilespmem:s16+$0x8BA0]  }
0x25c: {  	[tilespmem:s16+$0x8B90] =	vst v20;
	v20 =	vld [tilespmem:s16+$0x10B30];
	v48 =	vshra.s32 v41, $0x1;
	v49 =	vshra.s32 v18, $0x1;
	v19 =	vadd.f32 $9.999999960e-13, v45  }
0x25d: {  	s3 =	simm.s32 $0x157A0;
	[tilespmem:s16+$0x8C00] =	vst v47;
	v45 =	vadd.f32 v44, v47;
	v51 =	vmul.f32 v63, v63;
	v47 =	vadd.f32 v57, v61;
	v61 =	vld [tilespmem:s16+$0x10BB0]  }
0x25e: {  	v18 =	vmul.f32 $5.000000000e-01, v18;
	[tilespmem:s3+$0x10] =	vst v21;
	v21 =	vadd.f32 v59, v17;
	v17 =	vmul.f32 $5.000000000e-01, v41;
	v41 =	vld [tilespmem:s16+$0x8B30];
	v58, _, _ =	vpop (xrf2)  }
0x25f: {  	[tilespmem:s31+$0x8BD0] =	vst v31;
	v31 =	vadd.f32 v63, v40;
	v40 =	vadd.f32 v51, v42;
	v42 =	vld [tilespmem:s16+$0x8C30];
	v36 =	vmul.f32 $7.812500000e-03, v58  }
0x260: {  	[tilespmem:s31+$0x8B70] =	vst v39;
	v43 =	vadd.f32 v62, v43;
	v19 =	vbroadcast v19, $0xF;
	v58 =	vld [tilespmem:s16+$0x10C30];
	v59 =	vadd.f32 v60, v46;
	v60, _, _ =	vpop (xrf2)  }
0x261: {  	[tilespmem:s31+$0x8BE0] =	vst v35;
	v62 =	vmul.f32 v36, v36;
	v46 =	vld [tilespmem:s16+$0x8BB0];
	v53 =	vmul.f32 $7.812500000e-03, v60  }
0x262: {  	[tilespmem:s16+$0x8B20] =	vst v63;
	v35 =	vshra.s32 v19, $0x1;
	v45 =	vadd.f32 v43, v45;
	v63 =	vmul.f32 v59, v59  }
0x263: {  	v54 =	vld [tilespmem:s16+$0x8B40];
	[tilespmem:s16+$0x8C10] =	vst v44;
	v41 =	vadd.f32 v20, v41;
	v20 =	vsub.s32 $0x5F3759DF, v48;
	v57 =	vsub.f32 v53, v62  }
0x264: {  	v55 =	vld [tilespmem:s16+$0x10B40];
	[tilespmem:s31+$0x8BF0] =	vst v37;
	v38 =	vadd.f32 v59, v52;
	v52 =	vmul.f32 v20, v17;
	v51 =	vadd.f32 v63, v21  }
0x265: {  	v56 =	vld [tilespmem:s16+$0x8C40];
	[tilespmem:s16+$0x8BA0] =	vst v59;
	v59 =	vmul.f32 v43, v43;
	v63 =	vadd.f32 v58, v42;
	v21 =	vadd.f32 $9.999999960e-13, v57  }
0x266: {  	[tilespmem:s16+$0x8CC0] =	vst v29;
	v44 =	vld [tilespmem:s16+$0x8BC0];
	v31 =	vadd.f32 v41, v31;
	v29 =	vmul.f32 v20, v52;
	v60 =	vadd.f32 v61, v46  }
0x267: {  	[tilespmem:s31+$0x8C50] =	vst v28;
	v62 =	vld [tilespmem:s16+$0x10BC0];
	v39 =	vadd.f32 v59, v47;
	v45 =	vadd.f32 v63, v45;
	v57 =	vbroadcast v21, $0xF  }
0x268: {  	[tilespmem:s31+$0x8C60] =	vst v30;
	v59 =	vld [tilespmem:s16+$0x10C40];
	v61 =	vmul.f32 v41, v41;
	v29 =	vsub.f32 $1.500000000e+00, v29;
	v28 =	vadd.f32 v60, v38  }
0x269: {  	[tilespmem:s31+$0x8C70] =	vst v33;
	v48 =	vld [tilespmem:s16+$0x8B50];
	v58 =	vmul.f32 v60, v60;
	v30 =	vshra.s32 v57, $0x1;
	v47 =	vmul.f32 $5.000000000e-01, v57  }
0x26a: {  	v21 =	vsub.s32 $0x5F3759DF, v49;
	[tilespmem:s16+$0x8BB0] =	vst v60;
	v60 =	vadd.f32 v55, v54;
	v49 =	vld [tilespmem:s16+$0x10B50];
	v53 =	vsub.s32 $0x5F3759DF, v30  }
0x26b: {  	[tilespmem:s16+$0x8C30] =	vst v63;
	v40 =	vadd.f32 v61, v40;
	v61 =	vmul.f32 v63, v63;
	v63 =	vld [tilespmem:s16+$0x10BD0];
	v30 =	vmul.f32 v53, v47  }
0x26c: {  	[tilespmem:s16+$0x8C80] =	vst v24;
	v55 =	vadd.f32 v58, v51;
	v57 =	vadd.f32 v62, v44;
	v58 =	vld [tilespmem:s16+$0x8BD0];
	v62 =	vmul.f32 v60, v60  }
0x26d: {  	[tilespmem:s19+$0xFFFFFFF0] =	vst v50;
	v31 =	vadd.f32 v60, v31;
	v42 =	vadd.f32 v59, v56;
	v56 =	vld [tilespmem:s16+$0x8C50];
	v59 =	vmul.f32 v53, v30  }
0x26e: {  	[tilespmem:s19+$0xFFFFFFE0] =	vst v22;
	v19 =	vmul.f32 $5.000000000e-01, v19;
	v39 =	vadd.f32 v61, v39;
	v61 =	vld [tilespmem:s16+$0x10C50];
	v37 =	vadd.f32 v62, v40  }
0x26f: {  	v22 =	vld [tilespmem:s16+$0x8B60];
	[tilespmem:s16+$0x8B40] =	vst v60;
	v60 =	vmul.f32 v57, v57;
	v45 =	vadd.f32 v42, v45;
	v50 =	vsub.f32 $1.500000000e+00, v59  }
0x270: {  	v62 =	vmul.f32 v42, v42;
	[tilespmem:s16+$0x8C40] =	vst v42;
	v42 =	vld [tilespmem:s16+$0x8BE0];
	v30 =	vsub.s32 $0x5F3759DF, v35;
	v35 =	vadd.f32 v49, v48  }
0x271: {  	[tilespmem:s16+$0x8C90] =	vst v23;
	v28 =	vadd.f32 v57, v28;
	v48 =	vld [tilespmem:s16+$0x10B60];
	v49 =	vadd.f32 v60, v55;
	v50 =	vmul.f32 v53, v50  }
0x272: {  	[tilespmem:s16+$0x8CA0] =	vst v25;
	v24 =	vmul.f32 v21, v18;
	v33 =	vadd.f32 v63, v58;
	v58 =	vld [tilespmem:s16+$0x10BE0];
	v63 =	vadd.f32 v35, v31  }
0x273: {  	[tilespmem:s16+$0x8BC0] =	vst v57;
	v57 =	vmul.f32 v35, v35;
	v31 =	vadd.f32 v61, v56;
	v59 =	vld [tilespmem:s16+$0x8C60];
	v23 =	vmul.f32 v50, v47  }
0x274: {  	[tilespmem:s16+$0x8CB0] =	vst v26;
	v51 =	vadd.f32 v62, v39;
	v61 =	vld [tilespmem:s16+$0x10C60];
	v28 =	vadd.f32 v33, v28;
	v60 =	vmul.f32 v33, v33  }
0x275: {  	[tilespmem:s16+$0x8B30] =	vst v41;
	v44 =	vld [tilespmem:s16+$0x10B70];
	v38 =	vadd.f32 v57, v37;
	v41 =	vadd.f32 v31, v45;
	v25 =	vmul.f32 v23, v50  }
0x276: {  	[tilespmem:s16+$0x8CD0] =	vst v32;
	v40 =	vld [tilespmem:s16+$0x8B70];
	v62 =	vmul.f32 v31, v31;
	v39 =	vadd.f32 v60, v49;
	v23 =	vadd.f32 v48, v22  }
0x277: {  	[tilespmem:s16+$0x8C20] =	vst v43;
	v43 =	vld [tilespmem:s16+$0x8BF0];
	v37 =	vmul.f32 v30, v19;
	v22 =	vadd.f32 v58, v42;
	v26 =	vsub.f32 $1.500000000e+00, v25  }
0x278: {  	s17 =	simm.s32 $0x4;
	[tilespmem:s16+$0x8CE0] =	vst v27;
	v46 =	vld [tilespmem:s16+$0x10BF0];
	v42 =	vadd.f32 v62, v51;
	v45 =	vadd.f32 v23, v63;
	v63 =	vbroadcast v36, $0xF  }
0x279: {  	s13 =	simm.s32 $0x14FA0;
	s11 =	simm.s32 $0x157A0;
	s9 =	simm.s32 $0x14FE0;
	[tilespmem:s16+$0x8CF0] =	vst v34;
	v32 =	vld [tilespmem:s16+$0x10C70];
	v25 =	vmul.f32 v21, v24;
	v24 =	vadd.f32 v61, v59;
	v26 =	vmul.f32 v26, v50  }
0x27a: {  	s14 =	simm.s32 $0x0;
	s10 =	simm.s32 $0x157E0;
	s5 =	simm.s32 $0x1000;
	v27 =	vadd.f32 v22, v28;
	v28 =	vld [tilespmem:s16+$0x8C70];
	v36 =	vmul.f32 v23, v23;
	v34 =	vmul.f32 v22, v22;
	[tilespmem:s9+$0x10] =	vst v63  }
.LBB2_9:
0x27b: {  	s18 =	sshra.s32 s5, $0x2;
	v40 =	vadd.f32 v44, v40;
	v41 =	vadd.f32 v24, v41;
	v44 =	vmul.f32 v24, v24;
	[tilespmem:s10+$0x10] =	vst v26  }
0x27c: {  	v26 =	vld [tilespmem:s18+$0x8C80];
	[tilespmem:s16+$0x8B50] =	vst v35;
	v35 =	vadd.f32 v36, v38;
	v34 =	vadd.f32 v34, v39;
	v36 =	vmul.f32 v30, v37  }
0x27d: {  	v37 =	vld [tilespmem:s18+$0x10C80];
	[tilespmem:s16+$0x8B60] =	vst v23;
	v23 =	vadd.f32 v40, v45;
	v38 =	vmul.f32 v40, v40;
	v39 =	vadd.f32 v46, v43  }
0x27e: {  	v25 =	vsub.f32 $1.500000000e+00, v25;
	v20 =	vmul.f32 v20, v29;
	v43 =	vld [tilespmem:s18+$0x8C90];
	[tilespmem:s16+$0x8B70] =	vst v40;
	v40 =	vadd.f32 v44, v42  }
0x27f: {  	s17 =	sadd.s32 $0x4, s17;
	v29 =	vld [tilespmem:s18+$0x10C90];
	v27 =	vadd.f32 v39, v27;
	v42 =	vmul.f32 v39, v39;
	v28 =	vadd.f32 v32, v28;
	(xrf2) =	vadd.scan.msk.f32 $0xffff, v23  }
0x280: {  	p1 =	slt.u32 s17, $0x7C;
	v21 =	vmul.f32 v21, v25;
	v35 =	vadd.f32 v38, v35;
	v23 =	vsub.f32 $1.500000000e+00, v36;
	v32 =	vld [tilespmem:s18+$0x8CA0];
	[tilespmem:s16+$0x8BD0] =	vst v33  }
0x281: {  	v25 =	vld [tilespmem:s18+$0x10CA0];
	[tilespmem:s16+$0x8BE0] =	vst v22;
	v33 =	vadd.f32 v42, v34;
	v34 =	vadd.f32 v28, v41;
	v22 =	vmul.f32 v28, v28  }
0x282: {  	v17 =	vmul.f32 v20, v17;
	v30 =	vmul.f32 v30, v23;
	v36 =	vld [tilespmem:s18+$0x8CB0];
	[tilespmem:s16+$0x8BF0] =	vst v39;
	(xrf2) =	vadd.scan.msk.f32 $0xffff, v27  }
0x283: {  	v16 =	vbroadcast v16, $0xF;
	v18 =	vmul.f32 v21, v18;
	v27 =	vld [tilespmem:s18+$0x10CB0];
	[tilespmem:s16+$0x8C50] =	vst v31;
	v31 =	vadd.f32 v22, v40  }
0x284: {  	v23 =	vadd.f32 v37, v26;
	v19 =	vmul.f32 v30, v19;
	v22 =	vadd.f32 v29, v43;
	v26 =	vld [tilespmem:s18+$0x8CC0];
	[tilespmem:s16+$0x8C60] =	vst v24  }
0x285: {  	v17 =	vmul.f32 v17, v20;
	v18 =	vmul.f32 v18, v21;
	v29 =	vld [tilespmem:s18+$0x10CC0];
	(xrf2) =	vadd.scan.msk.f32 $0xffff, v34;
	[tilespmem:s13+$0x0] =	vst v16;
	s13 =	smov.u32 s9  }
0x286: {  	v19 =	vmul.f32 v19, v30;
	v16 =	vadd.f32 v22, v23;
	v24 =	vadd.f32 v25, v32;
	v32 =	vld [tilespmem:s18+$0x8CD0];
	[tilespmem:s16+$0x8C70] =	vst v28;
	s16 =	smov.u32 s18  }
0x287: {  	v17 =	vsub.f32 $1.500000000e+00, v17;
	v28 =	vmul.f32 v23, v23;
	v34 =	vmul.f32 v22, v22;
	v37 =	vld [tilespmem:s16+$0x10CD0]  }
0x288: {  	v16 =	vadd.f32 v24, v16;
	v25 =	vadd.f32 v27, v36;
	v36 =	vld [tilespmem:s16+$0x8CE0];
	(xrf2) =	vadd.scan.msk.f32 $0xffff, v35  }
0x289: {  	v18 =	vsub.f32 $1.500000000e+00, v18;
	v27 =	vadd.f32 v34, v28;
	v28 =	vmul.f32 v24, v24;
	v34 =	vld [tilespmem:s16+$0x10CE0];
	v35, _, _ =	vpop (xrf2)  }
0x28a: {  	v16 =	vadd.f32 v25, v16;
	v26 =	vadd.f32 v29, v26;
	v29 =	vld [tilespmem:s16+$0x8CF0];
	v35 =	vmul.f32 $7.812500000e-03, v35  }
0x28b: {  	v19 =	vsub.f32 $1.500000000e+00, v19;
	v28 =	vadd.f32 v28, v27;
	v38 =	vmul.f32 v25, v25;
	v39 =	vld [tilespmem:s16+$0x10CF0];
	(xrf2) =	vadd.scan.msk.f32 $0xffff, v33  }
0x28c: {  	v33 =	vld [tilespmem:s16+$0x8B00];
	v16 =	vadd.f32 v26, v16;
	v27 =	vadd.f32 v37, v32;
	v32 =	vmul.f32 v35, v35;
	v37, _, _ =	vpop (xrf2)  }
0x28d: {  	v43 =	vadd.f32 v38, v28;
	v41 =	vmul.f32 v26, v26;
	v40 =	vld [tilespmem:s16+$0x10B00];
	v37 =	vmul.f32 $7.812500000e-03, v37  }
0x28e: {  	v17 =	vmul.f32 v17, v20;
	v42 =	vld [tilespmem:s16+$0x8B10];
	v16 =	vadd.f32 v27, v16;
	v28 =	vadd.f32 v34, v36;
	(xrf2) =	vadd.scan.msk.f32 $0xffff, v31  }
0x28f: {  	v31 =	vadd.f32 v41, v43;
	v34 =	vmul.f32 v27, v27;
	v20 =	vld [tilespmem:s16+$0x10B10];
	v36 =	vmul.f32 v37, v37;
	v38, _, _ =	vpop (xrf2)  }
0x290: {  	v41 =	vld [tilespmem:s16+$0x8B80];
	v43 =	vadd.f32 v28, v16;
	v29 =	vadd.f32 v39, v29;
	v16 =	vmul.f32 $7.812500000e-03, v38;
	[tilespmem:s11+$0xFFFFFFE0] =	vst v17  }
0x291: {  	v18 =	vmul.f32 v18, v21;
	v31 =	vadd.f32 v34, v31;
	v34 =	vmul.f32 v28, v28;
	v17 =	vld [tilespmem:s16+$0x10B80]  }
0x292: {  	v21 =	vadd.f32 v40, v33;
	v33 =	vld [tilespmem:s16+$0x8B90];
	v38 =	vadd.f32 v29, v43;
	v39 =	vmul.f32 v16, v16;
	v40, _, _ =	vpop (xrf2)  }
0x293: {  	v31 =	vadd.f32 v34, v31;
	v34 =	vmul.f32 v29, v29;
	v43 =	vld [tilespmem:s16+$0x10B90];
	v40 =	vmul.f32 $7.812500000e-03, v40;
	[tilespmem:s11+$0xFFFFFFF0] =	vst v18  }
0x294: {  	v19 =	vmul.f32 v19, v30;
	v18 =	vmul.f32 v21, v21;
	v20 =	vadd.f32 v20, v42;
	v42 =	vld [tilespmem:s16+$0x8C00];
	(xrf2) =	vadd.scan.msk.f32 $0xffff, v38  }
0x295: {  	v31 =	vadd.f32 v34, v31;
	v34 =	vbroadcast v35, $0xF;
	[tilespmem:s16+$0x8B00] =	vst v21;
	v30 =	vld [tilespmem:s16+$0x10C00];
	v32 =	vsub.f32 v40, v32;
	v35, _, _ =	vpop (xrf2)  }
0x296: {  	v21 =	vadd.f32 v20, v21;
	v44 =	vmul.f32 v20, v20;
	v17 =	vadd.f32 v17, v41;
	v40 =	vld [tilespmem:s16+$0x8C10];
	[tilespmem:s11+$0x0] =	vst v19;
	s11 =	smov.u32 s10  }
0x297: {  	v35 =	vmul.f32 $7.812500000e-03, v35;
	v19 =	vld [tilespmem:s16+$0x10C10];
	(xrf2) =	vadd.scan.msk.f32 $0xffff, v31;
	v31 =	vadd.f32 $9.999999960e-13, v32;
	v32 =	vbroadcast v37, $0xF  }
0x298: {  	[tilespmem:s16+$0x8B10] =	vst v20;
	v20 =	vadd.f32 v44, v18;
	v18 =	vld [tilespmem:s16+$0x8B20];
	v37 =	vmul.f32 v17, v17;
	v33 =	vadd.f32 v43, v33;
	v38, _, _ =	vpop (xrf2)  }
0x299: {  	v41 =	vld [tilespmem:s16+$0x10B20];
	v31 =	vbroadcast v31, $0xF;
	[tilespmem:s9+$0xFFFFFFF0] =	vst v32;
	v32 =	vsub.f32 v35, v36;
	v35 =	vmul.f32 $7.812500000e-03, v38  }
0x29a: {  	v36 =	vadd.f32 v33, v17;
	v38 =	vmul.f32 v33, v33;
	v43 =	vld [tilespmem:s16+$0x8BA0];
	v30 =	vadd.f32 v30, v42;
	[tilespmem:s9+$0xFFFFFFE0] =	vst v34  }
0x29b: {  	[tilespmem:s16+$0x8B80] =	vst v17;
	v34 =	vld [tilespmem:s16+$0x10BA0];
	v42 =	vshra.s32 v31, $0x1;
	v32 =	vadd.f32 $9.999999960e-13, v32;
	v35 =	vsub.f32 v35, v39  }
0x29c: {  	[tilespmem:s16+$0x8B90] =	vst v33;
	v33 =	vadd.f32 v38, v37;
	v37 =	vmul.f32 v30, v30;
	v19 =	vadd.f32 v19, v40;
	v38 =	vld [tilespmem:s16+$0x8C20]  }
0x29d: {  	v17 =	vmul.f32 $5.000000000e-01, v31;
	[tilespmem:s16+$0x8C00] =	vst v30;
	v39 =	vld [tilespmem:s16+$0x10C20];
	v31 =	vbroadcast v32, $0xF;
	v32 =	vadd.f32 $9.999999960e-13, v35  }
0x29e: {  	v35 =	vadd.f32 v41, v18;
	v40 =	vld [tilespmem:s16+$0x8B30];
	[tilespmem:s16+$0x8C10] =	vst v19;
	v30 =	vadd.f32 v19, v30;
	v46 =	vmul.f32 v19, v19;
	v41, _, _ =	vpop (xrf2)  }
0x29f: {  	v44 =	vld [tilespmem:s16+$0x10B30];
	v45 =	vshra.s32 v31, $0x1;
	v18 =	vmul.f32 $5.000000000e-01, v31;
	v31 =	vbroadcast v32, $0xF  }
0x2a0: {  	v32 =	vmul.f32 $7.812500000e-03, v41;
	[tilespmem:s16+$0x8B20] =	vst v35;
	v21 =	vadd.f32 v35, v21;
	v34 =	vadd.f32 v34, v43;
	v43 =	vld [tilespmem:s16+$0x8BB0]  }
0x2a1: {  	v35 =	vmul.f32 v35, v35;
	v37 =	vadd.f32 v46, v37;
	v41 =	vld [tilespmem:s16+$0x10BB0];
	v19, _, _ =	vpop (xrf2);
	v46 =	vshra.s32 v31, $0x1  }
0x2a2: {  	v47 =	vmul.f32 v32, v32;
	[tilespmem:s16+$0x8BA0] =	vst v34;
	v38 =	vadd.f32 v39, v38;
	v39 =	vld [tilespmem:s16+$0x8C30];
	v19 =	vmul.f32 $7.812500000e-03, v19  }
0x2a3: {  	v35 =	vadd.f32 v35, v20;
	v36 =	vadd.f32 v34, v36;
	v20 =	vmul.f32 v34, v34;
	v34 =	vld [tilespmem:s16+$0x10C30]  }
0x2a4: {  	v48 =	vld [tilespmem:s16+$0x8B40];
	[tilespmem:s16+$0x8C20] =	vst v38;
	v30 =	vadd.f32 v38, v30;
	v38 =	vmul.f32 v38, v38;
	v47 =	vsub.f32 v19, v47  }
0x2a5: {  	v40 =	vadd.f32 v44, v40;
	v33 =	vadd.f32 v20, v33;
	v19 =	vmul.f32 $5.000000000e-01, v31;
	v44 =	vld [tilespmem:s16+$0x10B40]  }
0x2a6: {  	v20 =	vsub.s32 $0x5F3759DF, v42;
	v31 =	vadd.f32 v41, v43;
	v41 =	vld [tilespmem:s16+$0x8BC0];
	v43 =	vadd.f32 $9.999999960e-13, v47  }
0x2a7: {  	v42 =	vadd.f32 v40, v21;
	v21 =	vmul.f32 v40, v40;
	v37 =	vadd.f32 v38, v37;
	[tilespmem:s16+$0x8B30] =	vst v40;
	v40 =	vld [tilespmem:s16+$0x10BC0]  }
0x2a8: {  	[tilespmem:s16+$0x8BB0] =	vst v31;
	v36 =	vadd.f32 v31, v36;
	v34 =	vadd.f32 v34, v39;
	v38 =	vld [tilespmem:s16+$0x8C40];
	v39 =	vbroadcast v43, $0xF  }
0x2a9: {  	v35 =	vadd.f32 v21, v35;
	v31 =	vmul.f32 v31, v31;
	v21 =	vsub.s32 $0x5F3759DF, v45;
	v43 =	vld [tilespmem:s16+$0x10C40]  }
0x2aa: {  	v45 =	vld [tilespmem:s16+$0x8B50];
	[tilespmem:s16+$0x8C30] =	vst v34;
	v47 =	vadd.f32 v34, v30;
	v30 =	vshra.s32 v39, $0x1;
	v39 =	vmul.f32 $5.000000000e-01, v39  }
0x2ab: {  	v44 =	vadd.f32 v44, v48;
	v34 =	vmul.f32 v34, v34;
	v48 =	vld [tilespmem:s16+$0x10B50];
	v49 =	vsub.s32 $0x5F3759DF, v30  }
0x2ac: {  	v31 =	vadd.f32 v31, v33;
	v30 =	vadd.f32 v40, v41;
	v33 =	vld [tilespmem:s16+$0x8BD0];
	v40 =	vmul.f32 v49, v39  }
0x2ad: {  	v41 =	vadd.f32 v44, v42;
	v42 =	vmul.f32 v44, v44;
	v34 =	vadd.f32 v34, v37;
	[tilespmem:s16+$0x8B40] =	vst v44;
	v44 =	vld [tilespmem:s16+$0x10BD0]  }
0x2ae: {  	[tilespmem:s16+$0x8BC0] =	vst v30;
	v36 =	vadd.f32 v30, v36;
	v37 =	vadd.f32 v43, v38;
	v38 =	vld [tilespmem:s16+$0x8C50];
	v40 =	vmul.f32 v49, v40  }
0x2af: {  	v42 =	vadd.f32 v42, v35;
	v43 =	vmul.f32 v30, v30;
	v30 =	vsub.s32 $0x5F3759DF, v46;
	v50 =	vld [tilespmem:s16+$0x10C50]  }
0x2b0: {  	v46 =	vld [tilespmem:s16+$0x8B60];
	[tilespmem:s16+$0x8C40] =	vst v37;
	v47 =	vadd.f32 v37, v47;
	v37 =	vmul.f32 v37, v37;
	v40 =	vsub.f32 $1.500000000e+00, v40  }
0x2b1: {  	v35 =	vadd.f32 v48, v45;
	v43 =	vadd.f32 v43, v31;
	v48 =	vmul.f32 v20, v17;
	v45 =	vld [tilespmem:s16+$0x10B60]  }
0x2b2: {  	v33 =	vadd.f32 v44, v33;
	v51 =	vld [tilespmem:s16+$0x8BE0];
	v34 =	vadd.f32 v37, v34;
	v49 =	vmul.f32 v49, v40  }
0x2b3: {  	v54 =	vmul.f32 v21, v18;
	v52 =	vadd.f32 v35, v41;
	v37 =	vmul.f32 v35, v35;
	v53 =	vld [tilespmem:s16+$0x10BE0];
	[tilespmem:s16+$0x8C80] =	vst v23  }
0x2b4: {  	v36 =	vadd.f32 v33, v36;
	v31 =	vadd.f32 v50, v38;
	v50 =	vld [tilespmem:s16+$0x8C60];
	[tilespmem:s16+$0x8C90] =	vst v22;
	v22 =	vmul.f32 v49, v39  }
0x2b5: {  	v38 =	vadd.f32 v37, v42;
	v39 =	vmul.f32 v33, v33;
	v37 =	vmul.f32 v30, v19;
	v55 =	vld [tilespmem:s16+$0x10C60];
	[tilespmem:s16+$0x8CA0] =	vst v24  }
0x2b6: {  	v40 =	vld [tilespmem:s16+$0x8B70];
	v41 =	vadd.f32 v31, v47;
	v24 =	vmul.f32 v31, v31;
	[tilespmem:s16+$0x8CB0] =	vst v25;
	v25 =	vmul.f32 v22, v49  }
.Ltmp3:
0x2b7: {  	v23 =	vadd.f32 v45, v46;
	v39 =	vadd.f32 v39, v43;
	v47 =	vmul.f32 v20, v48;
	v44 =	vld [tilespmem:s16+$0x10B70];
	[tilespmem:s16+$0x8CC0] =	vst v26;
	(pc) =	sbr.rel @p1 .LBB2_9-.Ltmp3, $4  }
0x2b8: {  	v22 =	vadd.f32 v53, v51;
	v43 =	vld [tilespmem:s16+$0x8BF0];
	[tilespmem:s16+$0x8CD0] =	vst v27;
	v26 =	vsub.f32 $1.500000000e+00, v25;
	v25 =	vmul.f32 v21, v54  }
0x2b9: {  	v48 =	vbroadcast v32, $0xF;
	v45 =	vadd.f32 v23, v52;
	v42 =	vadd.f32 v24, v34;
	v46 =	vld [tilespmem:s16+$0x10BF0];
	[tilespmem:s16+$0x8CE0] =	vst v28  }
0x2ba: {  	s9 =	sadd.s32 $0x40, s9;
	v27 =	vadd.f32 v22, v36;
	v24 =	vadd.f32 v55, v50;
	v28 =	vld [tilespmem:s16+$0x8C70];
	[tilespmem:s16+$0x8CF0] =	vst v29;
	v26 =	vmul.f32 v26, v49  }
0x2bb: {  	s5 =	sadd.s32 $0x800, s5;
	s10 =	sadd.s32 $0x40, s10;
	v36 =	vmul.f32 v23, v23;
	v34 =	vmul.f32 v22, v22;
	v29 =	vsub.f32 $1.500000000e+00, v47;
	v32 =	vld [tilespmem:s16+$0x10C70];
	[tilespmem:s9+$0x10] =	vst v48  }
0x2bc: {  	_ =	sdelay $0x1  }
0x2bd: {  	v40 =	vadd.f32 v44, v40  }
0x2be: {  	v41 =	vadd.f32 v24, v41;
	v43 =	vadd.f32 v46, v43  }
0x2bf: {  	v54 =	vmul.f32 v24, v24;
	v45 =	vadd.f32 v40, v45;
	v28 =	vadd.f32 v32, v28  }
0x2c0: {  	v55 =	vadd.f32 v36, v38;
	v56 =	vmul.f32 v40, v40;
	v27 =	vadd.f32 v43, v27  }
0x2c1: {  	v34 =	vadd.f32 v34, v39;
	v57 =	vmul.f32 v43, v43;
	(xrf2) =	vadd.scan.msk.f32 $0xffff, v45;
	v58 =	vadd.f32 v28, v41  }
0x2c2: {  	v59 =	vadd.f32 v54, v42;
	v32 =	vadd.f32 v56, v55;
	v60 =	vmul.f32 v28, v28;
	(xrf2) =	vadd.scan.msk.f32 $0xffff, v27  }
0x2c3: {  	v27 =	vadd.f32 v57, v34;
	(xrf2) =	vadd.scan.msk.f32 $0xffff, v58  }
0x2c4: {  	v61 =	vadd.f32 v60, v59;
	(xrf2) =	vadd.scan.msk.f32 $0xffff, v32  }
0x2c5: {  	(xrf2) =	vadd.scan.msk.f32 $0xffff, v27  }
0x2c6: {  	(xrf2) =	vadd.scan.msk.f32 $0xffff, v61;
	_ =	sdelay $0x4  }
0x2c7: {  	v27, _, _ =	vpop (xrf2)  }
0x2c8: {  	v27 =	vmul.f32 $7.812500000e-03, v27;
	v62, _, _ =	vpop (xrf2)  }
0x2c9: {  	v63 =	vmul.f32 v30, v37;
	v32 =	vmul.f32 $7.812500000e-03, v62;
	v42, _, _ =	vpop (xrf2)  }
0x2ca: {  	v20 =	vmul.f32 v20, v29;
	v29 =	vmul.f32 v27, v27;
	v44, _, _ =	vpop (xrf2)  }
0x2cb: {  	v45 =	vmul.f32 v32, v32;
	v36 =	vmul.f32 $7.812500000e-03, v42;
	v46, _, _ =	vpop (xrf2)  }
0x2cc: {  	v37 =	vmul.f32 $7.812500000e-03, v44;
	v39 =	vmul.f32 $7.812500000e-03, v46;
	v47, _, _ =	vpop (xrf2)  }
0x2cd: {  	v25 =	vsub.f32 $1.500000000e+00, v25;
	v48 =	vmul.f32 v36, v36;
	v41 =	vmul.f32 $7.812500000e-03, v47  }
0x2ce: {  	v16 =	vbroadcast v16, $0xF;
	v29 =	vsub.f32 v37, v29;
	v49 =	vsub.f32 v39, v45  }
0x2cf: {  	v21 =	vmul.f32 v21, v25;
	v34 =	vsub.f32 $1.500000000e+00, v63;
	v25 =	vsub.f32 v41, v48  }
0x2d0: {  	v17 =	vmul.f32 v20, v17;
	v29 =	vadd.f32 $9.999999960e-13, v29;
	v50 =	vadd.f32 $9.999999960e-13, v49  }
0x2d1: {  	v18 =	vmul.f32 v21, v18;
	v30 =	vmul.f32 v30, v34;
	v25 =	vadd.f32 $9.999999960e-13, v25  }
0x2d2: {  	v29 =	vbroadcast v29, $0xF;
	v34 =	vbroadcast v50, $0xF  }
0x2d3: {  	v17 =	vmul.f32 v17, v20;
	v25 =	vbroadcast v25, $0xF  }
0x2d4: {  	v51 =	vshra.s32 v29, $0x1;
	v29 =	vmul.f32 $5.000000000e-01, v29;
	v52 =	vshra.s32 v34, $0x1  }
0x2d5: {  	[tilespmem:s10+$0x10] =	vst v26;
	v26 =	vmul.f32 $5.000000000e-01, v34;
	v37 =	vsub.s32 $0x5F3759DF, v51;
	v53 =	vshra.s32 v25, $0x1  }
0x2d6: {  	[tilespmem:s16+$0x8B50] =	vst v35;
	v25 =	vmul.f32 $5.000000000e-01, v25;
	v54 =	vsub.s32 $0x5F3759DF, v52;
	v55 =	vmul.f32 v37, v29  }
0x2d7: {  	[tilespmem:s16+$0x8B60] =	vst v23;
	v18 =	vmul.f32 v18, v21;
	v23 =	vsub.s32 $0x5F3759DF, v53;
	v56 =	vmul.f32 v54, v26  }
0x2d8: {  	[tilespmem:s16+$0x8BD0] =	vst v33;
	v57 =	vmul.f32 v23, v25;
	v38 =	vmul.f32 v37, v55  }
0x2d9: {  	[tilespmem:s16+$0x8BE0] =	vst v22;
	v19 =	vmul.f32 v30, v19;
	v58 =	vmul.f32 v54, v56  }
0x2da: {  	[tilespmem:s16+$0x8C50] =	vst v31;
	v17 =	vsub.f32 $1.500000000e+00, v17;
	v22 =	vsub.f32 $1.500000000e+00, v38;
	v59 =	vmul.f32 v23, v57  }
0x2db: {  	[tilespmem:s16+$0x8C60] =	vst v24;
	v18 =	vsub.f32 $1.500000000e+00, v18;
	v19 =	vmul.f32 v19, v30;
	v33 =	vsub.f32 $1.500000000e+00, v58  }
0x2dc: {  	[tilespmem:s16+$0x8B70] =	vst v40;
	v17 =	vmul.f32 v17, v20;
	v20 =	vmul.f32 v37, v22;
	v22 =	vsub.f32 $1.500000000e+00, v59  }
0x2dd: {  	[tilespmem:s13+$0x0] =	vst v16;
	v18 =	vmul.f32 v18, v21;
	v19 =	vsub.f32 $1.500000000e+00, v19;
	v21 =	vmul.f32 v54, v33  }
0x2de: {  	[tilespmem:s16+$0x8BF0] =	vst v43;
	v16 =	vmul.f32 v20, v29;
	v22 =	vmul.f32 v23, v22  }
0x2df: {  	[tilespmem:s16+$0x8C70] =	vst v28;
	v19 =	vmul.f32 v19, v30;
	v23 =	vmul.f32 v21, v26  }
0x2e0: {  	[tilespmem:s11+$0xFFFFFFE0] =	vst v17;
	v17 =	vmul.f32 v22, v25;
	v16 =	vmul.f32 v16, v20  }
0x2e1: {  	[tilespmem:s11+$0xFFFFFFF0] =	vst v18;
	v18 =	vbroadcast v32, $0xF;
	v23 =	vmul.f32 v23, v21  }
0x2e2: {  	v24 =	vbroadcast v27, $0xF;
	[tilespmem:s11+$0x0] =	vst v19;
	v17 =	vmul.f32 v17, v22;
	v16 =	vsub.f32 $1.500000000e+00, v16  }
0x2e3: {  	[tilespmem:s9+$0xFFFFFFF0] =	vst v18;
	v18 =	vbroadcast v36, $0xF;
	v19 =	vsub.f32 $1.500000000e+00, v23  }
0x2e4: {  	[tilespmem:s9+$0xFFFFFFE0] =	vst v24;
	v17 =	vsub.f32 $1.500000000e+00, v17;
	v16 =	vmul.f32 v16, v20  }
0x2e5: {  	[tilespmem:s9+$0x0] =	vst v18;
	v18 =	vmul.f32 v19, v21  }
0x2e6: {  	[tilespmem:s10+$0xFFFFFFE0] =	vst v16;
	v16 =	vmul.f32 v17, v22  }
0x2e7: {  	[tilespmem:s10+$0xFFFFFFF0] =	vst v18  }
0x2e8: {  	[tilespmem:s10+$0x0] =	vst v16  }
0x2e9: {  	s9 =	simm.s32 $0x8CF0;
	v23 =	vld [tilespmem:s19+$0x10]  }
0x2ea: {  	v26 =	vld [tilespmem:s9+$0xFFFFFE20]  }
0x2eb: {  	v29 =	vld [tilespmem:s9+$0xFFFFFE40]  }
0x2ec: {  	v31 =	vld [tilespmem:s9+$0xFFFFFE50]  }
0x2ed: {  	v60 =	vld [tilespmem:s9+$0xFFFFFE80]  }
0x2ee: {  	v20 =	vld [tilespmem:s19+$0xFFFFFFF0]  }
0x2ef: {  	v16 =	vld [tilespmem:s9+$0xFFFFFFF0]  }
0x2f0: {  	v24 =	vld [tilespmem:s9+$0xFFFFFE90]  }
0x2f1: {  	v17 =	vld [tilespmem:s9+$0x0]  }
0x2f2: {  	v61 =	vld [tilespmem:s9+$0xFFFFFEC0]  }
0x2f3: {  	v19 =	vld [tilespmem:s9+$0xFFFFFEB0]  }
0x2f4: {  	v22 =	vld [tilespmem:s9+$0xFFFFFFD0]  }
0x2f5: {  	v25 =	vld [tilespmem:s9+$0xFFFFFF90]  }
0x2f6: {  	v18 =	vld [tilespmem:s9+$0xFFFFFFA0]  }
0x2f7: {  	v27 =	vld [tilespmem:s9+$0xFFFFFF00]  }
0x2f8: {  	v42 =	vld [tilespmem:s19+$0x0]  }
0x2f9: {  	v21 =	vld [tilespmem:s3+$0x10]  }
0x2fa: {  	v28 =	vld [tilespmem:s9+$0xFFFFFF10]  }
0x2fb: {  	v30 =	vld [tilespmem:s9+$0xFFFFFF20]  }
0x2fc: {  	v49 =	vld [tilespmem:s9+$0xFFFFFF50];
	v46 =	vsub.f32 v18, v23  }
0x2fd: {  	v44 =	vld [tilespmem:s19+$0xFFFFFFE0];
	v47 =	vsub.f32 v16, v23;
	v48 =	vsub.f32 v22, v23  }
0x2fe: {  	v56 =	vld [tilespmem:s9+$0xFFFFFE70];
	v16 =	vsub.f32 v17, v23;
	v17 =	vsub.f32 v19, v20  }
0x2ff: {  	v38 =	vld [tilespmem:s3+$0xFFFFFFE0];
	v19 =	vsub.f32 v25, v23;
	v50 =	vsub.f32 v28, v42  }
0x300: {  	v62 =	vld [tilespmem:s9+$0xFFFFFEE0];
	v24 =	vsub.f32 v24, v20;
	v53 =	vsub.f32 v30, v42  }
0x301: {  	v51 =	vld [tilespmem:s9+$0xFFFFFF60];
	v54 =	vsub.f32 v27, v20;
	v34 =	vsub.f32 v61, v20  }
0x302: {  	v63 =	vld [tilespmem:s9+$0xFFFFFEF0];
	v33 =	vsub.f32 v60, v44;
	v31 =	vsub.f32 v31, v44  }
0x303: {  	v18 =	vld [tilespmem:s3+$0xFFFFFFF0];
	v61 =	vsub.f32 v56, v44;
	v36 =	vmul.f32 v46, v21;
	v25 =	vmul.f32 v48, v21  }
0x304: {  	v22 =	vld [tilespmem:s3+$0x0];
	v39 =	vsub.f32 v49, v42;
	v28 =	vmul.f32 v47, v21;
	v40 =	vmul.f32 v31, v38  }
0x305: {  	v58 =	vld [tilespmem:s9+$0xFFFFFF80];
	v57 =	vsub.f32 v62, v20;
	v31 =	vmul.f32 v61, v38;
	v33 =	vmul.f32 v33, v38  }
0x306: {  	v55 =	vld [tilespmem:s9+$0xFFFFFE10];
	v41 =	vsub.f32 v51, v42;
	v36 =	vmul.f32 v36, v1;
	v25 =	vmul.f32 v25, v4  }
0x307: {  	v52 =	vld [tilespmem:s9+$0xFFFFFF70];
	v35 =	vsub.f32 v63, v20;
	v27 =	vmul.f32 v28, v6;
	v31 =	vmul.f32 v31, v6  }
0x308: {  	v59 =	vsub.f32 v26, v44;
	v51 =	vld [tilespmem:s9+$0xFFFFFE60];
	v30 =	vmul.f32 v24, v18;
	v28 =	vmul.f32 v54, v18  }
0x309: {  	v29 =	vsub.f32 v29, v44;
	v48 =	vld [tilespmem:s9+$0xFFFFFED0];
	v24 =	vmul.f32 v50, v22;
	v43 =	vmul.f32 v53, v22  }
0x30a: {  	v45 =	vsub.f32 v58, v42;
	v32 =	vmul.f32 v39, v22;
	v50 =	vmul.f32 v57, v18  }
0x30b: {  	v60 =	vld [tilespmem:s9+$0xFFFFFF40];
	v39 =	vmul.f32 v41, v22;
	v47 =	vadd.f32 v36, v9;
	v36 =	vsub.f32 v55, v44  }
0x30c: {  	v46 =	vsub.f32 v52, v42;
	v49 =	vmul.f32 v35, v18;
	v41 =	vmul.f32 v59, v38;
	v54 =	vld [tilespmem:s9+$0xFFFFFF30]  }
0x30d: {  	v37 =	vld [tilespmem:s9+$0xFFFFFE30];
	v63 =	vsub.f32 v51, v44;
	v53 =	vmul.f32 v34, v18;
	v52 =	vmul.f32 v36, v38  }
0x30e: {  	v45 =	vmul.f32 v45, v22;
	v34 =	vld [tilespmem:s9+$0xFFFFFFC0];
	v36 =	vmul.f32 v29, v38;
	v29 =	vsub.f32 v48, v20  }
0x30f: {  	v51 =	vld [tilespmem:s9+$0xFFFFFFB0];
	v26 =	vmul.f32 v43, v1;
	v62 =	vmul.f32 v52, v0  }
0x310: {  	v35 =	vsub.f32 v60, v42;
	v43 =	vmul.f32 v63, v38;
	v29 =	vmul.f32 v29, v18;
	v52 =	vld [tilespmem:s9+$0xFFFFFEA0]  }
0x311: {  	s5 =	simm.s32 $0x8EF0;
	s10 =	simm.s32 $0x14FE0;
	[tilespmem:s9+$0xFFFFFFA0] =	vst v47;
	v48 =	vld [tilespmem:s9+$0xFFFFFFE0];
	v42 =	vsub.f32 v54, v42;
	v54 =	vmul.f32 v45, v7;
	v47 =	vadd.f32 v62, v8  }
.LBB2_11:
0x312: {  	v45 =	vld [tilespmem:s10+$0x10];
	s14 =	sadd.s32 $0x4, s14;
	v44 =	vsub.f32 v37, v44;
	v53 =	vmul.f32 v53, v3;
	v55 =	vmul.f32 v35, v22;
	s3 =	sadd.s32 $0x40, s3  }
0x313: {  	v56 =	vmul.f32 v36, v3;
	v46 =	vmul.f32 v46, v22;
	v37 =	vld [tilespmem:s5+$0xFFFFFE20];
	p1 =	slt.u32 s14, $0x7C;
	v54 =	vadd.f32 v54, v15  }
0x314: {  	v50 =	vmul.f32 v50, v5;
	v35 =	vld [tilespmem:s5+$0xFFFFFE40];
	v53 =	vadd.f32 v53, v11;
	v57 =	vsub.f32 v34, v23  }
0x315: {  	v58 =	vmul.f32 v40, v4;
	v56 =	vadd.f32 v56, v11;
	v36 =	vld [tilespmem:s5+$0xFFFFFE50];
	v20 =	vsub.f32 v52, v20;
	[tilespmem:s9+$0xFFFFFF80] =	vst v54  }
0x316: {  	v38 =	vmul.f32 v44, v38;
	v34 =	vld [tilespmem:s5+$0xFFFFFE60];
	[tilespmem:s9+$0xFFFFFEC0] =	vst v53;
	v44 =	vsub.f32 v51, v23;
	v51 =	vmul.f32 v57, v21  }
0x317: {  	v49 =	vmul.f32 v49, v6;
	v52 =	vadd.f32 v58, v12;
	v40 =	vld [tilespmem:s5+$0xFFFFFE80];
	[tilespmem:s9+$0xFFFFFE40] =	vst v56;
	v53 =	vmul.f32 v20, v18  }
0x318: {  	v50 =	vadd.f32 v50, v13;
	v54 =	vmul.f32 v39, v5;
	v38 =	vmul.f32 v38, v2;
	v20 =	vld [tilespmem:s10+$0xFFFFFFF0]  }
0x319: {  	v41 =	vmul.f32 v41, v1;
	v39 =	vadd.f32 v49, v14;
	v44 =	vmul.f32 v44, v21;
	v56 =	vld [tilespmem:s5+$0xFFFFFFF0];
	[tilespmem:s9+$0xFFFFFE50] =	vst v52  }
0x31a: {  	v38 =	vadd.f32 v38, v10;
	v52 =	vmul.f32 v53, v1;
	v49 =	vld [tilespmem:s5+$0xFFFFFE90];
	[tilespmem:s9+$0xFFFFFEE0] =	vst v50;
	v50 =	vmul.f32 v51, v3  }
0x31b: {  	v43 =	vmul.f32 v43, v5;
	v23 =	vsub.f32 v48, v23;
	v44 =	vmul.f32 v44, v2;
	v51 =	vld [tilespmem:s5+$0x0];
	[tilespmem:s9+$0xFFFFFEF0] =	vst v39  }
0x31c: {  	v46 =	vmul.f32 v46, v6;
	v48 =	vadd.f32 v54, v13;
	v39 =	vld [tilespmem:s5+$0xFFFFFEC0];
	[tilespmem:s9+$0xFFFFFE30] =	vst v38;
	v38 =	vadd.f32 v52, v9  }
0x31d: {  	v23 =	vmul.f32 v23, v21;
	v44 =	vadd.f32 v44, v10;
	v52 =	vld [tilespmem:s5+$0xFFFFFEB0];
	[tilespmem:s9+$0xFFFFFE10] =	vst v47;
	v47 =	vmul.f32 v55, v3  }
0x31e: {  	v32 =	vmul.f32 v32, v4;
	v53 =	vld [tilespmem:s5+$0xFFFFFEE0];
	[tilespmem:s9+$0xFFFFFEA0] =	vst v38;
	v38 =	vadd.f32 v46, v14;
	v46 =	vadd.f32 v50, v11  }
0x31f: {  	v22 =	vmul.f32 v42, v22;
	v23 =	vmul.f32 v23, v5;
	v50 =	vld [tilespmem:s5+$0xFFFFFEF0];
	v42 =	vadd.f32 v47, v11;
	[tilespmem:s9+$0xFFFFFFB0] =	vst v44  }
0x320: {  	v30 =	vmul.f32 v30, v0;
	v41 =	vadd.f32 v41, v9;
	v43 =	vadd.f32 v43, v13;
	v44 =	vld [tilespmem:s5+$0xFFFFFFD0];
	[tilespmem:s9+$0xFFFFFFC0] =	vst v46  }
0x321: {  	v32 =	vadd.f32 v32, v12;
	v22 =	vmul.f32 v22, v2;
	v23 =	vadd.f32 v23, v13;
	v46 =	vld [tilespmem:s5+$0xFFFFFF90];
	[tilespmem:s9+$0xFFFFFF70] =	vst v38  }
0x322: {  	v28 =	vmul.f32 v28, v7;
	v25 =	vadd.f32 v25, v12;
	v27 =	vadd.f32 v27, v14;
	v38 =	vld [tilespmem:s5+$0xFFFFFFA0];
	[tilespmem:s9+$0xFFFFFF40] =	vst v42  }
0x323: {  	v24 =	vmul.f32 v24, v0;
	v55 =	vadd.f32 v22, v10;
	v54 =	vsub.f32 v56, v45;
	v47 =	vld [tilespmem:s5+$0xFFFFFF00];
	[tilespmem:s9+$0xFFFFFFE0] =	vst v23  }
0x324: {  	v17 =	vmul.f32 v17, v18;
	v26 =	vadd.f32 v26, v9;
	v22 =	vsub.f32 v51, v45;
	v42 =	vld [tilespmem:s10+$0x0];
	[tilespmem:s9+$0xFFFFFFF0] =	vst v27  }
0x325: {  	v18 =	vadd.f32 v30, v8;
	v23 =	vadd.f32 v28, v15;
	v28 =	vmul.f32 v19, v21;
	v27 =	vld [tilespmem:s5+$0xFFFFFF10];
	[tilespmem:s9+$0xFFFFFFD0] =	vst v25  }
0x326: {  	v24 =	vadd.f32 v24, v8;
	v30 =	vmul.f32 v17, v2;
	v25 =	vsub.f32 v44, v45;
	v51 =	vld [tilespmem:s3+$0x10];
	[tilespmem:s9+$0xFFFFFF60] =	vst v48  }
0x327: {  	v33 =	vmul.f32 v33, v7;
	v17 =	vsub.f32 v52, v20;
	v44 =	vld [tilespmem:s5+$0xFFFFFF20];
	v38 =	vsub.f32 v38, v45;
	[tilespmem:s9+$0xFFFFFE90] =	vst v18  }
0x328: {  	v30 =	vadd.f32 v30, v10;
	v28 =	vmul.f32 v28, v0;
	v19 =	vsub.f32 v46, v45;
	v18 =	vld [tilespmem:s3+$0xFFFFFFF0];
	[tilespmem:s9+$0xFFFFFF50] =	vst v32  }
0x329: {  	v21 =	vmul.f32 v16, v21;
	v16 =	vmovc v22;
	v32 =	vadd.f32 v33, v15;
	v56 =	vld [tilespmem:s5+$0xFFFFFF30];
	[tilespmem:s9+$0xFFFFFF00] =	vst v23;
	v23 =	vmov v45  }
0x32a: {  	v28 =	vadd.f32 v28, v8;
	v22 =	vld [tilespmem:s3+$0x0];
	v33 =	vsub.f32 v27, v42;
	[tilespmem:s9+$0xFFFFFE20] =	vst v41;
	v27 =	vmul.f32 v29, v4  }
0x32b: {  	v31 =	vadd.f32 v31, v14;
	v29 =	vld [tilespmem:s5+$0xFFFFFF50];
	v38 =	vmul.f32 v38, v51;
	v25 =	vmul.f32 v25, v51;
	[tilespmem:s9+$0xFFFFFF30] =	vst v55  }
0x32c: {  	v21 =	vmul.f32 v21, v7;
	v46 =	vmul.f32 v54, v51;
	v41 =	vsub.f32 v44, v42;
	v45 =	vld [tilespmem:s5+$0xFFFFFF60];
	[tilespmem:s9+$0xFFFFFF10] =	vst v24  }
0x32d: {  	v24 =	vsub.f32 v49, v20;
	v52 =	vadd.f32 v27, v12;
	v48 =	vld [tilespmem:s5+$0xFFFFFF70];
	v49 =	vmul.f32 v38, v1;
	[tilespmem:s9+$0xFFFFFF90] =	vst v28  }
0x32e: {  	v21 =	vadd.f32 v21, v15;
	v28 =	vsub.f32 v47, v20;
	v25 =	vmul.f32 v25, v4;
	v38 =	vld [tilespmem:s3+$0xFFFFFFE0];
	[tilespmem:s9+$0xFFFFFEB0] =	vst v30  }
0x32f: {  	v27 =	vmul.f32 v46, v6;
	v30 =	vmul.f32 v24, v18;
	v44 =	vld [tilespmem:s10+$0xFFFFFFE0];
	v47 =	vadd.f32 v49, v9;
	[tilespmem:s9+$0xFFFFFE60] =	vst v43  }
0x330: {  	v28 =	vmul.f32 v28, v18;
	v24 =	vmul.f32 v33, v22;
	v43 =	vld [tilespmem:s5+$0xFFFFFE10];
	v29 =	vsub.f32 v29, v42;
	[tilespmem:s9+$0xFFFFFE80] =	vst v32  }
0x331: {  	v49 =	vsub.f32 v53, v20;
	v41 =	vmul.f32 v41, v22;
	v33 =	vld [tilespmem:s5+$0xFFFFFE70];
	v45 =	vsub.f32 v45, v42;
	[tilespmem:s9+$0x0] =	vst v21  }
0x332: {  	v21 =	vsub.f32 v50, v20;
	v53 =	vld [tilespmem:s5+$0xFFFFFED0];
	v32 =	vmul.f32 v29, v22;
	v46 =	vsub.f32 v48, v42;
	[tilespmem:s9+$0xFFFFFF20] =	vst v26  }
0x333: {  	v54 =	vsub.f32 v39, v20;
	v50 =	vmul.f32 v49, v18;
	v39 =	vmul.f32 v45, v22;
	v29 =	vld [tilespmem:s5+$0xFFFFFF80];
	[tilespmem:s9+$0xFFFFFE70] =	vst v31  }
0x334: {  	v26 =	vmul.f32 v41, v1;
	v31 =	vsub.f32 v37, v44;
	v45 =	vsub.f32 v40, v44;
	v48 =	vld [tilespmem:s5+$0xFFFFFF40];
	[tilespmem:s9+$0xFFFFFED0] =	vst v52;
	s9 =	smov.u32 s5  }
0x335: {  	v49 =	vmul.f32 v21, v18;
	v35 =	vsub.f32 v35, v44;
	v37 =	vsub.f32 v43, v44;
	[tilespmem:s5+$0xFFFFFFA0] =	vst v47  }
0x336: {  	v21 =	vmovc v51;
	v41 =	vmul.f32 v31, v38;
	v31 =	vsub.f32 v36, v44;
	v33 =	vsub.f32 v33, v44  }
0x337: {  	v36 =	vmul.f32 v35, v38;
	v43 =	vmul.f32 v37, v38;
	v35 =	vsub.f32 v53, v20  }
.Ltmp4:
0x338: {  	v37 =	vld [tilespmem:s5+$0xFFFFFE30];
	v40 =	vmul.f32 v31, v38;
	v31 =	vmul.f32 v33, v38;
	v33 =	vsub.f32 v29, v42;
	(pc) =	sbr.rel @p1 .LBB2_11-.Ltmp4, $4  }
0x339: {  	v43 =	vmul.f32 v43, v0;
	v29 =	vmul.f32 v35, v18;
	v35 =	vsub.f32 v48, v42;
	v48 =	vld [tilespmem:s5+$0xFFFFFFE0]  }
0x33a: {  	v51 =	vsub.f32 v34, v44;
	v53 =	vmul.f32 v54, v18;
	v54 =	vmul.f32 v33, v22;
	v34 =	vld [tilespmem:s5+$0xFFFFFFC0]  }
0x33b: {  	v31 =	vmul.f32 v31, v6;
	v33 =	vmul.f32 v45, v38;
	v47 =	vadd.f32 v43, v8;
	v52 =	vld [tilespmem:s5+$0xFFFFFEA0]  }
0x33c: {  	s10 =	sadd.s32 $0x40, s10;
	v42 =	vsub.f32 v56, v42;
	v43 =	vmul.f32 v51, v38;
	s5 =	sadd.s32 $0x200, s5;
	v54 =	vmul.f32 v54, v7;
	v51 =	vld [tilespmem:s9+$0xFFFFFFB0]  }
0x33d: {  	v27 =	vadd.f32 v27, v14  }
0x33e: {  	v45 =	vmul.f32 v53, v3;
	[tilespmem:s9+$0xFFFFFE10] =	vst v47;
	v25 =	vadd.f32 v25, v12  }
0x33f: {  	v36 =	vmul.f32 v36, v3;
	v56 =	vadd.f32 v54, v15;
	[tilespmem:s9+$0xFFFFFFF0] =	vst v27  }
0x340: {  	v40 =	vmul.f32 v40, v4;
	v45 =	vadd.f32 v45, v11;
	[tilespmem:s9+$0xFFFFFFD0] =	vst v25  }
0x341: {  	v50 =	vmul.f32 v50, v5;
	v36 =	vadd.f32 v36, v11;
	[tilespmem:s9+$0xFFFFFF80] =	vst v56  }
0x342: {  	v58 =	vmul.f32 v49, v6;
	v40 =	vadd.f32 v40, v12;
	[tilespmem:s9+$0xFFFFFEC0] =	vst v45  }
0x343: {  	v37 =	vsub.f32 v37, v44;
	v30 =	vmul.f32 v30, v0;
	v60 =	vadd.f32 v50, v13;
	[tilespmem:s9+$0xFFFFFE40] =	vst v36  }
0x344: {  	v35 =	vmul.f32 v35, v22;
	v24 =	vmul.f32 v24, v0;
	v61 =	vadd.f32 v58, v14;
	[tilespmem:s9+$0xFFFFFE50] =	vst v40  }
0x345: {  	v63 =	vsub.f32 v48, v23;
	v48 =	vmul.f32 v39, v5;
	v53 =	vadd.f32 v30, v8;
	[tilespmem:s9+$0xFFFFFEE0] =	vst v60  }
0x346: {  	v19 =	vmul.f32 v19, v21;
	v54 =	vmul.f32 v41, v1;
	v58 =	vadd.f32 v24, v8;
	[tilespmem:s9+$0xFFFFFEF0] =	vst v61  }
0x347: {  	v17 =	vmul.f32 v17, v18;
	v35 =	vmul.f32 v35, v3;
	v49 =	vadd.f32 v48, v13;
	[tilespmem:s9+$0xFFFFFE90] =	vst v53  }
0x348: {  	v16 =	vmul.f32 v16, v21;
	v19 =	vmul.f32 v19, v0;
	v25 =	vadd.f32 v54, v9;
	[tilespmem:s9+$0xFFFFFF10] =	vst v58  }
0x349: {  	v62 =	vmul.f32 v46, v22;
	v17 =	vmul.f32 v17, v2;
	v35 =	vadd.f32 v35, v11;
	[tilespmem:s9+$0xFFFFFF60] =	vst v49  }
0x34a: {  	v34 =	vsub.f32 v34, v23;
	v16 =	vmul.f32 v16, v7;
	v19 =	vadd.f32 v19, v8;
	[tilespmem:s9+$0xFFFFFE20] =	vst v25  }
0x34b: {  	v37 =	vmul.f32 v37, v38;
	v20 =	vsub.f32 v52, v20;
	v17 =	vadd.f32 v17, v10;
	[tilespmem:s9+$0xFFFFFF40] =	vst v35  }
0x34c: {  	v52 =	vmul.f32 v28, v7;
	v57 =	vsub.f32 v51, v23;
	v16 =	vadd.f32 v16, v15;
	[tilespmem:s9+$0xFFFFFF90] =	vst v19  }
0x34d: {  	v59 =	vmul.f32 v37, v2;
	v23 =	vmul.f32 v63, v21;
	v63 =	vadd.f32 v31, v14;
	[tilespmem:s9+$0xFFFFFEB0] =	vst v17  }
0x34e: {  	v40 =	vmul.f32 v62, v6;
	v56 =	vadd.f32 v52, v15;
	[tilespmem:s9+$0x0] =	vst v16  }
0x34f: {  	v60 =	vmul.f32 v33, v7;
	v36 =	vadd.f32 v59, v10;
	[tilespmem:s9+$0xFFFFFE70] =	vst v63  }
0x350: {  	v34 =	vmul.f32 v34, v21;
	v46 =	vadd.f32 v40, v14;
	[tilespmem:s9+$0xFFFFFF00] =	vst v56  }
0x351: {  	v62 =	vmul.f32 v29, v4;
	v20 =	vmul.f32 v20, v18;
	v18 =	vadd.f32 v60, v15;
	[tilespmem:s9+$0xFFFFFE30] =	vst v36  }
0x352: {  	v34 =	vmul.f32 v34, v3;
	v17 =	vadd.f32 v26, v9;
	[tilespmem:s9+$0xFFFFFF70] =	vst v46  }
0x353: {  	v51 =	vmul.f32 v42, v22;
	v23 =	vmul.f32 v23, v5;
	v16 =	vadd.f32 v62, v12;
	[tilespmem:s9+$0xFFFFFE80] =	vst v18  }
0x354: {  	v50 =	vmul.f32 v32, v4;
	v45 =	vadd.f32 v34, v11;
	[tilespmem:s9+$0xFFFFFF20] =	vst v17  }
0x355: {  	v55 =	vmul.f32 v51, v2;
	v47 =	vadd.f32 v23, v13;
	[tilespmem:s9+$0xFFFFFED0] =	vst v16  }
0x356: {  	v38 =	vmul.f32 v57, v21;
	v59 =	vmul.f32 v43, v5;
	v23 =	vadd.f32 v50, v12;
	[tilespmem:s9+$0xFFFFFFC0] =	vst v45  }
0x357: {  	s1 =	sadd.s32 $0x1, s1;
	v20 =	vmul.f32 v20, v1;
	v57 =	vadd.f32 v55, v10;
	[tilespmem:s9+$0xFFFFFFE0] =	vst v47  }
0x358: {  	p1 =	sne.s32 s1, $0x19;
	v38 =	vmul.f32 v38, v2;
	v61 =	vadd.f32 v59, v13;
	[tilespmem:s9+$0xFFFFFF50] =	vst v23  }
.Ltmp5:
0x359: {  	v20 =	vadd.f32 v20, v9;
	[tilespmem:s9+$0xFFFFFF30] =	vst v57;
	(pc) =	sbr.rel @p1 .LBB2_4-.Ltmp5, $4  }
0x35a: {  	s2 =	sadd.s32 s8, s2;
	v44 =	vadd.f32 v38, v10;
	[tilespmem:s9+$0xFFFFFE60] =	vst v61  }
0x35b: {  	s2 =	sshll.u32 s2, $0x4;
	[tilespmem:s9+$0xFFFFFEA0] =	vst v20  }
0x35c: {  	s2 =	sadd.s32 s4, s2;
	[tilespmem:s9+$0xFFFFFFB0] =	vst v44  }
0x35d: {  	[hbm4b:s2+s7] =	stream.linear.scatter [tilespmem:s23], [sflag:$0x6], $0x4000, $0x38;
	[tilespmem:$0x15F80] =	vst v63  }
0x35e: {  	s2 =	simm.s32 $0x6  }
0x35f: {  	_ =	swait.ge [sflag:s2], $0x4000  }
0x360: {  	s3 =	rddreg [dreg:$0xf]  }
0x361: {  	s1 =	rddreg [dreg:$0xd];
	s3 =	sadd.s32 $0x1, s3  }
0x362: {  	p1 =	sne.s32 s3, s1  }
.Ltmp6:
0x363: {  	_ = 	snop;
	(pc) =	sbr.rel @p1 .LBB2_1-.Ltmp6, $3  }
0x364: {  	_ =	sdelay $0x1  }
0x365: {  	[sflag:s2] =	ssyncset.done $0x0  }
0x366: {  	s9 =	simm.s32 $0x1900;
	[sflag:s2] =	ssyncadd.s32 $0xFFFFC000  }
0x367: {  	_ =	sfence.sel $0x180000  }
0x368: {  	[bflag:$0x0] =	sbarrier.arrive $0xFFFF  }
0x369: {  	_ =	strace $0x90000047  }
0x36a: {  	[bflag:$0x2] =	sbarrier.arrive $0xFFFF  }
0x36b: {  	s0 =	rddreg [dreg:$0x9]  }
0x36c: {  	s0 =	sadd.s32 @!p0 $0x100000, s0  }
0x36d: {  	[sflag:s0] =	ssyncadd.tile.s32 @!p0 $0x1;
	_ =	shalt  }
.Lfunc_end2:
_tile_overlayer_lowered:
.L_overlay_start_2:
0x36e: {  	(tag) =	ssettag $0x2  }
0x36f: {  	s0 =	rddreg [dreg:$0x0];
	s2 =	stileid.u32  }
0x370: {  	s1 =	rddreg [dreg:$0x1];
	p0 =	sne.s32 s2, $0x0  }
0x371: {  	s3 =	rddreg [dreg:$0x2];
	[bflag:$0x3] =	sbarrier.arrive $0xFFFF;
	s2 =	simm.s32 @!p0 $0x1C07  }
0x372: {  	[timem:s3], [sflag:s2] =	dma.local @!p0 [hbm:s0], s1  }
0x373: {  	s0 =	simm.s32 @!p0 $0x7  }
0x374: {  	_ =	swait.ge @!p0 [sflag:s0], s1  }
0x375: {  	s1 =	ssub.s32 @!p0 $0x0, s1;
	[sflag:s0] =	ssyncset.done @!p0 $0x0  }
0x376: {  	[sflag:s0] =	ssyncadd.s32 @!p0 s1  }
0x377: {  	[bflag:$0x3] =	sbarrier.arrive $0xFFFF  }
0x378: {  	_ =	shalt  }

</sc_bundles>
